<compile_context>
chip_gen: v7x
topology: tpu7x:2x2x1
jax: 0.10.2.dev20260603
libtpu: 0.0.44.dev20260713+nightly
codegen_flags: <defaults>
</compile_context>

<pallas_src>
import functools

import jax
import jax.numpy as jnp
from jax import lax
from jax.experimental import pallas as pl
from jax.experimental.pallas import tpu as pltpu
from jax.experimental.pallas import tpu_sc as plsc

NC = 2
NS = 16
NW = NC * NS
CH = 128


def _mesh():
    return plsc.VectorSubcoreMesh(core_axis_name="c", subcore_axis_name="s")


def _rsqrt_nr(x):
    i = plsc.bitcast(x, jnp.int32)
    i = jnp.int32(0x5F3759DF) - lax.shift_right_arithmetic(i, 1)
    y = plsc.bitcast(i, jnp.float32)
    for _ in range(3):
        y = y * (1.5 - 0.5 * x * y * y)
    return y


def _make_dinv(npad, nblk, chunk):
    ew = 2 * nblk * chunk

    nrow = npad // 16

    @functools.partial(
        pl.kernel,
        mesh=_mesh(),
        out_type=jax.ShapeDtypeStruct((nrow, 16), jnp.float32),
        scratch_types=[
            pltpu.VMEM_SHARED((nrow, 16), jnp.float32),
            pltpu.VMEM((nrow, 16), jnp.float32),
            pltpu.VMEM((nrow,), jnp.int32),
            pltpu.VMEM((2 * nblk, chunk), jnp.int32),
            pltpu.VMEM((nrow // NS, 16), jnp.float32),
        ],
        compiler_params=pltpu.CompilerParams(
            use_tc_tiling_on_sc=False, needs_layout_passes=False),
    )
    def dinv_kernel(dst_hbm, out_hbm, acc_sh, deg_v, iota_v, didx, red_v):
        c = lax.axis_index("c")
        s = lax.axis_index("s")
        rstripe = nrow // NS
        rsl = pl.ds(s * rstripe, rstripe)
        base16 = lax.iota(jnp.int32, 16)
        per_row = chunk // 16

        def zero(i, carry):
            deg_v[i, pl.ds(0, 16)] = jnp.zeros((16,), jnp.float32)
            return carry

        lax.fori_loop(0, nrow, zero, 0)

        def fill_iota(j, carry):
            iota_v[pl.ds(j * 16, 16)] = base16 + j * 16
            return carry

        lax.fori_loop(0, nrow // 16, fill_iota, 0)
        pltpu.sync_copy(deg_v.at[rsl], acc_sh.at[rsl])
        pltpu.sync_copy(dst_hbm.at[2 * s], didx.at[pl.ds(0, nblk)])
        pltpu.sync_copy(dst_hbm.at[2 * s + 1], didx.at[pl.ds(nblk, nblk)])
        ones = jnp.ones((16,), jnp.float32)
        plsc.subcore_barrier()

        def body(i, carry):
            r = i // per_row
            k = (i % per_row) * 16
            idx = didx[r, pl.ds(k, 16)]
            plsc.addupdate_scatter(
                deg_v,
                [lax.shift_right_logical(idx, 4),
                 lax.bitwise_and(idx, jnp.int32(15))],
                ones)
            return carry

        lax.fori_loop(0, ew // 16, body, 0)
        pltpu.sync_copy(deg_v, acc_sh.at[iota_v], add=True)
        plsc.subcore_barrier()
        pltpu.sync_copy(acc_sh.at[rsl], red_v)

        def red(i, carry):
            red_v[i, pl.ds(0, 16)] = _rsqrt_nr(red_v[i, pl.ds(0, 16)] + 1.0)
            return carry

        lax.fori_loop(0, rstripe, red, 0)
        half = rstripe // 2
        hsl = pl.ds(c * half, half)
        osl = pl.ds(s * rstripe + c * half, half)
        pltpu.sync_copy(red_v.at[hsl], out_hbm.at[osl])

    return dinv_kernel


def _make_prop(npad, nch, f, nbuf, kblk, stage):
    assert nch % (nbuf * kblk) == 0
    ngrp = nch // (nbuf * kblk)

    @functools.partial(
        pl.kernel,
        mesh=_mesh(),
        out_type=jax.ShapeDtypeStruct((NC, npad, f), jnp.float32),
        scratch_types=[
            pltpu.VMEM_SHARED((npad, f), jnp.float32),
            pltpu.VMEM_SHARED((npad if stage else 8, f), jnp.float32),
            pltpu.VMEM((nch // kblk, kblk * CH), jnp.int32),
            pltpu.VMEM((nch // kblk, kblk * CH), jnp.int32),
            pltpu.VMEM((nbuf, kblk * CH, f), jnp.float32),
            pltpu.VMEM((npad // NS, f), jnp.float32),
            [pltpu.SemaphoreType.DMA] * nbuf,
            [pltpu.SemaphoreType.DMA] * nbuf,
        ],
        compiler_params=pltpu.CompilerParams(use_tc_tiling_on_sc=False),
    )
    def prop_kernel(h_hbm, src_hbm, dst_hbm, out_hbm,
                    acc_sh, h_sh, sidx, didx, rows, bounce, gsem, ssem):
        c = lax.axis_index("c")
        s = lax.axis_index("s")
        wid = s * NC + c
        stripe = npad // NS
        sl = pl.ds(s * stripe, stripe)
        pltpu.sync_copy(h_hbm.at[sl], bounce)
        pltpu.sync_copy(bounce, acc_sh.at[sl])
        if stage:
            pltpu.sync_copy(bounce, h_sh.at[sl])
        pltpu.sync_copy(src_hbm.at[wid], sidx)
        pltpu.sync_copy(dst_hbm.at[wid], didx)
        plsc.subcore_barrier()
        gsrc = h_sh if stage else h_hbm

        def gather(q, b):
            pltpu.async_copy(gsrc.at[sidx.at[q]], rows.at[b], gsem[b])

        def gather_wait(q, b):
            pltpu.make_async_copy(gsrc.at[sidx.at[q]], rows.at[b], gsem[b]).wait()

        def scatter(q, b):
            pltpu.async_copy(rows.at[b], acc_sh.at[didx.at[q]], ssem[b], add=True)

        def scatter_wait(q, b):
            pltpu.make_async_copy(rows.at[b], acc_sh.at[didx.at[q]], ssem[b]).wait()

        for b in range(nbuf):
            gather(b, b)

        def body(g, carry):
            for b in range(nbuf):
                q = g * nbuf + b
                gather_wait(q, b)
                scatter(q, b)
            for b in range(nbuf):
                q = g * nbuf + b
                scatter_wait(q, b)

                @pl.when(g + 1 < ngrp)
                def _():
                    gather(q + nbuf, b)

            return carry

        lax.fori_loop(0, ngrp, body, 0)
        plsc.subcore_barrier()
        pltpu.sync_copy(acc_sh.at[sl], bounce)
        pltpu.sync_copy(bounce, out_hbm.at[c, sl])

    return prop_kernel


def _make_prop_cols(npad, nblk, fh, nbuf, chunk):
    nq = 2 * nblk
    assert nq % nbuf == 0
    ngrp = nq // nbuf

    @functools.partial(
        pl.kernel,
        mesh=_mesh(),
        out_type=jax.ShapeDtypeStruct((NC, npad, fh), jnp.float32),
        scratch_types=[
            pltpu.VMEM_SHARED((npad, fh), jnp.float32),
            pltpu.VMEM_SHARED((npad, fh), jnp.float32),
            pltpu.VMEM((nq, chunk), jnp.int32),
            pltpu.VMEM((nq, chunk), jnp.int32),
            pltpu.VMEM((nbuf, chunk, fh), jnp.float32),
            pltpu.VMEM((npad // NS, fh), jnp.float32),
            [pltpu.SemaphoreType.DMA] * nbuf,
            [pltpu.SemaphoreType.DMA] * nbuf,
        ],
        compiler_params=pltpu.CompilerParams(use_tc_tiling_on_sc=False),
    )
    def prop_kernel(hl_hbm, hr_hbm, src_hbm, dst_hbm, out_hbm,
                    acc_sh, h_sh, sidx, didx, rows, bounce, gsem, ssem):
        c = lax.axis_index("c")
        s = lax.axis_index("s")
        stripe = npad // NS
        sl = pl.ds(s * stripe, stripe)

        @pl.when(c == 0)
        def _():
            pltpu.sync_copy(hl_hbm.at[sl], bounce)

        @pl.when(c == 1)
        def _():
            pltpu.sync_copy(hr_hbm.at[sl], bounce)

        pltpu.sync_copy(bounce, acc_sh.at[sl])
        pltpu.sync_copy(bounce, h_sh.at[sl])
        pltpu.sync_copy(src_hbm.at[2 * s], sidx.at[pl.ds(0, nblk)])
        pltpu.sync_copy(src_hbm.at[2 * s + 1], sidx.at[pl.ds(nblk, nblk)])
        pltpu.sync_copy(dst_hbm.at[2 * s], didx.at[pl.ds(0, nblk)])
        pltpu.sync_copy(dst_hbm.at[2 * s + 1], didx.at[pl.ds(nblk, nblk)])
        plsc.subcore_barrier()

        def gather(q, b):
            pltpu.async_copy(h_sh.at[sidx.at[q]], rows.at[b], gsem[b])

        def gather_wait(q, b):
            pltpu.make_async_copy(h_sh.at[sidx.at[q]], rows.at[b], gsem[b]).wait()

        def scatter(q, b):
            pltpu.async_copy(rows.at[b], acc_sh.at[didx.at[q]], ssem[b], add=True)

        def scatter_wait(q, b):
            pltpu.make_async_copy(rows.at[b], acc_sh.at[didx.at[q]], ssem[b]).wait()

        for b in range(nbuf):
            gather(b, b)

        def body(g, carry):
            for b in range(nbuf):
                q = g * nbuf + b
                gather_wait(q, b)
                scatter(q, b)
            for b in range(nbuf):
                q = g * nbuf + b
                scatter_wait(q, b)

                @pl.when(g + 1 < ngrp)
                def _():
                    gather(q + nbuf, b)

            return carry

        lax.fori_loop(0, ngrp, body, 0)
        plsc.subcore_barrier()
        pltpu.sync_copy(acc_sh.at[sl], bounce)
        pltpu.sync_copy(bounce, out_hbm.at[c, sl])

    return prop_kernel


def _tc_first(x, w1, dinv, npad):
    n = x.shape[0]
    h1dim = w1.shape[1]
    fh = h1dim // 2

    def body(x_ref, w_ref, dinv_ref, hl_ref, hr_ref):
        h = jnp.dot(x_ref[...], w_ref[...], preferred_element_type=jnp.float32)
        hs = h * dinv_ref[...]
        rows = pl.ds(0, n)
        hl_ref[rows, :] = hs[:, :fh]
        hr_ref[rows, :] = hs[:, fh:]

    return pl.pallas_call(
        body,
        out_shape=(
            jax.ShapeDtypeStruct((npad, fh), jnp.float32),
            jax.ShapeDtypeStruct((npad, fh), jnp.float32),
        ),
    )(x, w1, dinv)


def _tc_mid(a0, a1, dinv, w2p):
    npad = a0.shape[0]
    n = dinv.shape[0]
    f2 = w2p.shape[1]

    def body(a0_ref, a1_ref, dinv_ref, w_ref, out_ref):
        rows = pl.ds(0, n)
        t = jnp.concatenate(
            [a0_ref[rows, :], a1_ref[rows, :]], axis=1) * dinv_ref[...]
        g = jnp.maximum(t, 0.0)
        h2 = jnp.dot(g, w_ref[...], preferred_element_type=jnp.float32)
        out_ref[rows, :] = h2 * dinv_ref[...]

    return pl.pallas_call(
        body,
        out_shape=jax.ShapeDtypeStruct((npad, f2), jnp.float32),
    )(a0, a1, dinv, w2p)


def _tc_final(a0, a1, h2s, dinv):
    f2 = a0.shape[1]
    n = dinv.shape[0]

    def body(a0_ref, a1_ref, h_ref, dinv_ref, out_ref):
        rows = pl.ds(0, n)
        out_ref[...] = (a0_ref[rows, :] + a1_ref[rows, :]
                        - h_ref[rows, :]) * dinv_ref[...]

    return pl.pallas_call(
        body,
        out_shape=jax.ShapeDtypeStruct((n, f2), jnp.float32),
    )(a0, a1, h2s, dinv)


def kernel(node_features, edge_features, latent_features, edge_index, device, W1, W2):
    x = node_features
    n = x.shape[0]
    e = edge_index.shape[1]
    h1dim = W1.shape[1]
    h2dim = W2.shape[1]
    f2 = 16

    kblk = 8
    chunk = kblk * CH
    nacc = ((n + 1 + 127) // 128) * 128
    ndeg = ((n + 1 + 255) // 256) * 256
    nblk = (e + NW * chunk - 1) // (NW * chunk)
    nblk = ((nblk + 1) // 2) * 2
    nch = nblk * kblk
    etot = NW * nblk * chunk

    src = edge_index[0]
    dst = edge_index[1]
    src_b = jnp.concatenate(
        [src, jnp.zeros((etot - e,), jnp.int32)]).reshape(NW, nblk, chunk)
    dst_b = jnp.concatenate(
        [dst, jnp.full((etot - e,), n, jnp.int32)]).reshape(NW, nblk, chunk)
    w2p = jnp.pad(W2, ((0, 0), (0, f2 - h2dim)))

    dinv = _make_dinv(ndeg, nblk, chunk)(dst_b)
    dinv2d = dinv.reshape(ndeg)[:n].reshape(n, 1)
    hl, hr = _tc_first(x, W1, dinv2d, nacc)
    acc1 = _make_prop_cols(nacc, nblk, h1dim // 2, 2, chunk)(hl, hr, src_b, dst_b)
    h2s = _tc_mid(acc1[0], acc1[1], dinv2d, w2p)
    acc2 = _make_prop(nacc, nch, f2, 2, kblk, True)(h2s, src_b, dst_b)
    outp = _tc_final(acc2[0], acc2[1], h2s, dinv2d)
    return outp[:, :h2dim]

# --- scband reference (transcript-rebuilt; emitter-appended) ---
"""Pipeline reference for scband-gcnmodel-9208409882713 (READ-ONLY COPY).

The authoritative reference and input builder live on the scoring server;
editing this copy changes nothing except your own understanding.
"""

import jax, jax.numpy as jnp
import numpy as np

N = 10000
E = 320000
D_FEAT = 128
D_EDGE = 16
D_LAT = 32
H1 = 32
H2 = 2


def setup_inputs(seed: int = 0) -> dict:
    key = jax.random.key(seed)
    k1, k2, k3, k4, k5, k6 = jax.random.split(key, 6)
    node_features = jax.random.normal(k1, (N, D_FEAT), dtype=jnp.float32)
    edge_index = jax.random.randint(k2, (2, E), 0, N, dtype=jnp.int32)
    edge_features = jax.random.normal(k3, (E, D_EDGE), dtype=jnp.float32)
    latent_features = jax.random.normal(k4, (N, D_LAT), dtype=jnp.float32)
    W1 = jax.random.normal(k5, (D_FEAT, H1), dtype=jnp.float32) * 0.05
    W2 = jax.random.normal(k6, (H1, H2), dtype=jnp.float32) * 0.05
    return {
        "node_features": node_features,
        "edge_features": edge_features,
        "latent_features": latent_features,
        "edge_index": edge_index,
        "device": 0,
        "W1": W1,
        "W2": W2,
    }


def _gcn_layer(x, edge_index, W, n_nodes):
    # GCNConv: x' = D^{-1/2} (A + I) D^{-1/2} X W  (no bias)
    src = edge_index[0]
    dst = edge_index[1]
    loop = jnp.arange(n_nodes, dtype=src.dtype)
    src = jnp.concatenate([src, loop])
    dst = jnp.concatenate([dst, loop])
    ones = jnp.ones(src.shape[0], dtype=x.dtype)
    deg = jax.ops.segment_sum(ones, dst, num_segments=n_nodes)
    dinv = jnp.where(deg > 0, jax.lax.rsqrt(deg), 0.0)
    norm = dinv[src] * dinv[dst]
    h = x @ W
    msg = h[src] * norm[:, None]
    return jax.ops.segment_sum(msg, dst, num_segments=n_nodes)


def reference(node_features, edge_features, latent_features, edge_index, device, W1, W2):
    n_nodes = node_features.shape[0]
    h = _gcn_layer(node_features, edge_index, W1, n_nodes)
    h = jax.nn.relu(h)
    out = _gcn_layer(h, edge_index, W2, n_nodes)
    return out

if __name__ == "__main__":
    import jax
    _d = setup_inputs()
    print(jax.jit(kernel)(*tuple(_d.values())))

</pallas_src>

<mosaic_0001>
#map = affine_map<(d0, d1) -> (0, 0)>
#map1 = affine_map<(d0, d1) -> (0, 0, 0)>
module attributes {stable_mosaic.version = 14 : i64} {
  func.func @prop_kernel(%arg0: i32, %arg1: i32, %arg2: memref<10112x16xf32, #tpu.memory_space<hbm>>, %arg3: memref<10112x16xf32, #tpu.memory_space<hbm>>, %arg4: memref<32x10x1024xi32, #tpu.memory_space<hbm>>, %arg5: memref<32x10x1024xi32, #tpu.memory_space<hbm>>, %arg6: memref<2x10112x16xf32, #tpu.memory_space<hbm>>, %arg7: memref<10112x16xf32, #tpu.memory_space<vmem_shared>>, %arg8: memref<10112x16xf32, #tpu.memory_space<vmem_shared>>, %arg9: memref<20x1024xi32, #tpu.memory_space<vmem>>, %arg10: memref<20x1024xi32, #tpu.memory_space<vmem>>, %arg11: memref<2x1024x16xf32, #tpu.memory_space<vmem>>, %arg12: memref<632x16xf32, #tpu.memory_space<vmem>>, %arg13: memref<!tpu.dma_semaphore, #tpu.memory_space<semaphore_mem>>, %arg14: memref<!tpu.dma_semaphore, #tpu.memory_space<semaphore_mem>>, %arg15: memref<!tpu.dma_semaphore, #tpu.memory_space<semaphore_mem>>, %arg16: memref<!tpu.dma_semaphore, #tpu.memory_space<semaphore_mem>>) attributes {dimension_semantics = [#tpu.dimension_semantics<core_parallel>, #tpu.dimension_semantics<subcore_parallel>], iteration_bounds = array<i64: 2, 16>, scalar_prefetch = 0 : i64, scratch_operands = 10 : i64, tpu.core_type = #tpu.core_type<sc_vector_subcore>, window_params = [{transform_indices = #map}, {transform_indices = #map}, {transform_indices = #map1}, {transform_indices = #map1}, {transform_indices = #map1}]} {
    %mul3A = arith.constant 632 : i32
    %mul3A_0 = arith.muli %arg1, %mul3A : i32
    %eq3A = arith.constant 0 : i32
    %eq3A_1 = arith.cmpi eq, %arg0, %eq3A : i32
    %convert_element_type3A = arith.extui %eq3A_1 : i1 to i32
    %cond3A = arith.constant 0 : i32
    %cond3A_2 = arith.cmpi ne, %convert_element_type3A, %cond3A : i32
    scf.if %cond3A_2 {
      "tpu.region"() ({
        %run_scoped3A = tpu.sem_alloc : memref<!tpu.dma_semaphore, #tpu.memory_space<semaphore_mem>>
        %dma_start3A_48 = arith.constant 0 : i32
        %dma_start3A_49 = tpu.memref_slice %arg2[%mul3A_0, %dma_start3A_48] : memref<10112x16xf32, #tpu.memory_space<hbm>> -> memref<632x16xf32, #tpu.memory_space<hbm>>
        %dma_start3A_50 = arith.constant 0 : i32
        %dma_start3A_51 = tpu.memref_slice %arg2[%mul3A_0, %dma_start3A_50] : memref<10112x16xf32, #tpu.memory_space<hbm>> -> memref<632x16xf32, #tpu.memory_space<hbm>>
        tpu.enqueue_dma source(%dma_start3A_51 : memref<632x16xf32, #tpu.memory_space<hbm>>) target(%arg12 : memref<632x16xf32, #tpu.memory_space<vmem>>) target_semaphore(%run_scoped3A : memref<!tpu.dma_semaphore, #tpu.memory_space<semaphore_mem>>)
        %dma_wait3A = arith.constant 0 : i32
        %dma_wait3A_52 = tpu.memref_slice %arg2[%mul3A_0, %dma_wait3A] : memref<10112x16xf32, #tpu.memory_space<hbm>> -> memref<632x16xf32, #tpu.memory_space<hbm>>
        %dma_wait3A_53 = arith.constant 0 : i32
        %dma_wait3A_54 = tpu.memref_slice %arg2[%mul3A_0, %dma_wait3A_53] : memref<10112x16xf32, #tpu.memory_space<hbm>> -> memref<632x16xf32, #tpu.memory_space<hbm>>
        tpu.wait_dma2 semaphore(%run_scoped3A : memref<!tpu.dma_semaphore, #tpu.memory_space<semaphore_mem>>) src(%dma_wait3A_54 : memref<632x16xf32, #tpu.memory_space<hbm>>) dst(%arg12 : memref<632x16xf32, #tpu.memory_space<vmem>>)
        tpu.yield
      }) : () -> ()
    } else {
    }
    %eq3A_3 = arith.constant 1 : i32
    %eq3A_4 = arith.cmpi eq, %arg0, %eq3A_3 : i32
    %convert_element_type3A_5 = arith.extui %eq3A_4 : i1 to i32
    %cond3A_6 = arith.constant 0 : i32
    %cond3A_7 = arith.cmpi ne, %convert_element_type3A_5, %cond3A_6 : i32
    scf.if %cond3A_7 {
      "tpu.region"() ({
        %run_scoped3A = tpu.sem_alloc : memref<!tpu.dma_semaphore, #tpu.memory_space<semaphore_mem>>
        %dma_start3A_48 = arith.constant 0 : i32
        %dma_start3A_49 = tpu.memref_slice %arg3[%mul3A_0, %dma_start3A_48] : memref<10112x16xf32, #tpu.memory_space<hbm>> -> memref<632x16xf32, #tpu.memory_space<hbm>>
        %dma_start3A_50 = arith.constant 0 : i32
        %dma_start3A_51 = tpu.memref_slice %arg3[%mul3A_0, %dma_start3A_50] : memref<10112x16xf32, #tpu.memory_space<hbm>> -> memref<632x16xf32, #tpu.memory_space<hbm>>
        tpu.enqueue_dma source(%dma_start3A_51 : memref<632x16xf32, #tpu.memory_space<hbm>>) target(%arg12 : memref<632x16xf32, #tpu.memory_space<vmem>>) target_semaphore(%run_scoped3A : memref<!tpu.dma_semaphore, #tpu.memory_space<semaphore_mem>>)
        %dma_wait3A = arith.constant 0 : i32
        %dma_wait3A_52 = tpu.memref_slice %arg3[%mul3A_0, %dma_wait3A] : memref<10112x16xf32, #tpu.memory_space<hbm>> -> memref<632x16xf32, #tpu.memory_space<hbm>>
        %dma_wait3A_53 = arith.constant 0 : i32
        %dma_wait3A_54 = tpu.memref_slice %arg3[%mul3A_0, %dma_wait3A_53] : memref<10112x16xf32, #tpu.memory_space<hbm>> -> memref<632x16xf32, #tpu.memory_space<hbm>>
        tpu.wait_dma2 semaphore(%run_scoped3A : memref<!tpu.dma_semaphore, #tpu.memory_space<semaphore_mem>>) src(%dma_wait3A_54 : memref<632x16xf32, #tpu.memory_space<hbm>>) dst(%arg12 : memref<632x16xf32, #tpu.memory_space<vmem>>)
        tpu.yield
      }) : () -> ()
    } else {
    }
    "tpu.region"() ({
      %run_scoped3A = tpu.sem_alloc : memref<!tpu.dma_semaphore, #tpu.memory_space<semaphore_mem>>
      %dma_start3A_48 = arith.constant 0 : i32
      %dma_start3A_49 = tpu.memref_slice %arg7[%mul3A_0, %dma_start3A_48] : memref<10112x16xf32, #tpu.memory_space<vmem_shared>> -> memref<632x16xf32, #tpu.memory_space<vmem_shared>>
      %dma_start3A_50 = arith.constant 0 : i32
      %dma_start3A_51 = tpu.memref_slice %arg7[%mul3A_0, %dma_start3A_50] : memref<10112x16xf32, #tpu.memory_space<vmem_shared>> -> memref<632x16xf32, #tpu.memory_space<vmem_shared>>
      tpu.enqueue_dma source(%arg12 : memref<632x16xf32, #tpu.memory_space<vmem>>) target(%dma_start3A_51 : memref<632x16xf32, #tpu.memory_space<vmem_shared>>) target_semaphore(%run_scoped3A : memref<!tpu.dma_semaphore, #tpu.memory_space<semaphore_mem>>)
      %dma_wait3A = arith.constant 0 : i32
      %dma_wait3A_52 = tpu.memref_slice %arg7[%mul3A_0, %dma_wait3A] : memref<10112x16xf32, #tpu.memory_space<vmem_shared>> -> memref<632x16xf32, #tpu.memory_space<vmem_shared>>
      %dma_wait3A_53 = arith.constant 0 : i32
      %dma_wait3A_54 = tpu.memref_slice %arg7[%mul3A_0, %dma_wait3A_53] : memref<10112x16xf32, #tpu.memory_space<vmem_shared>> -> memref<632x16xf32, #tpu.memory_space<vmem_shared>>
      tpu.wait_dma2 semaphore(%run_scoped3A : memref<!tpu.dma_semaphore, #tpu.memory_space<semaphore_mem>>) src(%arg12 : memref<632x16xf32, #tpu.memory_space<vmem>>) dst(%dma_wait3A_54 : memref<632x16xf32, #tpu.memory_space<vmem_shared>>)
      tpu.yield
    }) : () -> ()
    "tpu.region"() ({
      %run_scoped3A = tpu.sem_alloc : memref<!tpu.dma_semaphore, #tpu.memory_space<semaphore_mem>>
      %dma_start3A_48 = arith.constant 0 : i32
      %dma_start3A_49 = tpu.memref_slice %arg8[%mul3A_0, %dma_start3A_48] : memref<10112x16xf32, #tpu.memory_space<vmem_shared>> -> memref<632x16xf32, #tpu.memory_space<vmem_shared>>
      %dma_start3A_50 = arith.constant 0 : i32
      %dma_start3A_51 = tpu.memref_slice %arg8[%mul3A_0, %dma_start3A_50] : memref<10112x16xf32, #tpu.memory_space<vmem_shared>> -> memref<632x16xf32, #tpu.memory_space<vmem_shared>>
      tpu.enqueue_dma source(%arg12 : memref<632x16xf32, #tpu.memory_space<vmem>>) target(%dma_start3A_51 : memref<632x16xf32, #tpu.memory_space<vmem_shared>>) target_semaphore(%run_scoped3A : memref<!tpu.dma_semaphore, #tpu.memory_space<semaphore_mem>>)
      %dma_wait3A = arith.constant 0 : i32
      %dma_wait3A_52 = tpu.memref_slice %arg8[%mul3A_0, %dma_wait3A] : memref<10112x16xf32, #tpu.memory_space<vmem_shared>> -> memref<632x16xf32, #tpu.memory_space<vmem_shared>>
      %dma_wait3A_53 = arith.constant 0 : i32
      %dma_wait3A_54 = tpu.memref_slice %arg8[%mul3A_0, %dma_wait3A_53] : memref<10112x16xf32, #tpu.memory_space<vmem_shared>> -> memref<632x16xf32, #tpu.memory_space<vmem_shared>>
      tpu.wait_dma2 semaphore(%run_scoped3A : memref<!tpu.dma_semaphore, #tpu.memory_space<semaphore_mem>>) src(%arg12 : memref<632x16xf32, #tpu.memory_space<vmem>>) dst(%dma_wait3A_54 : memref<632x16xf32, #tpu.memory_space<vmem_shared>>)
      tpu.yield
    }) : () -> ()
    %mul3A_8 = arith.constant 2 : i32
    %mul3A_9 = arith.muli %mul3A_8, %arg1 : i32
    "tpu.region"() ({
      %run_scoped3A = tpu.sem_alloc : memref<!tpu.dma_semaphore, #tpu.memory_space<semaphore_mem>>
      %dma_start3A_48 = arith.constant 0 : i32
      %dma_start3A_49 = arith.constant 0 : i32
      %dma_start3A_50 = tpu.memref_slice %arg9[%dma_start3A_48, %dma_start3A_49] : memref<20x1024xi32, #tpu.memory_space<vmem>> -> memref<10x1024xi32, #tpu.memory_space<vmem>>
      %dma_start3A_51 = arith.constant 0 : i32
      %dma_start3A_52 = arith.constant 0 : i32
      %dma_start3A_53 = tpu.memref_slice %arg4[%mul3A_9, %dma_start3A_51, %dma_start3A_52] : memref<32x10x1024xi32, #tpu.memory_space<hbm>> -> memref<1x10x1024xi32, #tpu.memory_space<hbm>>
      %dma_start3A_54 = tpu.memref_squeeze %dma_start3A_53 : memref<1x10x1024xi32, #tpu.memory_space<hbm>> -> memref<10x1024xi32, #tpu.memory_space<hbm>>
      %dma_start3A_55 = arith.constant 0 : i32
      %dma_start3A_56 = arith.constant 0 : i32
      %dma_start3A_57 = tpu.memref_slice %arg9[%dma_start3A_55, %dma_start3A_56] : memref<20x1024xi32, #tpu.memory_space<vmem>> -> memref<10x1024xi32, #tpu.memory_space<vmem>>
      %dma_start3A_58 = arith.constant 0 : i32
      %dma_start3A_59 = arith.constant 0 : i32
      %dma_start3A_60 = tpu.memref_slice %arg4[%mul3A_9, %dma_start3A_58, %dma_start3A_59] : memref<32x10x1024xi32, #tpu.memory_space<hbm>> -> memref<1x10x1024xi32, #tpu.memory_space<hbm>>
      %dma_start3A_61 = tpu.memref_squeeze %dma_start3A_60 : memref<1x10x1024xi32, #tpu.memory_space<hbm>> -> memref<10x1024xi32, #tpu.memory_space<hbm>>
      tpu.enqueue_dma source(%dma_start3A_61 : memref<10x1024xi32, #tpu.memory_space<hbm>>) target(%dma_start3A_57 : memref<10x1024xi32, #tpu.memory_space<vmem>>) target_semaphore(%run_scoped3A : memref<!tpu.dma_semaphore, #tpu.memory_space<semaphore_mem>>)
      %dma_wait3A = arith.constant 0 : i32
      %dma_wait3A_62 = arith.constant 0 : i32
      %dma_wait3A_63 = tpu.memref_slice %arg9[%dma_wait3A, %dma_wait3A_62] : memref<20x1024xi32, #tpu.memory_space<vmem>> -> memref<10x1024xi32, #tpu.memory_space<vmem>>
      %dma_wait3A_64 = arith.constant 0 : i32
      %dma_wait3A_65 = arith.constant 0 : i32
      %dma_wait3A_66 = tpu.memref_slice %arg4[%mul3A_9, %dma_wait3A_64, %dma_wait3A_65] : memref<32x10x1024xi32, #tpu.memory_space<hbm>> -> memref<1x10x1024xi32, #tpu.memory_space<hbm>>
      %dma_wait3A_67 = tpu.memref_squeeze %dma_wait3A_66 : memref<1x10x1024xi32, #tpu.memory_space<hbm>> -> memref<10x1024xi32, #tpu.memory_space<hbm>>
      %dma_wait3A_68 = arith.constant 0 : i32
      %dma_wait3A_69 = arith.constant 0 : i32
      %dma_wait3A_70 = tpu.memref_slice %arg9[%dma_wait3A_68, %dma_wait3A_69] : memref<20x1024xi32, #tpu.memory_space<vmem>> -> memref<10x1024xi32, #tpu.memory_space<vmem>>
      %dma_wait3A_71 = arith.constant 0 : i32
      %dma_wait3A_72 = arith.constant 0 : i32
      %dma_wait3A_73 = tpu.memref_slice %arg4[%mul3A_9, %dma_wait3A_71, %dma_wait3A_72] : memref<32x10x1024xi32, #tpu.memory_space<hbm>> -> memref<1x10x1024xi32, #tpu.memory_space<hbm>>
      %dma_wait3A_74 = tpu.memref_squeeze %dma_wait3A_73 : memref<1x10x1024xi32, #tpu.memory_space<hbm>> -> memref<10x1024xi32, #tpu.memory_space<hbm>>
      tpu.wait_dma2 semaphore(%run_scoped3A : memref<!tpu.dma_semaphore, #tpu.memory_space<semaphore_mem>>) src(%dma_wait3A_74 : memref<10x1024xi32, #tpu.memory_space<hbm>>) dst(%dma_wait3A_70 : memref<10x1024xi32, #tpu.memory_space<vmem>>)
      tpu.yield
    }) : () -> ()
    %mul3A_10 = arith.constant 2 : i32
    %mul3A_11 = arith.muli %mul3A_10, %arg1 : i32
    %add3A = arith.constant 1 : i32
    %add3A_12 = arith.addi %mul3A_11, %add3A : i32
    "tpu.region"() ({
      %run_scoped3A = tpu.sem_alloc : memref<!tpu.dma_semaphore, #tpu.memory_space<semaphore_mem>>
      %dma_start3A_48 = arith.constant 10 : i32
      %dma_start3A_49 = arith.constant 0 : i32
      %dma_start3A_50 = tpu.memref_slice %arg9[%dma_start3A_48, %dma_start3A_49] : memref<20x1024xi32, #tpu.memory_space<vmem>> -> memref<10x1024xi32, #tpu.memory_space<vmem>>
      %dma_start3A_51 = arith.constant 0 : i32
      %dma_start3A_52 = arith.constant 0 : i32
      %dma_start3A_53 = tpu.memref_slice %arg4[%add3A_12, %dma_start3A_51, %dma_start3A_52] : memref<32x10x1024xi32, #tpu.memory_space<hbm>> -> memref<1x10x1024xi32, #tpu.memory_space<hbm>>
      %dma_start3A_54 = tpu.memref_squeeze %dma_start3A_53 : memref<1x10x1024xi32, #tpu.memory_space<hbm>> -> memref<10x1024xi32, #tpu.memory_space<hbm>>
      %dma_start3A_55 = arith.constant 10 : i32
      %dma_start3A_56 = arith.constant 0 : i32
      %dma_start3A_57 = tpu.memref_slice %arg9[%dma_start3A_55, %dma_start3A_56] : memref<20x1024xi32, #tpu.memory_space<vmem>> -> memref<10x1024xi32, #tpu.memory_space<vmem>>
      %dma_start3A_58 = arith.constant 0 : i32
      %dma_start3A_59 = arith.constant 0 : i32
      %dma_start3A_60 = tpu.memref_slice %arg4[%add3A_12, %dma_start3A_58, %dma_start3A_59] : memref<32x10x1024xi32, #tpu.memory_space<hbm>> -> memref<1x10x1024xi32, #tpu.memory_space<hbm>>
      %dma_start3A_61 = tpu.memref_squeeze %dma_start3A_60 : memref<1x10x1024xi32, #tpu.memory_space<hbm>> -> memref<10x1024xi32, #tpu.memory_space<hbm>>
      tpu.enqueue_dma source(%dma_start3A_61 : memref<10x1024xi32, #tpu.memory_space<hbm>>) target(%dma_start3A_57 : memref<10x1024xi32, #tpu.memory_space<vmem>>) target_semaphore(%run_scoped3A : memref<!tpu.dma_semaphore, #tpu.memory_space<semaphore_mem>>)
      %dma_wait3A = arith.constant 10 : i32
      %dma_wait3A_62 = arith.constant 0 : i32
      %dma_wait3A_63 = tpu.memref_slice %arg9[%dma_wait3A, %dma_wait3A_62] : memref<20x1024xi32, #tpu.memory_space<vmem>> -> memref<10x1024xi32, #tpu.memory_space<vmem>>
      %dma_wait3A_64 = arith.constant 0 : i32
      %dma_wait3A_65 = arith.constant 0 : i32
      %dma_wait3A_66 = tpu.memref_slice %arg4[%add3A_12, %dma_wait3A_64, %dma_wait3A_65] : memref<32x10x1024xi32, #tpu.memory_space<hbm>> -> memref<1x10x1024xi32, #tpu.memory_space<hbm>>
      %dma_wait3A_67 = tpu.memref_squeeze %dma_wait3A_66 : memref<1x10x1024xi32, #tpu.memory_space<hbm>> -> memref<10x1024xi32, #tpu.memory_space<hbm>>
      %dma_wait3A_68 = arith.constant 10 : i32
      %dma_wait3A_69 = arith.constant 0 : i32
      %dma_wait3A_70 = tpu.memref_slice %arg9[%dma_wait3A_68, %dma_wait3A_69] : memref<20x1024xi32, #tpu.memory_space<vmem>> -> memref<10x1024xi32, #tpu.memory_space<vmem>>
      %dma_wait3A_71 = arith.constant 0 : i32
      %dma_wait3A_72 = arith.constant 0 : i32
      %dma_wait3A_73 = tpu.memref_slice %arg4[%add3A_12, %dma_wait3A_71, %dma_wait3A_72] : memref<32x10x1024xi32, #tpu.memory_space<hbm>> -> memref<1x10x1024xi32, #tpu.memory_space<hbm>>
      %dma_wait3A_74 = tpu.memref_squeeze %dma_wait3A_73 : memref<1x10x1024xi32, #tpu.memory_space<hbm>> -> memref<10x1024xi32, #tpu.memory_space<hbm>>
      tpu.wait_dma2 semaphore(%run_scoped3A : memref<!tpu.dma_semaphore, #tpu.memory_space<semaphore_mem>>) src(%dma_wait3A_74 : memref<10x1024xi32, #tpu.memory_space<hbm>>) dst(%dma_wait3A_70 : memref<10x1024xi32, #tpu.memory_space<vmem>>)
      tpu.yield
    }) : () -> ()
    %mul3A_13 = arith.constant 2 : i32
    %mul3A_14 = arith.muli %mul3A_13, %arg1 : i32
    "tpu.region"() ({
      %run_scoped3A = tpu.sem_alloc : memref<!tpu.dma_semaphore, #tpu.memory_space<semaphore_mem>>
      %dma_start3A_48 = arith.constant 0 : i32
      %dma_start3A_49 = arith.constant 0 : i32
      %dma_start3A_50 = tpu.memref_slice %arg10[%dma_start3A_48, %dma_start3A_49] : memref<20x1024xi32, #tpu.memory_space<vmem>> -> memref<10x1024xi32, #tpu.memory_space<vmem>>
      %dma_start3A_51 = arith.constant 0 : i32
      %dma_start3A_52 = arith.constant 0 : i32
      %dma_start3A_53 = tpu.memref_slice %arg5[%mul3A_14, %dma_start3A_51, %dma_start3A_52] : memref<32x10x1024xi32, #tpu.memory_space<hbm>> -> memref<1x10x1024xi32, #tpu.memory_space<hbm>>
      %dma_start3A_54 = tpu.memref_squeeze %dma_start3A_53 : memref<1x10x1024xi32, #tpu.memory_space<hbm>> -> memref<10x1024xi32, #tpu.memory_space<hbm>>
      %dma_start3A_55 = arith.constant 0 : i32
      %dma_start3A_56 = arith.constant 0 : i32
      %dma_start3A_57 = tpu.memref_slice %arg10[%dma_start3A_55, %dma_start3A_56] : memref<20x1024xi32, #tpu.memory_space<vmem>> -> memref<10x1024xi32, #tpu.memory_space<vmem>>
      %dma_start3A_58 = arith.constant 0 : i32
      %dma_start3A_59 = arith.constant 0 : i32
      %dma_start3A_60 = tpu.memref_slice %arg5[%mul3A_14, %dma_start3A_58, %dma_start3A_59] : memref<32x10x1024xi32, #tpu.memory_space<hbm>> -> memref<1x10x1024xi32, #tpu.memory_space<hbm>>
      %dma_start3A_61 = tpu.memref_squeeze %dma_start3A_60 : memref<1x10x1024xi32, #tpu.memory_space<hbm>> -> memref<10x1024xi32, #tpu.memory_space<hbm>>
      tpu.enqueue_dma source(%dma_start3A_61 : memref<10x1024xi32, #tpu.memory_space<hbm>>) target(%dma_start3A_57 : memref<10x1024xi32, #tpu.memory_space<vmem>>) target_semaphore(%run_scoped3A : memref<!tpu.dma_semaphore, #tpu.memory_space<semaphore_mem>>)
      %dma_wait3A = arith.constant 0 : i32
      %dma_wait3A_62 = arith.constant 0 : i32
      %dma_wait3A_63 = tpu.memref_slice %arg10[%dma_wait3A, %dma_wait3A_62] : memref<20x1024xi32, #tpu.memory_space<vmem>> -> memref<10x1024xi32, #tpu.memory_space<vmem>>
      %dma_wait3A_64 = arith.constant 0 : i32
      %dma_wait3A_65 = arith.constant 0 : i32
      %dma_wait3A_66 = tpu.memref_slice %arg5[%mul3A_14, %dma_wait3A_64, %dma_wait3A_65] : memref<32x10x1024xi32, #tpu.memory_space<hbm>> -> memref<1x10x1024xi32, #tpu.memory_space<hbm>>
      %dma_wait3A_67 = tpu.memref_squeeze %dma_wait3A_66 : memref<1x10x1024xi32, #tpu.memory_space<hbm>> -> memref<10x1024xi32, #tpu.memory_space<hbm>>
      %dma_wait3A_68 = arith.constant 0 : i32
      %dma_wait3A_69 = arith.constant 0 : i32
      %dma_wait3A_70 = tpu.memref_slice %arg10[%dma_wait3A_68, %dma_wait3A_69] : memref<20x1024xi32, #tpu.memory_space<vmem>> -> memref<10x1024xi32, #tpu.memory_space<vmem>>
      %dma_wait3A_71 = arith.constant 0 : i32
      %dma_wait3A_72 = arith.constant 0 : i32
      %dma_wait3A_73 = tpu.memref_slice %arg5[%mul3A_14, %dma_wait3A_71, %dma_wait3A_72] : memref<32x10x1024xi32, #tpu.memory_space<hbm>> -> memref<1x10x1024xi32, #tpu.memory_space<hbm>>
      %dma_wait3A_74 = tpu.memref_squeeze %dma_wait3A_73 : memref<1x10x1024xi32, #tpu.memory_space<hbm>> -> memref<10x1024xi32, #tpu.memory_space<hbm>>
      tpu.wait_dma2 semaphore(%run_scoped3A : memref<!tpu.dma_semaphore, #tpu.memory_space<semaphore_mem>>) src(%dma_wait3A_74 : memref<10x1024xi32, #tpu.memory_space<hbm>>) dst(%dma_wait3A_70 : memref<10x1024xi32, #tpu.memory_space<vmem>>)
      tpu.yield
    }) : () -> ()
    %mul3A_15 = arith.constant 2 : i32
    %mul3A_16 = arith.muli %mul3A_15, %arg1 : i32
    %add3A_17 = arith.constant 1 : i32
    %add3A_18 = arith.addi %mul3A_16, %add3A_17 : i32
    "tpu.region"() ({
      %run_scoped3A = tpu.sem_alloc : memref<!tpu.dma_semaphore, #tpu.memory_space<semaphore_mem>>
      %dma_start3A_48 = arith.constant 10 : i32
      %dma_start3A_49 = arith.constant 0 : i32
      %dma_start3A_50 = tpu.memref_slice %arg10[%dma_start3A_48, %dma_start3A_49] : memref<20x1024xi32, #tpu.memory_space<vmem>> -> memref<10x1024xi32, #tpu.memory_space<vmem>>
      %dma_start3A_51 = arith.constant 0 : i32
      %dma_start3A_52 = arith.constant 0 : i32
      %dma_start3A_53 = tpu.memref_slice %arg5[%add3A_18, %dma_start3A_51, %dma_start3A_52] : memref<32x10x1024xi32, #tpu.memory_space<hbm>> -> memref<1x10x1024xi32, #tpu.memory_space<hbm>>
      %dma_start3A_54 = tpu.memref_squeeze %dma_start3A_53 : memref<1x10x1024xi32, #tpu.memory_space<hbm>> -> memref<10x1024xi32, #tpu.memory_space<hbm>>
      %dma_start3A_55 = arith.constant 10 : i32
      %dma_start3A_56 = arith.constant 0 : i32
      %dma_start3A_57 = tpu.memref_slice %arg10[%dma_start3A_55, %dma_start3A_56] : memref<20x1024xi32, #tpu.memory_space<vmem>> -> memref<10x1024xi32, #tpu.memory_space<vmem>>
      %dma_start3A_58 = arith.constant 0 : i32
      %dma_start3A_59 = arith.constant 0 : i32
      %dma_start3A_60 = tpu.memref_slice %arg5[%add3A_18, %dma_start3A_58, %dma_start3A_59] : memref<32x10x1024xi32, #tpu.memory_space<hbm>> -> memref<1x10x1024xi32, #tpu.memory_space<hbm>>
      %dma_start3A_61 = tpu.memref_squeeze %dma_start3A_60 : memref<1x10x1024xi32, #tpu.memory_space<hbm>> -> memref<10x1024xi32, #tpu.memory_space<hbm>>
      tpu.enqueue_dma source(%dma_start3A_61 : memref<10x1024xi32, #tpu.memory_space<hbm>>) target(%dma_start3A_57 : memref<10x1024xi32, #tpu.memory_space<vmem>>) target_semaphore(%run_scoped3A : memref<!tpu.dma_semaphore, #tpu.memory_space<semaphore_mem>>)
      %dma_wait3A = arith.constant 10 : i32
      %dma_wait3A_62 = arith.constant 0 : i32
      %dma_wait3A_63 = tpu.memref_slice %arg10[%dma_wait3A, %dma_wait3A_62] : memref<20x1024xi32, #tpu.memory_space<vmem>> -> memref<10x1024xi32, #tpu.memory_space<vmem>>
      %dma_wait3A_64 = arith.constant 0 : i32
      %dma_wait3A_65 = arith.constant 0 : i32
      %dma_wait3A_66 = tpu.memref_slice %arg5[%add3A_18, %dma_wait3A_64, %dma_wait3A_65] : memref<32x10x1024xi32, #tpu.memory_space<hbm>> -> memref<1x10x1024xi32, #tpu.memory_space<hbm>>
      %dma_wait3A_67 = tpu.memref_squeeze %dma_wait3A_66 : memref<1x10x1024xi32, #tpu.memory_space<hbm>> -> memref<10x1024xi32, #tpu.memory_space<hbm>>
      %dma_wait3A_68 = arith.constant 10 : i32
      %dma_wait3A_69 = arith.constant 0 : i32
      %dma_wait3A_70 = tpu.memref_slice %arg10[%dma_wait3A_68, %dma_wait3A_69] : memref<20x1024xi32, #tpu.memory_space<vmem>> -> memref<10x1024xi32, #tpu.memory_space<vmem>>
      %dma_wait3A_71 = arith.constant 0 : i32
      %dma_wait3A_72 = arith.constant 0 : i32
      %dma_wait3A_73 = tpu.memref_slice %arg5[%add3A_18, %dma_wait3A_71, %dma_wait3A_72] : memref<32x10x1024xi32, #tpu.memory_space<hbm>> -> memref<1x10x1024xi32, #tpu.memory_space<hbm>>
      %dma_wait3A_74 = tpu.memref_squeeze %dma_wait3A_73 : memref<1x10x1024xi32, #tpu.memory_space<hbm>> -> memref<10x1024xi32, #tpu.memory_space<hbm>>
      tpu.wait_dma2 semaphore(%run_scoped3A : memref<!tpu.dma_semaphore, #tpu.memory_space<semaphore_mem>>) src(%dma_wait3A_74 : memref<10x1024xi32, #tpu.memory_space<hbm>>) dst(%dma_wait3A_70 : memref<10x1024xi32, #tpu.memory_space<vmem>>)
      tpu.yield
    }) : () -> ()
    %barrier3A = arith.constant 0 : index
    tpu.barrier barrier_id(%barrier3A)
    %dma_start3A = arith.constant 0 : i32
    %dma_start3A_19 = arith.constant 0 : i32
    %dma_start3A_20 = arith.constant 0 : i32
    %dma_start3A_21 = arith.constant 0 : i32
    %dma_start3A_22 = tpu.memref_slice %arg11[%dma_start3A_19, %dma_start3A_20, %dma_start3A_21] : memref<2x1024x16xf32, #tpu.memory_space<vmem>> -> memref<1x1024x16xf32, #tpu.memory_space<vmem>>
    %dma_start3A_23 = tpu.memref_squeeze %dma_start3A_22 : memref<1x1024x16xf32, #tpu.memory_space<vmem>> -> memref<1024x16xf32, #tpu.memory_space<vmem>>
    %dma_start3A_24 = arith.constant 0 : i32
    %dma_start3A_25 = tpu.memref_slice %arg9[%dma_start3A, %dma_start3A_24] : memref<20x1024xi32, #tpu.memory_space<vmem>> -> memref<1x1024xi32, #tpu.memory_space<vmem>>
    %dma_start3A_26 = tpu.memref_squeeze %dma_start3A_25 : memref<1x1024xi32, #tpu.memory_space<vmem>> -> memref<1024xi32, #tpu.memory_space<vmem>>
    %dma_start3A_27 = arith.constant 0 : i32
    %dma_start3A_28 = arith.constant 0 : i32
    %dma_start3A_29 = tpu.memref_slice %arg8[%dma_start3A_27, %dma_start3A_28] : memref<10112x16xf32, #tpu.memory_space<vmem_shared>> -> memref<10112x16xf32, #tpu.memory_space<vmem_shared>>
    tpu.enqueue_indirect_dma source(%dma_start3A_29 : memref<10112x16xf32, #tpu.memory_space<vmem_shared>>) target(%dma_start3A_23 : memref<1024x16xf32, #tpu.memory_space<vmem>>) offsets(%dma_start3A_26 : memref<1024xi32, #tpu.memory_space<vmem>>) semaphore(%arg13 : memref<!tpu.dma_semaphore, #tpu.memory_space<semaphore_mem>>)
    %dma_start3A_30 = arith.constant 1 : i32
    %dma_start3A_31 = arith.constant 1 : i32
    %dma_start3A_32 = arith.constant 0 : i32
    %dma_start3A_33 = arith.constant 0 : i32
    %dma_start3A_34 = tpu.memref_slice %arg11[%dma_start3A_31, %dma_start3A_32, %dma_start3A_33] : memref<2x1024x16xf32, #tpu.memory_space<vmem>> -> memref<1x1024x16xf32, #tpu.memory_space<vmem>>
    %dma_start3A_35 = tpu.memref_squeeze %dma_start3A_34 : memref<1x1024x16xf32, #tpu.memory_space<vmem>> -> memref<1024x16xf32, #tpu.memory_space<vmem>>
    %dma_start3A_36 = arith.constant 0 : i32
    %dma_start3A_37 = tpu.memref_slice %arg9[%dma_start3A_30, %dma_start3A_36] : memref<20x1024xi32, #tpu.memory_space<vmem>> -> memref<1x1024xi32, #tpu.memory_space<vmem>>
    %dma_start3A_38 = tpu.memref_squeeze %dma_start3A_37 : memref<1x1024xi32, #tpu.memory_space<vmem>> -> memref<1024xi32, #tpu.memory_space<vmem>>
    %dma_start3A_39 = arith.constant 0 : i32
    %dma_start3A_40 = arith.constant 0 : i32
    %dma_start3A_41 = tpu.memref_slice %arg8[%dma_start3A_39, %dma_start3A_40] : memref<10112x16xf32, #tpu.memory_space<vmem_shared>> -> memref<10112x16xf32, #tpu.memory_space<vmem_shared>>
    tpu.enqueue_indirect_dma source(%dma_start3A_41 : memref<10112x16xf32, #tpu.memory_space<vmem_shared>>) target(%dma_start3A_35 : memref<1024x16xf32, #tpu.memory_space<vmem>>) offsets(%dma_start3A_38 : memref<1024xi32, #tpu.memory_space<vmem>>) semaphore(%arg14 : memref<!tpu.dma_semaphore, #tpu.memory_space<semaphore_mem>>)
    %scan3A = arith.constant 0 : i32
    %scan3A_42 = arith.constant 0 : i32
    %scan3A_43 = arith.constant 10 : i32
    %scan3A_44 = arith.addi %scan3A_42, %scan3A_43 : i32
    %scan3A_45 = arith.constant 1 : i32
    scf.for %scan3A_48 = %scan3A_42 to %scan3A_44 step %scan3A_45  : i32 {
      %mul3A_49 = arith.constant 2 : i32
      %mul3A_50 = arith.muli %scan3A_48, %mul3A_49 : i32
      %add3A_51 = arith.constant 0 : i32
      %add3A_52 = arith.addi %mul3A_50, %add3A_51 : i32
      %dma_wait3A = arith.constant 0 : i32
      %dma_wait3A_53 = arith.constant 0 : i32
      %dma_wait3A_54 = arith.constant 0 : i32
      %dma_wait3A_55 = tpu.memref_slice %arg11[%dma_wait3A, %dma_wait3A_53, %dma_wait3A_54] : memref<2x1024x16xf32, #tpu.memory_space<vmem>> -> memref<1x1024x16xf32, #tpu.memory_space<vmem>>
      %dma_wait3A_56 = tpu.memref_squeeze %dma_wait3A_55 : memref<1x1024x16xf32, #tpu.memory_space<vmem>> -> memref<1024x16xf32, #tpu.memory_space<vmem>>
      %dma_wait3A_57 = arith.constant 0 : i32
      %dma_wait3A_58 = tpu.memref_slice %arg9[%add3A_52, %dma_wait3A_57] : memref<20x1024xi32, #tpu.memory_space<vmem>> -> memref<1x1024xi32, #tpu.memory_space<vmem>>
      %dma_wait3A_59 = tpu.memref_squeeze %dma_wait3A_58 : memref<1x1024xi32, #tpu.memory_space<vmem>> -> memref<1024xi32, #tpu.memory_space<vmem>>
      %dma_wait3A_60 = arith.constant 0 : i32
      %dma_wait3A_61 = arith.constant 0 : i32
      %dma_wait3A_62 = tpu.memref_slice %arg8[%dma_wait3A_60, %dma_wait3A_61] : memref<10112x16xf32, #tpu.memory_space<vmem_shared>> -> memref<10112x16xf32, #tpu.memory_space<vmem_shared>>
      tpu.wait_indirect_dma semaphore(%arg13 : memref<!tpu.dma_semaphore, #tpu.memory_space<semaphore_mem>>) src(%dma_wait3A_62 : memref<10112x16xf32, #tpu.memory_space<vmem_shared>>) dst(%dma_wait3A_56 : memref<1024x16xf32, #tpu.memory_space<vmem>>)
      %dma_start3A_63 = arith.constant 0 : i32
      %dma_start3A_64 = arith.constant 0 : i32
      %dma_start3A_65 = arith.constant 0 : i32
      %dma_start3A_66 = tpu.memref_slice %arg11[%dma_start3A_63, %dma_start3A_64, %dma_start3A_65] : memref<2x1024x16xf32, #tpu.memory_space<vmem>> -> memref<1x1024x16xf32, #tpu.memory_space<vmem>>
      %dma_start3A_67 = tpu.memref_squeeze %dma_start3A_66 : memref<1x1024x16xf32, #tpu.memory_space<vmem>> -> memref<1024x16xf32, #tpu.memory_space<vmem>>
      %dma_start3A_68 = arith.constant 0 : i32
      %dma_start3A_69 = tpu.memref_slice %arg10[%add3A_52, %dma_start3A_68] : memref<20x1024xi32, #tpu.memory_space<vmem>> -> memref<1x1024xi32, #tpu.memory_space<vmem>>
      %dma_start3A_70 = tpu.memref_squeeze %dma_start3A_69 : memref<1x1024xi32, #tpu.memory_space<vmem>> -> memref<1024xi32, #tpu.memory_space<vmem>>
      %dma_start3A_71 = arith.constant 0 : i32
      %dma_start3A_72 = arith.constant 0 : i32
      %dma_start3A_73 = tpu.memref_slice %arg7[%dma_start3A_71, %dma_start3A_72] : memref<10112x16xf32, #tpu.memory_space<vmem_shared>> -> memref<10112x16xf32, #tpu.memory_space<vmem_shared>>
      tpu.enqueue_indirect_dma source(%dma_start3A_67 : memref<1024x16xf32, #tpu.memory_space<vmem>>) target(%dma_start3A_73 : memref<10112x16xf32, #tpu.memory_space<vmem_shared>>) offsets(%dma_start3A_70 : memref<1024xi32, #tpu.memory_space<vmem>>) semaphore(%arg15 : memref<!tpu.dma_semaphore, #tpu.memory_space<semaphore_mem>>) {add = true}
      %mul3A_74 = arith.constant 2 : i32
      %mul3A_75 = arith.muli %scan3A_48, %mul3A_74 : i32
      %add3A_76 = arith.constant 1 : i32
      %add3A_77 = arith.addi %mul3A_75, %add3A_76 : i32
      %dma_wait3A_78 = arith.constant 1 : i32
      %dma_wait3A_79 = arith.constant 0 : i32
      %dma_wait3A_80 = arith.constant 0 : i32
      %dma_wait3A_81 = tpu.memref_slice %arg11[%dma_wait3A_78, %dma_wait3A_79, %dma_wait3A_80] : memref<2x1024x16xf32, #tpu.memory_space<vmem>> -> memref<1x1024x16xf32, #tpu.memory_space<vmem>>
      %dma_wait3A_82 = tpu.memref_squeeze %dma_wait3A_81 : memref<1x1024x16xf32, #tpu.memory_space<vmem>> -> memref<1024x16xf32, #tpu.memory_space<vmem>>
      %dma_wait3A_83 = arith.constant 0 : i32
      %dma_wait3A_84 = tpu.memref_slice %arg9[%add3A_77, %dma_wait3A_83] : memref<20x1024xi32, #tpu.memory_space<vmem>> -> memref<1x1024xi32, #tpu.memory_space<vmem>>
      %dma_wait3A_85 = tpu.memref_squeeze %dma_wait3A_84 : memref<1x1024xi32, #tpu.memory_space<vmem>> -> memref<1024xi32, #tpu.memory_space<vmem>>
      %dma_wait3A_86 = arith.constant 0 : i32
      %dma_wait3A_87 = arith.constant 0 : i32
      %dma_wait3A_88 = tpu.memref_slice %arg8[%dma_wait3A_86, %dma_wait3A_87] : memref<10112x16xf32, #tpu.memory_space<vmem_shared>> -> memref<10112x16xf32, #tpu.memory_space<vmem_shared>>
      tpu.wait_indirect_dma semaphore(%arg14 : memref<!tpu.dma_semaphore, #tpu.memory_space<semaphore_mem>>) src(%dma_wait3A_88 : memref<10112x16xf32, #tpu.memory_space<vmem_shared>>) dst(%dma_wait3A_82 : memref<1024x16xf32, #tpu.memory_space<vmem>>)
      %dma_start3A_89 = arith.constant 1 : i32
      %dma_start3A_90 = arith.constant 0 : i32
      %dma_start3A_91 = arith.constant 0 : i32
      %dma_start3A_92 = tpu.memref_slice %arg11[%dma_start3A_89, %dma_start3A_90, %dma_start3A_91] : memref<2x1024x16xf32, #tpu.memory_space<vmem>> -> memref<1x1024x16xf32, #tpu.memory_space<vmem>>
      %dma_start3A_93 = tpu.memref_squeeze %dma_start3A_92 : memref<1x1024x16xf32, #tpu.memory_space<vmem>> -> memref<1024x16xf32, #tpu.memory_space<vmem>>
      %dma_start3A_94 = arith.constant 0 : i32
      %dma_start3A_95 = tpu.memref_slice %arg10[%add3A_77, %dma_start3A_94] : memref<20x1024xi32, #tpu.memory_space<vmem>> -> memref<1x1024xi32, #tpu.memory_space<vmem>>
      %dma_start3A_96 = tpu.memref_squeeze %dma_start3A_95 : memref<1x1024xi32, #tpu.memory_space<vmem>> -> memref<1024xi32, #tpu.memory_space<vmem>>
      %dma_start3A_97 = arith.constant 0 : i32
      %dma_start3A_98 = arith.constant 0 : i32
      %dma_start3A_99 = tpu.memref_slice %arg7[%dma_start3A_97, %dma_start3A_98] : memref<10112x16xf32, #tpu.memory_space<vmem_shared>> -> memref<10112x16xf32, #tpu.memory_space<vmem_shared>>
      tpu.enqueue_indirect_dma source(%dma_start3A_93 : memref<1024x16xf32, #tpu.memory_space<vmem>>) target(%dma_start3A_99 : memref<10112x16xf32, #tpu.memory_space<vmem_shared>>) offsets(%dma_start3A_96 : memref<1024xi32, #tpu.memory_space<vmem>>) semaphore(%arg16 : memref<!tpu.dma_semaphore, #tpu.memory_space<semaphore_mem>>) {add = true}
      %mul3A_100 = arith.constant 2 : i32
      %mul3A_101 = arith.muli %scan3A_48, %mul3A_100 : i32
      %add3A_102 = arith.constant 0 : i32
      %add3A_103 = arith.addi %mul3A_101, %add3A_102 : i32
      %dma_wait3A_104 = arith.constant 0 : i32
      %dma_wait3A_105 = arith.constant 0 : i32
      %dma_wait3A_106 = arith.constant 0 : i32
      %dma_wait3A_107 = tpu.memref_slice %arg11[%dma_wait3A_104, %dma_wait3A_105, %dma_wait3A_106] : memref<2x1024x16xf32, #tpu.memory_space<vmem>> -> memref<1x1024x16xf32, #tpu.memory_space<vmem>>
      %dma_wait3A_108 = tpu.memref_squeeze %dma_wait3A_107 : memref<1x1024x16xf32, #tpu.memory_space<vmem>> -> memref<1024x16xf32, #tpu.memory_space<vmem>>
      %dma_wait3A_109 = arith.constant 0 : i32
      %dma_wait3A_110 = tpu.memref_slice %arg10[%add3A_103, %dma_wait3A_109] : memref<20x1024xi32, #tpu.memory_space<vmem>> -> memref<1x1024xi32, #tpu.memory_space<vmem>>
      %dma_wait3A_111 = tpu.memref_squeeze %dma_wait3A_110 : memref<1x1024xi32, #tpu.memory_space<vmem>> -> memref<1024xi32, #tpu.memory_space<vmem>>
      %dma_wait3A_112 = arith.constant 0 : i32
      %dma_wait3A_113 = arith.constant 0 : i32
      %dma_wait3A_114 = tpu.memref_slice %arg7[%dma_wait3A_112, %dma_wait3A_113] : memref<10112x16xf32, #tpu.memory_space<vmem_shared>> -> memref<10112x16xf32, #tpu.memory_space<vmem_shared>>
      tpu.wait_indirect_dma semaphore(%arg15 : memref<!tpu.dma_semaphore, #tpu.memory_space<semaphore_mem>>) src(%dma_wait3A_108 : memref<1024x16xf32, #tpu.memory_space<vmem>>) dst(%dma_wait3A_114 : memref<10112x16xf32, #tpu.memory_space<vmem_shared>>)
      %add3A_115 = arith.constant 1 : i32
      %add3A_116 = arith.addi %scan3A_48, %add3A_115 : i32
      %lt3A = arith.constant 10 : i32
      %lt3A_117 = arith.cmpi slt, %add3A_116, %lt3A : i32
      %convert_element_type3A_118 = arith.extui %lt3A_117 : i1 to i32
      %cond3A_119 = arith.constant 0 : i32
      %cond3A_120 = arith.cmpi ne, %convert_element_type3A_118, %cond3A_119 : i32
      scf.if %cond3A_120 {
        %add3A_143 = arith.constant 2 : i32
        %add3A_144 = arith.addi %add3A_103, %add3A_143 : i32
        %dma_start3A_145 = arith.constant 0 : i32
        %dma_start3A_146 = arith.constant 0 : i32
        %dma_start3A_147 = arith.constant 0 : i32
        %dma_start3A_148 = tpu.memref_slice %arg11[%dma_start3A_145, %dma_start3A_146, %dma_start3A_147] : memref<2x1024x16xf32, #tpu.memory_space<vmem>> -> memref<1x1024x16xf32, #tpu.memory_space<vmem>>
        %dma_start3A_149 = tpu.memref_squeeze %dma_start3A_148 : memref<1x1024x16xf32, #tpu.memory_space<vmem>> -> memref<1024x16xf32, #tpu.memory_space<vmem>>
        %dma_start3A_150 = arith.constant 0 : i32
        %dma_start3A_151 = tpu.memref_slice %arg9[%add3A_144, %dma_start3A_150] : memref<20x1024xi32, #tpu.memory_space<vmem>> -> memref<1x1024xi32, #tpu.memory_space<vmem>>
        %dma_start3A_152 = tpu.memref_squeeze %dma_start3A_151 : memref<1x1024xi32, #tpu.memory_space<vmem>> -> memref<1024xi32, #tpu.memory_space<vmem>>
        %dma_start3A_153 = arith.constant 0 : i32
        %dma_start3A_154 = arith.constant 0 : i32
        %dma_start3A_155 = tpu.memref_slice %arg8[%dma_start3A_153, %dma_start3A_154] : memref<10112x16xf32, #tpu.memory_space<vmem_shared>> -> memref<10112x16xf32, #tpu.memory_space<vmem_shared>>
        tpu.enqueue_indirect_dma source(%dma_start3A_155 : memref<10112x16xf32, #tpu.memory_space<vmem_shared>>) target(%dma_start3A_149 : memref<1024x16xf32, #tpu.memory_space<vmem>>) offsets(%dma_start3A_152 : memref<1024xi32, #tpu.memory_space<vmem>>) semaphore(%arg13 : memref<!tpu.dma_semaphore, #tpu.memory_space<semaphore_mem>>)
      } else {
      }
      %mul3A_121 = arith.constant 2 : i32
      %mul3A_122 = arith.muli %scan3A_48, %mul3A_121 : i32
      %add3A_123 = arith.constant 1 : i32
      %add3A_124 = arith.addi %mul3A_122, %add3A_123 : i32
      %dma_wait3A_125 = arith.constant 1 : i32
      %dma_wait3A_126 = arith.constant 0 : i32
      %dma_wait3A_127 = arith.constant 0 : i32
      %dma_wait3A_128 = tpu.memref_slice %arg11[%dma_wait3A_125, %dma_wait3A_126, %dma_wait3A_127] : memref<2x1024x16xf32, #tpu.memory_space<vmem>> -> memref<1x1024x16xf32, #tpu.memory_space<vmem>>
      %dma_wait3A_129 = tpu.memref_squeeze %dma_wait3A_128 : memref<1x1024x16xf32, #tpu.memory_space<vmem>> -> memref<1024x16xf32, #tpu.memory_space<vmem>>
      %dma_wait3A_130 = arith.constant 0 : i32
      %dma_wait3A_131 = tpu.memref_slice %arg10[%add3A_124, %dma_wait3A_130] : memref<20x1024xi32, #tpu.memory_space<vmem>> -> memref<1x1024xi32, #tpu.memory_space<vmem>>
      %dma_wait3A_132 = tpu.memref_squeeze %dma_wait3A_131 : memref<1x1024xi32, #tpu.memory_space<vmem>> -> memref<1024xi32, #tpu.memory_space<vmem>>
      %dma_wait3A_133 = arith.constant 0 : i32
      %dma_wait3A_134 = arith.constant 0 : i32
      %dma_wait3A_135 = tpu.memref_slice %arg7[%dma_wait3A_133, %dma_wait3A_134] : memref<10112x16xf32, #tpu.memory_space<vmem_shared>> -> memref<10112x16xf32, #tpu.memory_space<vmem_shared>>
      tpu.wait_indirect_dma semaphore(%arg16 : memref<!tpu.dma_semaphore, #tpu.memory_space<semaphore_mem>>) src(%dma_wait3A_129 : memref<1024x16xf32, #tpu.memory_space<vmem>>) dst(%dma_wait3A_135 : memref<10112x16xf32, #tpu.memory_space<vmem_shared>>)
      %add3A_136 = arith.constant 1 : i32
      %add3A_137 = arith.addi %scan3A_48, %add3A_136 : i32
      %lt3A_138 = arith.constant 10 : i32
      %lt3A_139 = arith.cmpi slt, %add3A_137, %lt3A_138 : i32
      %convert_element_type3A_140 = arith.extui %lt3A_139 : i1 to i32
      %cond3A_141 = arith.constant 0 : i32
      %cond3A_142 = arith.cmpi ne, %convert_element_type3A_140, %cond3A_141 : i32
      scf.if %cond3A_142 {
        %add3A_143 = arith.constant 2 : i32
        %add3A_144 = arith.addi %add3A_124, %add3A_143 : i32
        %dma_start3A_145 = arith.constant 1 : i32
        %dma_start3A_146 = arith.constant 0 : i32
        %dma_start3A_147 = arith.constant 0 : i32
        %dma_start3A_148 = tpu.memref_slice %arg11[%dma_start3A_145, %dma_start3A_146, %dma_start3A_147] : memref<2x1024x16xf32, #tpu.memory_space<vmem>> -> memref<1x1024x16xf32, #tpu.memory_space<vmem>>
        %dma_start3A_149 = tpu.memref_squeeze %dma_start3A_148 : memref<1x1024x16xf32, #tpu.memory_space<vmem>> -> memref<1024x16xf32, #tpu.memory_space<vmem>>
        %dma_start3A_150 = arith.constant 0 : i32
        %dma_start3A_151 = tpu.memref_slice %arg9[%add3A_144, %dma_start3A_150] : memref<20x1024xi32, #tpu.memory_space<vmem>> -> memref<1x1024xi32, #tpu.memory_space<vmem>>
        %dma_start3A_152 = tpu.memref_squeeze %dma_start3A_151 : memref<1x1024xi32, #tpu.memory_space<vmem>> -> memref<1024xi32, #tpu.memory_space<vmem>>
        %dma_start3A_153 = arith.constant 0 : i32
        %dma_start3A_154 = arith.constant 0 : i32
        %dma_start3A_155 = tpu.memref_slice %arg8[%dma_start3A_153, %dma_start3A_154] : memref<10112x16xf32, #tpu.memory_space<vmem_shared>> -> memref<10112x16xf32, #tpu.memory_space<vmem_shared>>
        tpu.enqueue_indirect_dma source(%dma_start3A_155 : memref<10112x16xf32, #tpu.memory_space<vmem_shared>>) target(%dma_start3A_149 : memref<1024x16xf32, #tpu.memory_space<vmem>>) offsets(%dma_start3A_152 : memref<1024xi32, #tpu.memory_space<vmem>>) semaphore(%arg14 : memref<!tpu.dma_semaphore, #tpu.memory_space<semaphore_mem>>)
      } else {
      }
    }
    %scan3A_46 = arith.constant 10 : i32
    %barrier3A_47 = arith.constant 0 : index
    tpu.barrier barrier_id(%barrier3A_47)
    "tpu.region"() ({
      %run_scoped3A = tpu.sem_alloc : memref<!tpu.dma_semaphore, #tpu.memory_space<semaphore_mem>>
      %dma_start3A_48 = arith.constant 0 : i32
      %dma_start3A_49 = tpu.memref_slice %arg7[%mul3A_0, %dma_start3A_48] : memref<10112x16xf32, #tpu.memory_space<vmem_shared>> -> memref<632x16xf32, #tpu.memory_space<vmem_shared>>
      %dma_start3A_50 = arith.constant 0 : i32
      %dma_start3A_51 = tpu.memref_slice %arg7[%mul3A_0, %dma_start3A_50] : memref<10112x16xf32, #tpu.memory_space<vmem_shared>> -> memref<632x16xf32, #tpu.memory_space<vmem_shared>>
      tpu.enqueue_dma source(%dma_start3A_51 : memref<632x16xf32, #tpu.memory_space<vmem_shared>>) target(%arg12 : memref<632x16xf32, #tpu.memory_space<vmem>>) target_semaphore(%run_scoped3A : memref<!tpu.dma_semaphore, #tpu.memory_space<semaphore_mem>>)
      %dma_wait3A = arith.constant 0 : i32
      %dma_wait3A_52 = tpu.memref_slice %arg7[%mul3A_0, %dma_wait3A] : memref<10112x16xf32, #tpu.memory_space<vmem_shared>> -> memref<632x16xf32, #tpu.memory_space<vmem_shared>>
      %dma_wait3A_53 = arith.constant 0 : i32
      %dma_wait3A_54 = tpu.memref_slice %arg7[%mul3A_0, %dma_wait3A_53] : memref<10112x16xf32, #tpu.memory_space<vmem_shared>> -> memref<632x16xf32, #tpu.memory_space<vmem_shared>>
      tpu.wait_dma2 semaphore(%run_scoped3A : memref<!tpu.dma_semaphore, #tpu.memory_space<semaphore_mem>>) src(%dma_wait3A_54 : memref<632x16xf32, #tpu.memory_space<vmem_shared>>) dst(%arg12 : memref<632x16xf32, #tpu.memory_space<vmem>>)
      tpu.yield
    }) : () -> ()
    "tpu.region"() ({
      %run_scoped3A = tpu.sem_alloc : memref<!tpu.dma_semaphore, #tpu.memory_space<semaphore_mem>>
      %dma_start3A_48 = arith.constant 0 : i32
      %dma_start3A_49 = tpu.memref_slice %arg6[%arg0, %mul3A_0, %dma_start3A_48] : memref<2x10112x16xf32, #tpu.memory_space<hbm>> -> memref<1x632x16xf32, #tpu.memory_space<hbm>>
      %dma_start3A_50 = tpu.memref_squeeze %dma_start3A_49 : memref<1x632x16xf32, #tpu.memory_space<hbm>> -> memref<632x16xf32, #tpu.memory_space<hbm>>
      %dma_start3A_51 = arith.constant 0 : i32
      %dma_start3A_52 = tpu.memref_slice %arg6[%arg0, %mul3A_0, %dma_start3A_51] : memref<2x10112x16xf32, #tpu.memory_space<hbm>> -> memref<1x632x16xf32, #tpu.memory_space<hbm>>
      %dma_start3A_53 = tpu.memref_squeeze %dma_start3A_52 : memref<1x632x16xf32, #tpu.memory_space<hbm>> -> memref<632x16xf32, #tpu.memory_space<hbm>>
      tpu.enqueue_dma source(%arg12 : memref<632x16xf32, #tpu.memory_space<vmem>>) target(%dma_start3A_53 : memref<632x16xf32, #tpu.memory_space<hbm>>) target_semaphore(%run_scoped3A : memref<!tpu.dma_semaphore, #tpu.memory_space<semaphore_mem>>)
      %dma_wait3A = arith.constant 0 : i32
      %dma_wait3A_54 = tpu.memref_slice %arg6[%arg0, %mul3A_0, %dma_wait3A] : memref<2x10112x16xf32, #tpu.memory_space<hbm>> -> memref<1x632x16xf32, #tpu.memory_space<hbm>>
      %dma_wait3A_55 = tpu.memref_squeeze %dma_wait3A_54 : memref<1x632x16xf32, #tpu.memory_space<hbm>> -> memref<632x16xf32, #tpu.memory_space<hbm>>
      %dma_wait3A_56 = arith.constant 0 : i32
      %dma_wait3A_57 = tpu.memref_slice %arg6[%arg0, %mul3A_0, %dma_wait3A_56] : memref<2x10112x16xf32, #tpu.memory_space<hbm>> -> memref<1x632x16xf32, #tpu.memory_space<hbm>>
      %dma_wait3A_58 = tpu.memref_squeeze %dma_wait3A_57 : memref<1x632x16xf32, #tpu.memory_space<hbm>> -> memref<632x16xf32, #tpu.memory_space<hbm>>
      tpu.wait_dma2 semaphore(%run_scoped3A : memref<!tpu.dma_semaphore, #tpu.memory_space<semaphore_mem>>) src(%arg12 : memref<632x16xf32, #tpu.memory_space<vmem>>) dst(%dma_wait3A_58 : memref<632x16xf32, #tpu.memory_space<hbm>>)
      tpu.yield
    }) : () -> ()
    return
  }
}

#map = affine_map<(d0, d1) -> (0, 0, 0)>
#map1 = affine_map<(d0, d1) -> (0, 0)>
module attributes {stable_mosaic.version = 14 : i64} {
  func.func @dinv_kernel(%arg0: i32, %arg1: i32, %arg2: memref<32x10x1024xi32, #tpu.memory_space<hbm>>, %arg3: memref<640x16xf32, #tpu.memory_space<hbm>>, %arg4: memref<640x16xf32, #tpu.memory_space<vmem_shared>>, %arg5: memref<640x16xf32, #tpu.memory_space<vmem>>, %arg6: memref<640xi32, #tpu.memory_space<vmem>>, %arg7: memref<20x1024xi32, #tpu.memory_space<vmem>>, %arg8: memref<40x16xf32, #tpu.memory_space<vmem>>) attributes {dimension_semantics = [#tpu.dimension_semantics<core_parallel>, #tpu.dimension_semantics<subcore_parallel>], iteration_bounds = array<i64: 2, 16>, scalar_prefetch = 0 : i64, scratch_operands = 5 : i64, tpu.core_type = #tpu.core_type<sc_vector_subcore>, window_params = [{transform_indices = #map}, {transform_indices = #map1}]} {
    %mul3A = arith.constant 40 : i32
    %mul3A_0 = arith.muli %arg1, %mul3A : i32
    %iota3A = tpu.iota {dimensions = array<i32: 0>} : vector<16xi32>
    %scan3A = arith.constant 0 : i32
    %scan3A_1 = arith.constant 0 : i32
    %scan3A_2 = arith.constant 640 : i32
    %scan3A_3 = arith.addi %scan3A_1, %scan3A_2 : i32
    %scan3A_4 = arith.constant 1 : i32
    scf.for %scan3A_38 = %scan3A_1 to %scan3A_3 step %scan3A_4  : i32 {
      %broadcast_in_dim3A_39 = arith.constant 0.000000e+00 : f32
      %broadcast_in_dim3A_40 = vector.broadcast %broadcast_in_dim3A_39 : f32 to vector<16xf32>
      %swap3A = arith.index_cast %scan3A_38 : i32 to index
      %swap3A_41 = arith.constant 0 : index
      %swap3A_42 = tpu.vector_load %arg5[%swap3A, %swap3A_41] {strides = array<i32>} : memref<640x16xf32, #tpu.memory_space<vmem>>, vector<16xf32>,
      tpu.vector_store %arg5[%swap3A, %swap3A_41], %broadcast_in_dim3A_40 {strides = array<i32>} : memref<640x16xf32, #tpu.memory_space<vmem>>, vector<16xf32>,
    }
    %scan3A_5 = arith.constant 640 : i32
    %scan3A_6 = arith.constant 0 : i32
    %scan3A_7 = arith.constant 0 : i32
    %scan3A_8 = arith.constant 40 : i32
    %scan3A_9 = arith.addi %scan3A_7, %scan3A_8 : i32
    %scan3A_10 = arith.constant 1 : i32
    scf.for %scan3A_38 = %scan3A_7 to %scan3A_9 step %scan3A_10  : i32 {
      %mul3A_39 = arith.constant 16 : i32
      %mul3A_40 = arith.muli %scan3A_38, %mul3A_39 : i32
      %add3A_41 = vector.broadcast %mul3A_40 : i32 to vector<16xi32>
      %add3A_42 = arith.addi %iota3A, %add3A_41 : vector<16xi32>
      %mul3A_43 = arith.constant 16 : i32
      %mul3A_44 = arith.muli %scan3A_38, %mul3A_43 : i32
      %swap3A = arith.index_cast %mul3A_44 : i32 to index
      %swap3A_45 = tpu.vector_load %arg6[%swap3A] {strides = array<i32>} : memref<640xi32, #tpu.memory_space<vmem>>, vector<16xi32>,
      tpu.vector_store %arg6[%swap3A], %add3A_42 {strides = array<i32>} : memref<640xi32, #tpu.memory_space<vmem>>, vector<16xi32>,
    }
    %scan3A_11 = arith.constant 40 : i32
    "tpu.region"() ({
      %run_scoped3A = tpu.sem_alloc : memref<!tpu.dma_semaphore, #tpu.memory_space<semaphore_mem>>
      %dma_start3A = arith.constant 0 : i32
      %dma_start3A_38 = tpu.memref_slice %arg5[%mul3A_0, %dma_start3A] : memref<640x16xf32, #tpu.memory_space<vmem>> -> memref<40x16xf32, #tpu.memory_space<vmem>>
      %dma_start3A_39 = arith.constant 0 : i32
      %dma_start3A_40 = tpu.memref_slice %arg4[%mul3A_0, %dma_start3A_39] : memref<640x16xf32, #tpu.memory_space<vmem_shared>> -> memref<40x16xf32, #tpu.memory_space<vmem_shared>>
      %dma_start3A_41 = arith.constant 0 : i32
      %dma_start3A_42 = tpu.memref_slice %arg4[%mul3A_0, %dma_start3A_41] : memref<640x16xf32, #tpu.memory_space<vmem_shared>> -> memref<40x16xf32, #tpu.memory_space<vmem_shared>>
      %dma_start3A_43 = arith.constant 0 : i32
      %dma_start3A_44 = tpu.memref_slice %arg5[%mul3A_0, %dma_start3A_43] : memref<640x16xf32, #tpu.memory_space<vmem>> -> memref<40x16xf32, #tpu.memory_space<vmem>>
      tpu.enqueue_dma source(%dma_start3A_44 : memref<40x16xf32, #tpu.memory_space<vmem>>) target(%dma_start3A_42 : memref<40x16xf32, #tpu.memory_space<vmem_shared>>) target_semaphore(%run_scoped3A : memref<!tpu.dma_semaphore, #tpu.memory_space<semaphore_mem>>)
      %dma_wait3A = arith.constant 0 : i32
      %dma_wait3A_45 = tpu.memref_slice %arg5[%mul3A_0, %dma_wait3A] : memref<640x16xf32, #tpu.memory_space<vmem>> -> memref<40x16xf32, #tpu.memory_space<vmem>>
      %dma_wait3A_46 = arith.constant 0 : i32
      %dma_wait3A_47 = tpu.memref_slice %arg4[%mul3A_0, %dma_wait3A_46] : memref<640x16xf32, #tpu.memory_space<vmem_shared>> -> memref<40x16xf32, #tpu.memory_space<vmem_shared>>
      %dma_wait3A_48 = arith.constant 0 : i32
      %dma_wait3A_49 = tpu.memref_slice %arg4[%mul3A_0, %dma_wait3A_48] : memref<640x16xf32, #tpu.memory_space<vmem_shared>> -> memref<40x16xf32, #tpu.memory_space<vmem_shared>>
      %dma_wait3A_50 = arith.constant 0 : i32
      %dma_wait3A_51 = tpu.memref_slice %arg5[%mul3A_0, %dma_wait3A_50] : memref<640x16xf32, #tpu.memory_space<vmem>> -> memref<40x16xf32, #tpu.memory_space<vmem>>
      tpu.wait_dma2 semaphore(%run_scoped3A : memref<!tpu.dma_semaphore, #tpu.memory_space<semaphore_mem>>) src(%dma_wait3A_51 : memref<40x16xf32, #tpu.memory_space<vmem>>) dst(%dma_wait3A_49 : memref<40x16xf32, #tpu.memory_space<vmem_shared>>)
      tpu.yield
    }) : () -> ()
    %mul3A_12 = arith.constant 2 : i32
    %mul3A_13 = arith.muli %mul3A_12, %arg1 : i32
    "tpu.region"() ({
      %run_scoped3A = tpu.sem_alloc : memref<!tpu.dma_semaphore, #tpu.memory_space<semaphore_mem>>
      %dma_start3A = arith.constant 0 : i32
      %dma_start3A_38 = arith.constant 0 : i32
      %dma_start3A_39 = tpu.memref_slice %arg7[%dma_start3A, %dma_start3A_38] : memref<20x1024xi32, #tpu.memory_space<vmem>> -> memref<10x1024xi32, #tpu.memory_space<vmem>>
      %dma_start3A_40 = arith.constant 0 : i32
      %dma_start3A_41 = arith.constant 0 : i32
      %dma_start3A_42 = tpu.memref_slice %arg2[%mul3A_13, %dma_start3A_40, %dma_start3A_41] : memref<32x10x1024xi32, #tpu.memory_space<hbm>> -> memref<1x10x1024xi32, #tpu.memory_space<hbm>>
      %dma_start3A_43 = tpu.memref_squeeze %dma_start3A_42 : memref<1x10x1024xi32, #tpu.memory_space<hbm>> -> memref<10x1024xi32, #tpu.memory_space<hbm>>
      %dma_start3A_44 = arith.constant 0 : i32
      %dma_start3A_45 = arith.constant 0 : i32
      %dma_start3A_46 = tpu.memref_slice %arg7[%dma_start3A_44, %dma_start3A_45] : memref<20x1024xi32, #tpu.memory_space<vmem>> -> memref<10x1024xi32, #tpu.memory_space<vmem>>
      %dma_start3A_47 = arith.constant 0 : i32
      %dma_start3A_48 = arith.constant 0 : i32
      %dma_start3A_49 = tpu.memref_slice %arg2[%mul3A_13, %dma_start3A_47, %dma_start3A_48] : memref<32x10x1024xi32, #tpu.memory_space<hbm>> -> memref<1x10x1024xi32, #tpu.memory_space<hbm>>
      %dma_start3A_50 = tpu.memref_squeeze %dma_start3A_49 : memref<1x10x1024xi32, #tpu.memory_space<hbm>> -> memref<10x1024xi32, #tpu.memory_space<hbm>>
      tpu.enqueue_dma source(%dma_start3A_50 : memref<10x1024xi32, #tpu.memory_space<hbm>>) target(%dma_start3A_46 : memref<10x1024xi32, #tpu.memory_space<vmem>>) target_semaphore(%run_scoped3A : memref<!tpu.dma_semaphore, #tpu.memory_space<semaphore_mem>>)
      %dma_wait3A = arith.constant 0 : i32
      %dma_wait3A_51 = arith.constant 0 : i32
      %dma_wait3A_52 = tpu.memref_slice %arg7[%dma_wait3A, %dma_wait3A_51] : memref<20x1024xi32, #tpu.memory_space<vmem>> -> memref<10x1024xi32, #tpu.memory_space<vmem>>
      %dma_wait3A_53 = arith.constant 0 : i32
      %dma_wait3A_54 = arith.constant 0 : i32
      %dma_wait3A_55 = tpu.memref_slice %arg2[%mul3A_13, %dma_wait3A_53, %dma_wait3A_54] : memref<32x10x1024xi32, #tpu.memory_space<hbm>> -> memref<1x10x1024xi32, #tpu.memory_space<hbm>>
      %dma_wait3A_56 = tpu.memref_squeeze %dma_wait3A_55 : memref<1x10x1024xi32, #tpu.memory_space<hbm>> -> memref<10x1024xi32, #tpu.memory_space<hbm>>
      %dma_wait3A_57 = arith.constant 0 : i32
      %dma_wait3A_58 = arith.constant 0 : i32
      %dma_wait3A_59 = tpu.memref_slice %arg7[%dma_wait3A_57, %dma_wait3A_58] : memref<20x1024xi32, #tpu.memory_space<vmem>> -> memref<10x1024xi32, #tpu.memory_space<vmem>>
      %dma_wait3A_60 = arith.constant 0 : i32
      %dma_wait3A_61 = arith.constant 0 : i32
      %dma_wait3A_62 = tpu.memref_slice %arg2[%mul3A_13, %dma_wait3A_60, %dma_wait3A_61] : memref<32x10x1024xi32, #tpu.memory_space<hbm>> -> memref<1x10x1024xi32, #tpu.memory_space<hbm>>
      %dma_wait3A_63 = tpu.memref_squeeze %dma_wait3A_62 : memref<1x10x1024xi32, #tpu.memory_space<hbm>> -> memref<10x1024xi32, #tpu.memory_space<hbm>>
      tpu.wait_dma2 semaphore(%run_scoped3A : memref<!tpu.dma_semaphore, #tpu.memory_space<semaphore_mem>>) src(%dma_wait3A_63 : memref<10x1024xi32, #tpu.memory_space<hbm>>) dst(%dma_wait3A_59 : memref<10x1024xi32, #tpu.memory_space<vmem>>)
      tpu.yield
    }) : () -> ()
    %mul3A_14 = arith.constant 2 : i32
    %mul3A_15 = arith.muli %mul3A_14, %arg1 : i32
    %add3A = arith.constant 1 : i32
    %add3A_16 = arith.addi %mul3A_15, %add3A : i32
    "tpu.region"() ({
      %run_scoped3A = tpu.sem_alloc : memref<!tpu.dma_semaphore, #tpu.memory_space<semaphore_mem>>
      %dma_start3A = arith.constant 10 : i32
      %dma_start3A_38 = arith.constant 0 : i32
      %dma_start3A_39 = tpu.memref_slice %arg7[%dma_start3A, %dma_start3A_38] : memref<20x1024xi32, #tpu.memory_space<vmem>> -> memref<10x1024xi32, #tpu.memory_space<vmem>>
      %dma_start3A_40 = arith.constant 0 : i32
      %dma_start3A_41 = arith.constant 0 : i32
      %dma_start3A_42 = tpu.memref_slice %arg2[%add3A_16, %dma_start3A_40, %dma_start3A_41] : memref<32x10x1024xi32, #tpu.memory_space<hbm>> -> memref<1x10x1024xi32, #tpu.memory_space<hbm>>
      %dma_start3A_43 = tpu.memref_squeeze %dma_start3A_42 : memref<1x10x1024xi32, #tpu.memory_space<hbm>> -> memref<10x1024xi32, #tpu.memory_space<hbm>>
      %dma_start3A_44 = arith.constant 10 : i32
      %dma_start3A_45 = arith.constant 0 : i32
      %dma_start3A_46 = tpu.memref_slice %arg7[%dma_start3A_44, %dma_start3A_45] : memref<20x1024xi32, #tpu.memory_space<vmem>> -> memref<10x1024xi32, #tpu.memory_space<vmem>>
      %dma_start3A_47 = arith.constant 0 : i32
      %dma_start3A_48 = arith.constant 0 : i32
      %dma_start3A_49 = tpu.memref_slice %arg2[%add3A_16, %dma_start3A_47, %dma_start3A_48] : memref<32x10x1024xi32, #tpu.memory_space<hbm>> -> memref<1x10x1024xi32, #tpu.memory_space<hbm>>
      %dma_start3A_50 = tpu.memref_squeeze %dma_start3A_49 : memref<1x10x1024xi32, #tpu.memory_space<hbm>> -> memref<10x1024xi32, #tpu.memory_space<hbm>>
      tpu.enqueue_dma source(%dma_start3A_50 : memref<10x1024xi32, #tpu.memory_space<hbm>>) target(%dma_start3A_46 : memref<10x1024xi32, #tpu.memory_space<vmem>>) target_semaphore(%run_scoped3A : memref<!tpu.dma_semaphore, #tpu.memory_space<semaphore_mem>>)
      %dma_wait3A = arith.constant 10 : i32
      %dma_wait3A_51 = arith.constant 0 : i32
      %dma_wait3A_52 = tpu.memref_slice %arg7[%dma_wait3A, %dma_wait3A_51] : memref<20x1024xi32, #tpu.memory_space<vmem>> -> memref<10x1024xi32, #tpu.memory_space<vmem>>
      %dma_wait3A_53 = arith.constant 0 : i32
      %dma_wait3A_54 = arith.constant 0 : i32
      %dma_wait3A_55 = tpu.memref_slice %arg2[%add3A_16, %dma_wait3A_53, %dma_wait3A_54] : memref<32x10x1024xi32, #tpu.memory_space<hbm>> -> memref<1x10x1024xi32, #tpu.memory_space<hbm>>
      %dma_wait3A_56 = tpu.memref_squeeze %dma_wait3A_55 : memref<1x10x1024xi32, #tpu.memory_space<hbm>> -> memref<10x1024xi32, #tpu.memory_space<hbm>>
      %dma_wait3A_57 = arith.constant 10 : i32
      %dma_wait3A_58 = arith.constant 0 : i32
      %dma_wait3A_59 = tpu.memref_slice %arg7[%dma_wait3A_57, %dma_wait3A_58] : memref<20x1024xi32, #tpu.memory_space<vmem>> -> memref<10x1024xi32, #tpu.memory_space<vmem>>
      %dma_wait3A_60 = arith.constant 0 : i32
      %dma_wait3A_61 = arith.constant 0 : i32
      %dma_wait3A_62 = tpu.memref_slice %arg2[%add3A_16, %dma_wait3A_60, %dma_wait3A_61] : memref<32x10x1024xi32, #tpu.memory_space<hbm>> -> memref<1x10x1024xi32, #tpu.memory_space<hbm>>
      %dma_wait3A_63 = tpu.memref_squeeze %dma_wait3A_62 : memref<1x10x1024xi32, #tpu.memory_space<hbm>> -> memref<10x1024xi32, #tpu.memory_space<hbm>>
      tpu.wait_dma2 semaphore(%run_scoped3A : memref<!tpu.dma_semaphore, #tpu.memory_space<semaphore_mem>>) src(%dma_wait3A_63 : memref<10x1024xi32, #tpu.memory_space<hbm>>) dst(%dma_wait3A_59 : memref<10x1024xi32, #tpu.memory_space<vmem>>)
      tpu.yield
    }) : () -> ()
    %broadcast_in_dim3A = arith.constant 1.000000e+00 : f32
    %broadcast_in_dim3A_17 = vector.broadcast %broadcast_in_dim3A : f32 to vector<16xf32>
    %barrier3A = arith.constant 0 : index
    tpu.barrier barrier_id(%barrier3A)
    %scan3A_18 = arith.constant 0 : i32
    %scan3A_19 = arith.constant 0 : i32
    %scan3A_20 = arith.constant 1280 : i32
    %scan3A_21 = arith.addi %scan3A_19, %scan3A_20 : i32
    %scan3A_22 = arith.constant 1 : i32
    scf.for %scan3A_38 = %scan3A_19 to %scan3A_21 step %scan3A_22  : i32 {
      %jit3A = arith.constant 64 : i32
      %div3A = arith.divsi %scan3A_38, %jit3A : i32
      %sign3A = arith.constant 0 : i32
      %sign3A_39 = arith.cmpi sgt, %scan3A_38, %sign3A : i32
      %sign3A_40 = arith.extui %sign3A_39 : i1 to i32
      %sign3A_41 = arith.constant 0 : i32
      %sign3A_42 = arith.cmpi slt, %scan3A_38, %sign3A_41 : i32
      %sign3A_43 = arith.extui %sign3A_42 : i1 to i32
      %sign3A_44 = arith.subi %sign3A_40, %sign3A_43 : i32
      %sign3A_45 = arith.constant 0 : i32
      %sign3A_46 = arith.cmpi sgt, %jit3A, %sign3A_45 : i32
      %sign3A_47 = arith.extui %sign3A_46 : i1 to i32
      %sign3A_48 = arith.constant 0 : i32
      %sign3A_49 = arith.cmpi slt, %jit3A, %sign3A_48 : i32
      %sign3A_50 = arith.extui %sign3A_49 : i1 to i32
      %sign3A_51 = arith.subi %sign3A_47, %sign3A_50 : i32
      %ne3A = arith.cmpi ne, %sign3A_44, %sign3A_51 : i32
      %rem3A = arith.remsi %scan3A_38, %jit3A : i32
      %ne3A_52 = arith.constant 0 : i32
      %ne3A_53 = arith.cmpi ne, %rem3A, %ne3A_52 : i32
      %and3A = arith.andi %ne3A, %ne3A_53 : i1
      %sub3A = arith.constant 1 : i32
      %sub3A_54 = arith.subi %div3A, %sub3A : i32
      %select_n3A = arith.select %and3A, %sub3A_54, %div3A : i32
      %jit3A_55 = arith.constant 64 : i32
      %eq3A = arith.constant 0 : i32
      %eq3A_56 = arith.cmpi eq, %jit3A_55, %eq3A : i32
      %jit3A_57 = arith.constant 1 : i32
      %select_n3A_58 = arith.select %eq3A_56, %jit3A_57, %jit3A_55 : i32
      %rem3A_59 = arith.remsi %scan3A_38, %select_n3A_58 : i32
      %ne3A_60 = arith.constant 0 : i32
      %ne3A_61 = arith.cmpi ne, %rem3A_59, %ne3A_60 : i32
      %lt3A = arith.constant 0 : i32
      %lt3A_62 = arith.cmpi slt, %rem3A_59, %lt3A : i32
      %lt3A_63 = arith.constant 0 : i32
      %lt3A_64 = arith.cmpi slt, %select_n3A_58, %lt3A_63 : i32
      %ne3A_65 = arith.xori %lt3A_62, %lt3A_64 : i1
      %and3A_66 = arith.andi %ne3A_65, %ne3A_61 : i1
      %add3A_67 = arith.addi %rem3A_59, %select_n3A_58 : i32
      %select_n3A_68 = arith.select %and3A_66, %add3A_67, %rem3A_59 : i32
      %mul3A_69 = arith.constant 16 : i32
      %mul3A_70 = arith.muli %select_n3A_68, %mul3A_69 : i32
      %get3A = arith.index_cast %select_n3A : i32 to index
      %get3A_71 = arith.index_cast %mul3A_70 : i32 to index
      %get3A_72 = tpu.vector_load %arg7[%get3A, %get3A_71] {strides = array<i32>} : memref<20x1024xi32, #tpu.memory_space<vmem>>, vector<16xi32>,
      %shift_right_logical3A = arith.constant 4 : i32
      %shift_right_logical3A_73 = vector.broadcast %shift_right_logical3A : i32 to vector<16xi32>
      %shift_right_logical3A_74 = arith.shrui %get3A_72, %shift_right_logical3A_73 : vector<16xi32>
      %and3A_75 = arith.constant 15 : i32
      %and3A_76 = vector.broadcast %and3A_75 : i32 to vector<16xi32>
      %and3A_77 = arith.andi %get3A_72, %and3A_76 : vector<16xi32>
      tpu.vector_store_idx %arg5[%shift_right_logical3A_74, %and3A_77], %broadcast_in_dim3A_17 {add = true} : memref<640x16xf32, #tpu.memory_space<vmem>>[vector<16xi32>, vector<16xi32>], vector<16xf32>,
    }
    %scan3A_23 = arith.constant 1280 : i32
    "tpu.region"() ({
      %run_scoped3A = tpu.sem_alloc : memref<!tpu.dma_semaphore, #tpu.memory_space<semaphore_mem>>
      %dma_start3A = arith.constant 0 : i32
      %dma_start3A_38 = arith.constant 0 : i32
      %dma_start3A_39 = tpu.memref_slice %arg4[%dma_start3A, %dma_start3A_38] : memref<640x16xf32, #tpu.memory_space<vmem_shared>> -> memref<640x16xf32, #tpu.memory_space<vmem_shared>>
      tpu.enqueue_indirect_dma source(%arg5 : memref<640x16xf32, #tpu.memory_space<vmem>>) target(%dma_start3A_39 : memref<640x16xf32, #tpu.memory_space<vmem_shared>>) offsets(%arg6 : memref<640xi32, #tpu.memory_space<vmem>>) semaphore(%run_scoped3A : memref<!tpu.dma_semaphore, #tpu.memory_space<semaphore_mem>>) {add = true}
      %dma_wait3A = arith.constant 0 : i32
      %dma_wait3A_40 = arith.constant 0 : i32
      %dma_wait3A_41 = tpu.memref_slice %arg4[%dma_wait3A, %dma_wait3A_40] : memref<640x16xf32, #tpu.memory_space<vmem_shared>> -> memref<640x16xf32, #tpu.memory_space<vmem_shared>>
      tpu.wait_indirect_dma semaphore(%run_scoped3A : memref<!tpu.dma_semaphore, #tpu.memory_space<semaphore_mem>>) src(%arg5 : memref<640x16xf32, #tpu.memory_space<vmem>>) dst(%dma_wait3A_41 : memref<640x16xf32, #tpu.memory_space<vmem_shared>>)
      tpu.yield
    }) : () -> ()
    %barrier3A_24 = arith.constant 0 : index
    tpu.barrier barrier_id(%barrier3A_24)
    "tpu.region"() ({
      %run_scoped3A = tpu.sem_alloc : memref<!tpu.dma_semaphore, #tpu.memory_space<semaphore_mem>>
      %dma_start3A = arith.constant 0 : i32
      %dma_start3A_38 = tpu.memref_slice %arg4[%mul3A_0, %dma_start3A] : memref<640x16xf32, #tpu.memory_space<vmem_shared>> -> memref<40x16xf32, #tpu.memory_space<vmem_shared>>
      %dma_start3A_39 = arith.constant 0 : i32
      %dma_start3A_40 = tpu.memref_slice %arg4[%mul3A_0, %dma_start3A_39] : memref<640x16xf32, #tpu.memory_space<vmem_shared>> -> memref<40x16xf32, #tpu.memory_space<vmem_shared>>
      tpu.enqueue_dma source(%dma_start3A_40 : memref<40x16xf32, #tpu.memory_space<vmem_shared>>) target(%arg8 : memref<40x16xf32, #tpu.memory_space<vmem>>) target_semaphore(%run_scoped3A : memref<!tpu.dma_semaphore, #tpu.memory_space<semaphore_mem>>)
      %dma_wait3A = arith.constant 0 : i32
      %dma_wait3A_41 = tpu.memref_slice %arg4[%mul3A_0, %dma_wait3A] : memref<640x16xf32, #tpu.memory_space<vmem_shared>> -> memref<40x16xf32, #tpu.memory_space<vmem_shared>>
      %dma_wait3A_42 = arith.constant 0 : i32
      %dma_wait3A_43 = tpu.memref_slice %arg4[%mul3A_0, %dma_wait3A_42] : memref<640x16xf32, #tpu.memory_space<vmem_shared>> -> memref<40x16xf32, #tpu.memory_space<vmem_shared>>
      tpu.wait_dma2 semaphore(%run_scoped3A : memref<!tpu.dma_semaphore, #tpu.memory_space<semaphore_mem>>) src(%dma_wait3A_43 : memref<40x16xf32, #tpu.memory_space<vmem_shared>>) dst(%arg8 : memref<40x16xf32, #tpu.memory_space<vmem>>)
      tpu.yield
    }) : () -> ()
    %scan3A_25 = arith.constant 0 : i32
    %scan3A_26 = arith.constant 0 : i32
    %scan3A_27 = arith.constant 40 : i32
    %scan3A_28 = arith.addi %scan3A_26, %scan3A_27 : i32
    %scan3A_29 = arith.constant 1 : i32
    scf.for %scan3A_38 = %scan3A_26 to %scan3A_28 step %scan3A_29  : i32 {
      %get3A = arith.index_cast %scan3A_38 : i32 to index
      %get3A_39 = arith.constant 0 : index
      %get3A_40 = tpu.vector_load %arg8[%get3A, %get3A_39] {strides = array<i32>} : memref<40x16xf32, #tpu.memory_space<vmem>>, vector<16xf32>,
      %add3A_41 = arith.constant 1.000000e+00 : f32
      %add3A_42 = vector.broadcast %add3A_41 : f32 to vector<16xf32>
      %add3A_43 = arith.addf %get3A_40, %add3A_42 : vector<16xf32>
      %bitcast3A = vector.bitcast %add3A_43 : vector<16xf32> to vector<16xi32>
      %shift_right_arithmetic3A = arith.constant 1 : i32
      %shift_right_arithmetic3A_44 = vector.broadcast %shift_right_arithmetic3A : i32 to vector<16xi32>
      %shift_right_arithmetic3A_45 = arith.shrsi %bitcast3A, %shift_right_arithmetic3A_44 : vector<16xi32>
      %sub3A = arith.constant 1597463007 : i32
      %sub3A_46 = vector.broadcast %sub3A : i32 to vector<16xi32>
      %sub3A_47 = arith.subi %sub3A_46, %shift_right_arithmetic3A_45 : vector<16xi32>
      %bitcast3A_48 = vector.bitcast %sub3A_47 : vector<16xi32> to vector<16xf32>
      %mul3A_49 = arith.constant 5.000000e-01 : f32
      %mul3A_50 = vector.broadcast %mul3A_49 : f32 to vector<16xf32>
      %mul3A_51 = arith.mulf %mul3A_50, %add3A_43 : vector<16xf32>
      %mul3A_52 = arith.mulf %mul3A_51, %bitcast3A_48 : vector<16xf32>
      %mul3A_53 = arith.mulf %mul3A_52, %bitcast3A_48 : vector<16xf32>
      %sub3A_54 = arith.constant 1.500000e+00 : f32
      %sub3A_55 = vector.broadcast %sub3A_54 : f32 to vector<16xf32>
      %sub3A_56 = arith.subf %sub3A_55, %mul3A_53 : vector<16xf32>
      %mul3A_57 = arith.mulf %bitcast3A_48, %sub3A_56 : vector<16xf32>
      %mul3A_58 = arith.constant 5.000000e-01 : f32
      %mul3A_59 = vector.broadcast %mul3A_58 : f32 to vector<16xf32>
      %mul3A_60 = arith.mulf %mul3A_59, %add3A_43 : vector<16xf32>
      %mul3A_61 = arith.mulf %mul3A_60, %mul3A_57 : vector<16xf32>
      %mul3A_62 = arith.mulf %mul3A_61, %mul3A_57 : vector<16xf32>
      %sub3A_63 = arith.constant 1.500000e+00 : f32
      %sub3A_64 = vector.broadcast %sub3A_63 : f32 to vector<16xf32>
      %sub3A_65 = arith.subf %sub3A_64, %mul3A_62 : vector<16xf32>
      %mul3A_66 = arith.mulf %mul3A_57, %sub3A_65 : vector<16xf32>
      %mul3A_67 = arith.constant 5.000000e-01 : f32
      %mul3A_68 = vector.broadcast %mul3A_67 : f32 to vector<16xf32>
      %mul3A_69 = arith.mulf %mul3A_68, %add3A_43 : vector<16xf32>
      %mul3A_70 = arith.mulf %mul3A_69, %mul3A_66 : vector<16xf32>
      %mul3A_71 = arith.mulf %mul3A_70, %mul3A_66 : vector<16xf32>
      %sub3A_72 = arith.constant 1.500000e+00 : f32
      %sub3A_73 = vector.broadcast %sub3A_72 : f32 to vector<16xf32>
      %sub3A_74 = arith.subf %sub3A_73, %mul3A_71 : vector<16xf32>
      %mul3A_75 = arith.mulf %mul3A_66, %sub3A_74 : vector<16xf32>
      %swap3A = arith.index_cast %scan3A_38 : i32 to index
      %swap3A_76 = arith.constant 0 : index
      %swap3A_77 = tpu.vector_load %arg8[%swap3A, %swap3A_76] {strides = array<i32>} : memref<40x16xf32, #tpu.memory_space<vmem>>, vector<16xf32>,
      tpu.vector_store %arg8[%swap3A, %swap3A_76], %mul3A_75 {strides = array<i32>} : memref<40x16xf32, #tpu.memory_space<vmem>>, vector<16xf32>,
    }
    %scan3A_30 = arith.constant 40 : i32
    %mul3A_31 = arith.constant 20 : i32
    %mul3A_32 = arith.muli %arg0, %mul3A_31 : i32
    %mul3A_33 = arith.constant 40 : i32
    %mul3A_34 = arith.muli %arg1, %mul3A_33 : i32
    %mul3A_35 = arith.constant 20 : i32
    %mul3A_36 = arith.muli %arg0, %mul3A_35 : i32
    %add3A_37 = arith.addi %mul3A_34, %mul3A_36 : i32
    "tpu.region"() ({
      %run_scoped3A = tpu.sem_alloc : memref<!tpu.dma_semaphore, #tpu.memory_space<semaphore_mem>>
      %dma_start3A = arith.constant 0 : i32
      %dma_start3A_38 = tpu.memref_slice %arg8[%mul3A_32, %dma_start3A] : memref<40x16xf32, #tpu.memory_space<vmem>> -> memref<20x16xf32, #tpu.memory_space<vmem>>
      %dma_start3A_39 = arith.constant 0 : i32
      %dma_start3A_40 = tpu.memref_slice %arg3[%add3A_37, %dma_start3A_39] : memref<640x16xf32, #tpu.memory_space<hbm>> -> memref<20x16xf32, #tpu.memory_space<hbm>>
      %dma_start3A_41 = arith.constant 0 : i32
      %dma_start3A_42 = tpu.memref_slice %arg3[%add3A_37, %dma_start3A_41] : memref<640x16xf32, #tpu.memory_space<hbm>> -> memref<20x16xf32, #tpu.memory_space<hbm>>
      %dma_start3A_43 = arith.constant 0 : i32
      %dma_start3A_44 = tpu.memref_slice %arg8[%mul3A_32, %dma_start3A_43] : memref<40x16xf32, #tpu.memory_space<vmem>> -> memref<20x16xf32, #tpu.memory_space<vmem>>
      tpu.enqueue_dma source(%dma_start3A_44 : memref<20x16xf32, #tpu.memory_space<vmem>>) target(%dma_start3A_42 : memref<20x16xf32, #tpu.memory_space<hbm>>) target_semaphore(%run_scoped3A : memref<!tpu.dma_semaphore, #tpu.memory_space<semaphore_mem>>)
      %dma_wait3A = arith.constant 0 : i32
      %dma_wait3A_45 = tpu.memref_slice %arg8[%mul3A_32, %dma_wait3A] : memref<40x16xf32, #tpu.memory_space<vmem>> -> memref<20x16xf32, #tpu.memory_space<vmem>>
      %dma_wait3A_46 = arith.constant 0 : i32
      %dma_wait3A_47 = tpu.memref_slice %arg3[%add3A_37, %dma_wait3A_46] : memref<640x16xf32, #tpu.memory_space<hbm>> -> memref<20x16xf32, #tpu.memory_space<hbm>>
      %dma_wait3A_48 = arith.constant 0 : i32
      %dma_wait3A_49 = tpu.memref_slice %arg3[%add3A_37, %dma_wait3A_48] : memref<640x16xf32, #tpu.memory_space<hbm>> -> memref<20x16xf32, #tpu.memory_space<hbm>>
      %dma_wait3A_50 = arith.constant 0 : i32
      %dma_wait3A_51 = tpu.memref_slice %arg8[%mul3A_32, %dma_wait3A_50] : memref<40x16xf32, #tpu.memory_space<vmem>> -> memref<20x16xf32, #tpu.memory_space<vmem>>
      tpu.wait_dma2 semaphore(%run_scoped3A : memref<!tpu.dma_semaphore, #tpu.memory_space<semaphore_mem>>) src(%dma_wait3A_51 : memref<20x16xf32, #tpu.memory_space<vmem>>) dst(%dma_wait3A_49 : memref<20x16xf32, #tpu.memory_space<hbm>>)
      tpu.yield
    }) : () -> ()
    return
  }
}

#map = affine_map<(d0, d1) -> (0, 0)>
#map1 = affine_map<(d0, d1) -> (0, 0, 0)>
module attributes {stable_mosaic.version = 14 : i64} {
  func.func @prop_kernel(%arg0: i32, %arg1: i32, %arg2: memref<10112x16xf32, #tpu.memory_space<hbm>>, %arg3: memref<32x10x1024xi32, #tpu.memory_space<hbm>>, %arg4: memref<32x10x1024xi32, #tpu.memory_space<hbm>>, %arg5: memref<2x10112x16xf32, #tpu.memory_space<hbm>>, %arg6: memref<10112x16xf32, #tpu.memory_space<vmem_shared>>, %arg7: memref<10112x16xf32, #tpu.memory_space<vmem_shared>>, %arg8: memref<10x1024xi32, #tpu.memory_space<vmem>>, %arg9: memref<10x1024xi32, #tpu.memory_space<vmem>>, %arg10: memref<2x1024x16xf32, #tpu.memory_space<vmem>>, %arg11: memref<632x16xf32, #tpu.memory_space<vmem>>, %arg12: memref<!tpu.dma_semaphore, #tpu.memory_space<semaphore_mem>>, %arg13: memref<!tpu.dma_semaphore, #tpu.memory_space<semaphore_mem>>, %arg14: memref<!tpu.dma_semaphore, #tpu.memory_space<semaphore_mem>>, %arg15: memref<!tpu.dma_semaphore, #tpu.memory_space<semaphore_mem>>) attributes {dimension_semantics = [#tpu.dimension_semantics<core_parallel>, #tpu.dimension_semantics<subcore_parallel>], iteration_bounds = array<i64: 2, 16>, scalar_prefetch = 0 : i64, scratch_operands = 10 : i64, tpu.core_type = #tpu.core_type<sc_vector_subcore>, window_params = [{transform_indices = #map}, {transform_indices = #map1}, {transform_indices = #map1}, {transform_indices = #map1}]} {
    %mul3A = arith.constant 2 : i32
    %mul3A_0 = arith.muli %arg1, %mul3A : i32
    %add3A = arith.addi %mul3A_0, %arg0 : i32
    %mul3A_1 = arith.constant 632 : i32
    %mul3A_2 = arith.muli %arg1, %mul3A_1 : i32
    "tpu.region"() ({
      %run_scoped3A = tpu.sem_alloc : memref<!tpu.dma_semaphore, #tpu.memory_space<semaphore_mem>>
      %dma_start3A_32 = arith.constant 0 : i32
      %dma_start3A_33 = tpu.memref_slice %arg2[%mul3A_2, %dma_start3A_32] : memref<10112x16xf32, #tpu.memory_space<hbm>> -> memref<632x16xf32, #tpu.memory_space<hbm>>
      %dma_start3A_34 = arith.constant 0 : i32
      %dma_start3A_35 = tpu.memref_slice %arg2[%mul3A_2, %dma_start3A_34] : memref<10112x16xf32, #tpu.memory_space<hbm>> -> memref<632x16xf32, #tpu.memory_space<hbm>>
      tpu.enqueue_dma source(%dma_start3A_35 : memref<632x16xf32, #tpu.memory_space<hbm>>) target(%arg11 : memref<632x16xf32, #tpu.memory_space<vmem>>) target_semaphore(%run_scoped3A : memref<!tpu.dma_semaphore, #tpu.memory_space<semaphore_mem>>)
      %dma_wait3A = arith.constant 0 : i32
      %dma_wait3A_36 = tpu.memref_slice %arg2[%mul3A_2, %dma_wait3A] : memref<10112x16xf32, #tpu.memory_space<hbm>> -> memref<632x16xf32, #tpu.memory_space<hbm>>
      %dma_wait3A_37 = arith.constant 0 : i32
      %dma_wait3A_38 = tpu.memref_slice %arg2[%mul3A_2, %dma_wait3A_37] : memref<10112x16xf32, #tpu.memory_space<hbm>> -> memref<632x16xf32, #tpu.memory_space<hbm>>
      tpu.wait_dma2 semaphore(%run_scoped3A : memref<!tpu.dma_semaphore, #tpu.memory_space<semaphore_mem>>) src(%dma_wait3A_38 : memref<632x16xf32, #tpu.memory_space<hbm>>) dst(%arg11 : memref<632x16xf32, #tpu.memory_space<vmem>>)
      tpu.yield
    }) : () -> ()
    "tpu.region"() ({
      %run_scoped3A = tpu.sem_alloc : memref<!tpu.dma_semaphore, #tpu.memory_space<semaphore_mem>>
      %dma_start3A_32 = arith.constant 0 : i32
      %dma_start3A_33 = tpu.memref_slice %arg6[%mul3A_2, %dma_start3A_32] : memref<10112x16xf32, #tpu.memory_space<vmem_shared>> -> memref<632x16xf32, #tpu.memory_space<vmem_shared>>
      %dma_start3A_34 = arith.constant 0 : i32
      %dma_start3A_35 = tpu.memref_slice %arg6[%mul3A_2, %dma_start3A_34] : memref<10112x16xf32, #tpu.memory_space<vmem_shared>> -> memref<632x16xf32, #tpu.memory_space<vmem_shared>>
      tpu.enqueue_dma source(%arg11 : memref<632x16xf32, #tpu.memory_space<vmem>>) target(%dma_start3A_35 : memref<632x16xf32, #tpu.memory_space<vmem_shared>>) target_semaphore(%run_scoped3A : memref<!tpu.dma_semaphore, #tpu.memory_space<semaphore_mem>>)
      %dma_wait3A = arith.constant 0 : i32
      %dma_wait3A_36 = tpu.memref_slice %arg6[%mul3A_2, %dma_wait3A] : memref<10112x16xf32, #tpu.memory_space<vmem_shared>> -> memref<632x16xf32, #tpu.memory_space<vmem_shared>>
      %dma_wait3A_37 = arith.constant 0 : i32
      %dma_wait3A_38 = tpu.memref_slice %arg6[%mul3A_2, %dma_wait3A_37] : memref<10112x16xf32, #tpu.memory_space<vmem_shared>> -> memref<632x16xf32, #tpu.memory_space<vmem_shared>>
      tpu.wait_dma2 semaphore(%run_scoped3A : memref<!tpu.dma_semaphore, #tpu.memory_space<semaphore_mem>>) src(%arg11 : memref<632x16xf32, #tpu.memory_space<vmem>>) dst(%dma_wait3A_38 : memref<632x16xf32, #tpu.memory_space<vmem_shared>>)
      tpu.yield
    }) : () -> ()
    "tpu.region"() ({
      %run_scoped3A = tpu.sem_alloc : memref<!tpu.dma_semaphore, #tpu.memory_space<semaphore_mem>>
      %dma_start3A_32 = arith.constant 0 : i32
      %dma_start3A_33 = tpu.memref_slice %arg7[%mul3A_2, %dma_start3A_32] : memref<10112x16xf32, #tpu.memory_space<vmem_shared>> -> memref<632x16xf32, #tpu.memory_space<vmem_shared>>
      %dma_start3A_34 = arith.constant 0 : i32
      %dma_start3A_35 = tpu.memref_slice %arg7[%mul3A_2, %dma_start3A_34] : memref<10112x16xf32, #tpu.memory_space<vmem_shared>> -> memref<632x16xf32, #tpu.memory_space<vmem_shared>>
      tpu.enqueue_dma source(%arg11 : memref<632x16xf32, #tpu.memory_space<vmem>>) target(%dma_start3A_35 : memref<632x16xf32, #tpu.memory_space<vmem_shared>>) target_semaphore(%run_scoped3A : memref<!tpu.dma_semaphore, #tpu.memory_space<semaphore_mem>>)
      %dma_wait3A = arith.constant 0 : i32
      %dma_wait3A_36 = tpu.memref_slice %arg7[%mul3A_2, %dma_wait3A] : memref<10112x16xf32, #tpu.memory_space<vmem_shared>> -> memref<632x16xf32, #tpu.memory_space<vmem_shared>>
      %dma_wait3A_37 = arith.constant 0 : i32
      %dma_wait3A_38 = tpu.memref_slice %arg7[%mul3A_2, %dma_wait3A_37] : memref<10112x16xf32, #tpu.memory_space<vmem_shared>> -> memref<632x16xf32, #tpu.memory_space<vmem_shared>>
      tpu.wait_dma2 semaphore(%run_scoped3A : memref<!tpu.dma_semaphore, #tpu.memory_space<semaphore_mem>>) src(%arg11 : memref<632x16xf32, #tpu.memory_space<vmem>>) dst(%dma_wait3A_38 : memref<632x16xf32, #tpu.memory_space<vmem_shared>>)
      tpu.yield
    }) : () -> ()
    "tpu.region"() ({
      %run_scoped3A = tpu.sem_alloc : memref<!tpu.dma_semaphore, #tpu.memory_space<semaphore_mem>>
      %dma_start3A_32 = arith.constant 0 : i32
      %dma_start3A_33 = arith.constant 0 : i32
      %dma_start3A_34 = tpu.memref_slice %arg3[%add3A, %dma_start3A_32, %dma_start3A_33] : memref<32x10x1024xi32, #tpu.memory_space<hbm>> -> memref<1x10x1024xi32, #tpu.memory_space<hbm>>
      %dma_start3A_35 = tpu.memref_squeeze %dma_start3A_34 : memref<1x10x1024xi32, #tpu.memory_space<hbm>> -> memref<10x1024xi32, #tpu.memory_space<hbm>>
      %dma_start3A_36 = arith.constant 0 : i32
      %dma_start3A_37 = arith.constant 0 : i32
      %dma_start3A_38 = tpu.memref_slice %arg3[%add3A, %dma_start3A_36, %dma_start3A_37] : memref<32x10x1024xi32, #tpu.memory_space<hbm>> -> memref<1x10x1024xi32, #tpu.memory_space<hbm>>
      %dma_start3A_39 = tpu.memref_squeeze %dma_start3A_38 : memref<1x10x1024xi32, #tpu.memory_space<hbm>> -> memref<10x1024xi32, #tpu.memory_space<hbm>>
      tpu.enqueue_dma source(%dma_start3A_39 : memref<10x1024xi32, #tpu.memory_space<hbm>>) target(%arg8 : memref<10x1024xi32, #tpu.memory_space<vmem>>) target_semaphore(%run_scoped3A : memref<!tpu.dma_semaphore, #tpu.memory_space<semaphore_mem>>)
      %dma_wait3A = arith.constant 0 : i32
      %dma_wait3A_40 = arith.constant 0 : i32
      %dma_wait3A_41 = tpu.memref_slice %arg3[%add3A, %dma_wait3A, %dma_wait3A_40] : memref<32x10x1024xi32, #tpu.memory_space<hbm>> -> memref<1x10x1024xi32, #tpu.memory_space<hbm>>
      %dma_wait3A_42 = tpu.memref_squeeze %dma_wait3A_41 : memref<1x10x1024xi32, #tpu.memory_space<hbm>> -> memref<10x1024xi32, #tpu.memory_space<hbm>>
      %dma_wait3A_43 = arith.constant 0 : i32
      %dma_wait3A_44 = arith.constant 0 : i32
      %dma_wait3A_45 = tpu.memref_slice %arg3[%add3A, %dma_wait3A_43, %dma_wait3A_44] : memref<32x10x1024xi32, #tpu.memory_space<hbm>> -> memref<1x10x1024xi32, #tpu.memory_space<hbm>>
      %dma_wait3A_46 = tpu.memref_squeeze %dma_wait3A_45 : memref<1x10x1024xi32, #tpu.memory_space<hbm>> -> memref<10x1024xi32, #tpu.memory_space<hbm>>
      tpu.wait_dma2 semaphore(%run_scoped3A : memref<!tpu.dma_semaphore, #tpu.memory_space<semaphore_mem>>) src(%dma_wait3A_46 : memref<10x1024xi32, #tpu.memory_space<hbm>>) dst(%arg8 : memref<10x1024xi32, #tpu.memory_space<vmem>>)
      tpu.yield
    }) : () -> ()
    "tpu.region"() ({
      %run_scoped3A = tpu.sem_alloc : memref<!tpu.dma_semaphore, #tpu.memory_space<semaphore_mem>>
      %dma_start3A_32 = arith.constant 0 : i32
      %dma_start3A_33 = arith.constant 0 : i32
      %dma_start3A_34 = tpu.memref_slice %arg4[%add3A, %dma_start3A_32, %dma_start3A_33] : memref<32x10x1024xi32, #tpu.memory_space<hbm>> -> memref<1x10x1024xi32, #tpu.memory_space<hbm>>
      %dma_start3A_35 = tpu.memref_squeeze %dma_start3A_34 : memref<1x10x1024xi32, #tpu.memory_space<hbm>> -> memref<10x1024xi32, #tpu.memory_space<hbm>>
      %dma_start3A_36 = arith.constant 0 : i32
      %dma_start3A_37 = arith.constant 0 : i32
      %dma_start3A_38 = tpu.memref_slice %arg4[%add3A, %dma_start3A_36, %dma_start3A_37] : memref<32x10x1024xi32, #tpu.memory_space<hbm>> -> memref<1x10x1024xi32, #tpu.memory_space<hbm>>
      %dma_start3A_39 = tpu.memref_squeeze %dma_start3A_38 : memref<1x10x1024xi32, #tpu.memory_space<hbm>> -> memref<10x1024xi32, #tpu.memory_space<hbm>>
      tpu.enqueue_dma source(%dma_start3A_39 : memref<10x1024xi32, #tpu.memory_space<hbm>>) target(%arg9 : memref<10x1024xi32, #tpu.memory_space<vmem>>) target_semaphore(%run_scoped3A : memref<!tpu.dma_semaphore, #tpu.memory_space<semaphore_mem>>)
      %dma_wait3A = arith.constant 0 : i32
      %dma_wait3A_40 = arith.constant 0 : i32
      %dma_wait3A_41 = tpu.memref_slice %arg4[%add3A, %dma_wait3A, %dma_wait3A_40] : memref<32x10x1024xi32, #tpu.memory_space<hbm>> -> memref<1x10x1024xi32, #tpu.memory_space<hbm>>
      %dma_wait3A_42 = tpu.memref_squeeze %dma_wait3A_41 : memref<1x10x1024xi32, #tpu.memory_space<hbm>> -> memref<10x1024xi32, #tpu.memory_space<hbm>>
      %dma_wait3A_43 = arith.constant 0 : i32
      %dma_wait3A_44 = arith.constant 0 : i32
      %dma_wait3A_45 = tpu.memref_slice %arg4[%add3A, %dma_wait3A_43, %dma_wait3A_44] : memref<32x10x1024xi32, #tpu.memory_space<hbm>> -> memref<1x10x1024xi32, #tpu.memory_space<hbm>>
      %dma_wait3A_46 = tpu.memref_squeeze %dma_wait3A_45 : memref<1x10x1024xi32, #tpu.memory_space<hbm>> -> memref<10x1024xi32, #tpu.memory_space<hbm>>
      tpu.wait_dma2 semaphore(%run_scoped3A : memref<!tpu.dma_semaphore, #tpu.memory_space<semaphore_mem>>) src(%dma_wait3A_46 : memref<10x1024xi32, #tpu.memory_space<hbm>>) dst(%arg9 : memref<10x1024xi32, #tpu.memory_space<vmem>>)
      tpu.yield
    }) : () -> ()
    %barrier3A = arith.constant 0 : index
    tpu.barrier barrier_id(%barrier3A)
    %dma_start3A = arith.constant 0 : i32
    %dma_start3A_3 = arith.constant 0 : i32
    %dma_start3A_4 = arith.constant 0 : i32
    %dma_start3A_5 = arith.constant 0 : i32
    %dma_start3A_6 = tpu.memref_slice %arg10[%dma_start3A_3, %dma_start3A_4, %dma_start3A_5] : memref<2x1024x16xf32, #tpu.memory_space<vmem>> -> memref<1x1024x16xf32, #tpu.memory_space<vmem>>
    %dma_start3A_7 = tpu.memref_squeeze %dma_start3A_6 : memref<1x1024x16xf32, #tpu.memory_space<vmem>> -> memref<1024x16xf32, #tpu.memory_space<vmem>>
    %dma_start3A_8 = arith.constant 0 : i32
    %dma_start3A_9 = tpu.memref_slice %arg8[%dma_start3A, %dma_start3A_8] : memref<10x1024xi32, #tpu.memory_space<vmem>> -> memref<1x1024xi32, #tpu.memory_space<vmem>>
    %dma_start3A_10 = tpu.memref_squeeze %dma_start3A_9 : memref<1x1024xi32, #tpu.memory_space<vmem>> -> memref<1024xi32, #tpu.memory_space<vmem>>
    %dma_start3A_11 = arith.constant 0 : i32
    %dma_start3A_12 = arith.constant 0 : i32
    %dma_start3A_13 = tpu.memref_slice %arg7[%dma_start3A_11, %dma_start3A_12] : memref<10112x16xf32, #tpu.memory_space<vmem_shared>> -> memref<10112x16xf32, #tpu.memory_space<vmem_shared>>
    tpu.enqueue_indirect_dma source(%dma_start3A_13 : memref<10112x16xf32, #tpu.memory_space<vmem_shared>>) target(%dma_start3A_7 : memref<1024x16xf32, #tpu.memory_space<vmem>>) offsets(%dma_start3A_10 : memref<1024xi32, #tpu.memory_space<vmem>>) semaphore(%arg12 : memref<!tpu.dma_semaphore, #tpu.memory_space<semaphore_mem>>)
    %dma_start3A_14 = arith.constant 1 : i32
    %dma_start3A_15 = arith.constant 1 : i32
    %dma_start3A_16 = arith.constant 0 : i32
    %dma_start3A_17 = arith.constant 0 : i32
    %dma_start3A_18 = tpu.memref_slice %arg10[%dma_start3A_15, %dma_start3A_16, %dma_start3A_17] : memref<2x1024x16xf32, #tpu.memory_space<vmem>> -> memref<1x1024x16xf32, #tpu.memory_space<vmem>>
    %dma_start3A_19 = tpu.memref_squeeze %dma_start3A_18 : memref<1x1024x16xf32, #tpu.memory_space<vmem>> -> memref<1024x16xf32, #tpu.memory_space<vmem>>
    %dma_start3A_20 = arith.constant 0 : i32
    %dma_start3A_21 = tpu.memref_slice %arg8[%dma_start3A_14, %dma_start3A_20] : memref<10x1024xi32, #tpu.memory_space<vmem>> -> memref<1x1024xi32, #tpu.memory_space<vmem>>
    %dma_start3A_22 = tpu.memref_squeeze %dma_start3A_21 : memref<1x1024xi32, #tpu.memory_space<vmem>> -> memref<1024xi32, #tpu.memory_space<vmem>>
    %dma_start3A_23 = arith.constant 0 : i32
    %dma_start3A_24 = arith.constant 0 : i32
    %dma_start3A_25 = tpu.memref_slice %arg7[%dma_start3A_23, %dma_start3A_24] : memref<10112x16xf32, #tpu.memory_space<vmem_shared>> -> memref<10112x16xf32, #tpu.memory_space<vmem_shared>>
    tpu.enqueue_indirect_dma source(%dma_start3A_25 : memref<10112x16xf32, #tpu.memory_space<vmem_shared>>) target(%dma_start3A_19 : memref<1024x16xf32, #tpu.memory_space<vmem>>) offsets(%dma_start3A_22 : memref<1024xi32, #tpu.memory_space<vmem>>) semaphore(%arg13 : memref<!tpu.dma_semaphore, #tpu.memory_space<semaphore_mem>>)
    %scan3A = arith.constant 0 : i32
    %scan3A_26 = arith.constant 0 : i32
    %scan3A_27 = arith.constant 5 : i32
    %scan3A_28 = arith.addi %scan3A_26, %scan3A_27 : i32
    %scan3A_29 = arith.constant 1 : i32
    scf.for %scan3A_32 = %scan3A_26 to %scan3A_28 step %scan3A_29  : i32 {
      %mul3A_33 = arith.constant 2 : i32
      %mul3A_34 = arith.muli %scan3A_32, %mul3A_33 : i32
      %add3A_35 = arith.constant 0 : i32
      %add3A_36 = arith.addi %mul3A_34, %add3A_35 : i32
      %dma_wait3A = arith.constant 0 : i32
      %dma_wait3A_37 = arith.constant 0 : i32
      %dma_wait3A_38 = arith.constant 0 : i32
      %dma_wait3A_39 = tpu.memref_slice %arg10[%dma_wait3A, %dma_wait3A_37, %dma_wait3A_38] : memref<2x1024x16xf32, #tpu.memory_space<vmem>> -> memref<1x1024x16xf32, #tpu.memory_space<vmem>>
      %dma_wait3A_40 = tpu.memref_squeeze %dma_wait3A_39 : memref<1x1024x16xf32, #tpu.memory_space<vmem>> -> memref<1024x16xf32, #tpu.memory_space<vmem>>
      %dma_wait3A_41 = arith.constant 0 : i32
      %dma_wait3A_42 = tpu.memref_slice %arg8[%add3A_36, %dma_wait3A_41] : memref<10x1024xi32, #tpu.memory_space<vmem>> -> memref<1x1024xi32, #tpu.memory_space<vmem>>
      %dma_wait3A_43 = tpu.memref_squeeze %dma_wait3A_42 : memref<1x1024xi32, #tpu.memory_space<vmem>> -> memref<1024xi32, #tpu.memory_space<vmem>>
      %dma_wait3A_44 = arith.constant 0 : i32
      %dma_wait3A_45 = arith.constant 0 : i32
      %dma_wait3A_46 = tpu.memref_slice %arg7[%dma_wait3A_44, %dma_wait3A_45] : memref<10112x16xf32, #tpu.memory_space<vmem_shared>> -> memref<10112x16xf32, #tpu.memory_space<vmem_shared>>
      tpu.wait_indirect_dma semaphore(%arg12 : memref<!tpu.dma_semaphore, #tpu.memory_space<semaphore_mem>>) src(%dma_wait3A_46 : memref<10112x16xf32, #tpu.memory_space<vmem_shared>>) dst(%dma_wait3A_40 : memref<1024x16xf32, #tpu.memory_space<vmem>>)
      %dma_start3A_47 = arith.constant 0 : i32
      %dma_start3A_48 = arith.constant 0 : i32
      %dma_start3A_49 = arith.constant 0 : i32
      %dma_start3A_50 = tpu.memref_slice %arg10[%dma_start3A_47, %dma_start3A_48, %dma_start3A_49] : memref<2x1024x16xf32, #tpu.memory_space<vmem>> -> memref<1x1024x16xf32, #tpu.memory_space<vmem>>
      %dma_start3A_51 = tpu.memref_squeeze %dma_start3A_50 : memref<1x1024x16xf32, #tpu.memory_space<vmem>> -> memref<1024x16xf32, #tpu.memory_space<vmem>>
      %dma_start3A_52 = arith.constant 0 : i32
      %dma_start3A_53 = tpu.memref_slice %arg9[%add3A_36, %dma_start3A_52] : memref<10x1024xi32, #tpu.memory_space<vmem>> -> memref<1x1024xi32, #tpu.memory_space<vmem>>
      %dma_start3A_54 = tpu.memref_squeeze %dma_start3A_53 : memref<1x1024xi32, #tpu.memory_space<vmem>> -> memref<1024xi32, #tpu.memory_space<vmem>>
      %dma_start3A_55 = arith.constant 0 : i32
      %dma_start3A_56 = arith.constant 0 : i32
      %dma_start3A_57 = tpu.memref_slice %arg6[%dma_start3A_55, %dma_start3A_56] : memref<10112x16xf32, #tpu.memory_space<vmem_shared>> -> memref<10112x16xf32, #tpu.memory_space<vmem_shared>>
      tpu.enqueue_indirect_dma source(%dma_start3A_51 : memref<1024x16xf32, #tpu.memory_space<vmem>>) target(%dma_start3A_57 : memref<10112x16xf32, #tpu.memory_space<vmem_shared>>) offsets(%dma_start3A_54 : memref<1024xi32, #tpu.memory_space<vmem>>) semaphore(%arg14 : memref<!tpu.dma_semaphore, #tpu.memory_space<semaphore_mem>>) {add = true}
      %mul3A_58 = arith.constant 2 : i32
      %mul3A_59 = arith.muli %scan3A_32, %mul3A_58 : i32
      %add3A_60 = arith.constant 1 : i32
      %add3A_61 = arith.addi %mul3A_59, %add3A_60 : i32
      %dma_wait3A_62 = arith.constant 1 : i32
      %dma_wait3A_63 = arith.constant 0 : i32
      %dma_wait3A_64 = arith.constant 0 : i32
      %dma_wait3A_65 = tpu.memref_slice %arg10[%dma_wait3A_62, %dma_wait3A_63, %dma_wait3A_64] : memref<2x1024x16xf32, #tpu.memory_space<vmem>> -> memref<1x1024x16xf32, #tpu.memory_space<vmem>>
      %dma_wait3A_66 = tpu.memref_squeeze %dma_wait3A_65 : memref<1x1024x16xf32, #tpu.memory_space<vmem>> -> memref<1024x16xf32, #tpu.memory_space<vmem>>
      %dma_wait3A_67 = arith.constant 0 : i32
      %dma_wait3A_68 = tpu.memref_slice %arg8[%add3A_61, %dma_wait3A_67] : memref<10x1024xi32, #tpu.memory_space<vmem>> -> memref<1x1024xi32, #tpu.memory_space<vmem>>
      %dma_wait3A_69 = tpu.memref_squeeze %dma_wait3A_68 : memref<1x1024xi32, #tpu.memory_space<vmem>> -> memref<1024xi32, #tpu.memory_space<vmem>>
      %dma_wait3A_70 = arith.constant 0 : i32
      %dma_wait3A_71 = arith.constant 0 : i32
      %dma_wait3A_72 = tpu.memref_slice %arg7[%dma_wait3A_70, %dma_wait3A_71] : memref<10112x16xf32, #tpu.memory_space<vmem_shared>> -> memref<10112x16xf32, #tpu.memory_space<vmem_shared>>
      tpu.wait_indirect_dma semaphore(%arg13 : memref<!tpu.dma_semaphore, #tpu.memory_space<semaphore_mem>>) src(%dma_wait3A_72 : memref<10112x16xf32, #tpu.memory_space<vmem_shared>>) dst(%dma_wait3A_66 : memref<1024x16xf32, #tpu.memory_space<vmem>>)
      %dma_start3A_73 = arith.constant 1 : i32
      %dma_start3A_74 = arith.constant 0 : i32
      %dma_start3A_75 = arith.constant 0 : i32
      %dma_start3A_76 = tpu.memref_slice %arg10[%dma_start3A_73, %dma_start3A_74, %dma_start3A_75] : memref<2x1024x16xf32, #tpu.memory_space<vmem>> -> memref<1x1024x16xf32, #tpu.memory_space<vmem>>
      %dma_start3A_77 = tpu.memref_squeeze %dma_start3A_76 : memref<1x1024x16xf32, #tpu.memory_space<vmem>> -> memref<1024x16xf32, #tpu.memory_space<vmem>>
      %dma_start3A_78 = arith.constant 0 : i32
      %dma_start3A_79 = tpu.memref_slice %arg9[%add3A_61, %dma_start3A_78] : memref<10x1024xi32, #tpu.memory_space<vmem>> -> memref<1x1024xi32, #tpu.memory_space<vmem>>
      %dma_start3A_80 = tpu.memref_squeeze %dma_start3A_79 : memref<1x1024xi32, #tpu.memory_space<vmem>> -> memref<1024xi32, #tpu.memory_space<vmem>>
      %dma_start3A_81 = arith.constant 0 : i32
      %dma_start3A_82 = arith.constant 0 : i32
      %dma_start3A_83 = tpu.memref_slice %arg6[%dma_start3A_81, %dma_start3A_82] : memref<10112x16xf32, #tpu.memory_space<vmem_shared>> -> memref<10112x16xf32, #tpu.memory_space<vmem_shared>>
      tpu.enqueue_indirect_dma source(%dma_start3A_77 : memref<1024x16xf32, #tpu.memory_space<vmem>>) target(%dma_start3A_83 : memref<10112x16xf32, #tpu.memory_space<vmem_shared>>) offsets(%dma_start3A_80 : memref<1024xi32, #tpu.memory_space<vmem>>) semaphore(%arg15 : memref<!tpu.dma_semaphore, #tpu.memory_space<semaphore_mem>>) {add = true}
      %mul3A_84 = arith.constant 2 : i32
      %mul3A_85 = arith.muli %scan3A_32, %mul3A_84 : i32
      %add3A_86 = arith.constant 0 : i32
      %add3A_87 = arith.addi %mul3A_85, %add3A_86 : i32
      %dma_wait3A_88 = arith.constant 0 : i32
      %dma_wait3A_89 = arith.constant 0 : i32
      %dma_wait3A_90 = arith.constant 0 : i32
      %dma_wait3A_91 = tpu.memref_slice %arg10[%dma_wait3A_88, %dma_wait3A_89, %dma_wait3A_90] : memref<2x1024x16xf32, #tpu.memory_space<vmem>> -> memref<1x1024x16xf32, #tpu.memory_space<vmem>>
      %dma_wait3A_92 = tpu.memref_squeeze %dma_wait3A_91 : memref<1x1024x16xf32, #tpu.memory_space<vmem>> -> memref<1024x16xf32, #tpu.memory_space<vmem>>
      %dma_wait3A_93 = arith.constant 0 : i32
      %dma_wait3A_94 = tpu.memref_slice %arg9[%add3A_87, %dma_wait3A_93] : memref<10x1024xi32, #tpu.memory_space<vmem>> -> memref<1x1024xi32, #tpu.memory_space<vmem>>
      %dma_wait3A_95 = tpu.memref_squeeze %dma_wait3A_94 : memref<1x1024xi32, #tpu.memory_space<vmem>> -> memref<1024xi32, #tpu.memory_space<vmem>>
      %dma_wait3A_96 = arith.constant 0 : i32
      %dma_wait3A_97 = arith.constant 0 : i32
      %dma_wait3A_98 = tpu.memref_slice %arg6[%dma_wait3A_96, %dma_wait3A_97] : memref<10112x16xf32, #tpu.memory_space<vmem_shared>> -> memref<10112x16xf32, #tpu.memory_space<vmem_shared>>
      tpu.wait_indirect_dma semaphore(%arg14 : memref<!tpu.dma_semaphore, #tpu.memory_space<semaphore_mem>>) src(%dma_wait3A_92 : memref<1024x16xf32, #tpu.memory_space<vmem>>) dst(%dma_wait3A_98 : memref<10112x16xf32, #tpu.memory_space<vmem_shared>>)
      %add3A_99 = arith.constant 1 : i32
      %add3A_100 = arith.addi %scan3A_32, %add3A_99 : i32
      %lt3A = arith.constant 5 : i32
      %lt3A_101 = arith.cmpi slt, %add3A_100, %lt3A : i32
      %convert_element_type3A = arith.extui %lt3A_101 : i1 to i32
      %cond3A = arith.constant 0 : i32
      %cond3A_102 = arith.cmpi ne, %convert_element_type3A, %cond3A : i32
      scf.if %cond3A_102 {
        %add3A_125 = arith.constant 2 : i32
        %add3A_126 = arith.addi %add3A_87, %add3A_125 : i32
        %dma_start3A_127 = arith.constant 0 : i32
        %dma_start3A_128 = arith.constant 0 : i32
        %dma_start3A_129 = arith.constant 0 : i32
        %dma_start3A_130 = tpu.memref_slice %arg10[%dma_start3A_127, %dma_start3A_128, %dma_start3A_129] : memref<2x1024x16xf32, #tpu.memory_space<vmem>> -> memref<1x1024x16xf32, #tpu.memory_space<vmem>>
        %dma_start3A_131 = tpu.memref_squeeze %dma_start3A_130 : memref<1x1024x16xf32, #tpu.memory_space<vmem>> -> memref<1024x16xf32, #tpu.memory_space<vmem>>
        %dma_start3A_132 = arith.constant 0 : i32
        %dma_start3A_133 = tpu.memref_slice %arg8[%add3A_126, %dma_start3A_132] : memref<10x1024xi32, #tpu.memory_space<vmem>> -> memref<1x1024xi32, #tpu.memory_space<vmem>>
        %dma_start3A_134 = tpu.memref_squeeze %dma_start3A_133 : memref<1x1024xi32, #tpu.memory_space<vmem>> -> memref<1024xi32, #tpu.memory_space<vmem>>
        %dma_start3A_135 = arith.constant 0 : i32
        %dma_start3A_136 = arith.constant 0 : i32
        %dma_start3A_137 = tpu.memref_slice %arg7[%dma_start3A_135, %dma_start3A_136] : memref<10112x16xf32, #tpu.memory_space<vmem_shared>> -> memref<10112x16xf32, #tpu.memory_space<vmem_shared>>
        tpu.enqueue_indirect_dma source(%dma_start3A_137 : memref<10112x16xf32, #tpu.memory_space<vmem_shared>>) target(%dma_start3A_131 : memref<1024x16xf32, #tpu.memory_space<vmem>>) offsets(%dma_start3A_134 : memref<1024xi32, #tpu.memory_space<vmem>>) semaphore(%arg12 : memref<!tpu.dma_semaphore, #tpu.memory_space<semaphore_mem>>)
      } else {
      }
      %mul3A_103 = arith.constant 2 : i32
      %mul3A_104 = arith.muli %scan3A_32, %mul3A_103 : i32
      %add3A_105 = arith.constant 1 : i32
      %add3A_106 = arith.addi %mul3A_104, %add3A_105 : i32
      %dma_wait3A_107 = arith.constant 1 : i32
      %dma_wait3A_108 = arith.constant 0 : i32
      %dma_wait3A_109 = arith.constant 0 : i32
      %dma_wait3A_110 = tpu.memref_slice %arg10[%dma_wait3A_107, %dma_wait3A_108, %dma_wait3A_109] : memref<2x1024x16xf32, #tpu.memory_space<vmem>> -> memref<1x1024x16xf32, #tpu.memory_space<vmem>>
      %dma_wait3A_111 = tpu.memref_squeeze %dma_wait3A_110 : memref<1x1024x16xf32, #tpu.memory_space<vmem>> -> memref<1024x16xf32, #tpu.memory_space<vmem>>
      %dma_wait3A_112 = arith.constant 0 : i32
      %dma_wait3A_113 = tpu.memref_slice %arg9[%add3A_106, %dma_wait3A_112] : memref<10x1024xi32, #tpu.memory_space<vmem>> -> memref<1x1024xi32, #tpu.memory_space<vmem>>
      %dma_wait3A_114 = tpu.memref_squeeze %dma_wait3A_113 : memref<1x1024xi32, #tpu.memory_space<vmem>> -> memref<1024xi32, #tpu.memory_space<vmem>>
      %dma_wait3A_115 = arith.constant 0 : i32
      %dma_wait3A_116 = arith.constant 0 : i32
      %dma_wait3A_117 = tpu.memref_slice %arg6[%dma_wait3A_115, %dma_wait3A_116] : memref<10112x16xf32, #tpu.memory_space<vmem_shared>> -> memref<10112x16xf32, #tpu.memory_space<vmem_shared>>
      tpu.wait_indirect_dma semaphore(%arg15 : memref<!tpu.dma_semaphore, #tpu.memory_space<semaphore_mem>>) src(%dma_wait3A_111 : memref<1024x16xf32, #tpu.memory_space<vmem>>) dst(%dma_wait3A_117 : memref<10112x16xf32, #tpu.memory_space<vmem_shared>>)
      %add3A_118 = arith.constant 1 : i32
      %add3A_119 = arith.addi %scan3A_32, %add3A_118 : i32
      %lt3A_120 = arith.constant 5 : i32
      %lt3A_121 = arith.cmpi slt, %add3A_119, %lt3A_120 : i32
      %convert_element_type3A_122 = arith.extui %lt3A_121 : i1 to i32
      %cond3A_123 = arith.constant 0 : i32
      %cond3A_124 = arith.cmpi ne, %convert_element_type3A_122, %cond3A_123 : i32
      scf.if %cond3A_124 {
        %add3A_125 = arith.constant 2 : i32
        %add3A_126 = arith.addi %add3A_106, %add3A_125 : i32
        %dma_start3A_127 = arith.constant 1 : i32
        %dma_start3A_128 = arith.constant 0 : i32
        %dma_start3A_129 = arith.constant 0 : i32
        %dma_start3A_130 = tpu.memref_slice %arg10[%dma_start3A_127, %dma_start3A_128, %dma_start3A_129] : memref<2x1024x16xf32, #tpu.memory_space<vmem>> -> memref<1x1024x16xf32, #tpu.memory_space<vmem>>
        %dma_start3A_131 = tpu.memref_squeeze %dma_start3A_130 : memref<1x1024x16xf32, #tpu.memory_space<vmem>> -> memref<1024x16xf32, #tpu.memory_space<vmem>>
        %dma_start3A_132 = arith.constant 0 : i32
        %dma_start3A_133 = tpu.memref_slice %arg8[%add3A_126, %dma_start3A_132] : memref<10x1024xi32, #tpu.memory_space<vmem>> -> memref<1x1024xi32, #tpu.memory_space<vmem>>
        %dma_start3A_134 = tpu.memref_squeeze %dma_start3A_133 : memref<1x1024xi32, #tpu.memory_space<vmem>> -> memref<1024xi32, #tpu.memory_space<vmem>>
        %dma_start3A_135 = arith.constant 0 : i32
        %dma_start3A_136 = arith.constant 0 : i32
        %dma_start3A_137 = tpu.memref_slice %arg7[%dma_start3A_135, %dma_start3A_136] : memref<10112x16xf32, #tpu.memory_space<vmem_shared>> -> memref<10112x16xf32, #tpu.memory_space<vmem_shared>>
        tpu.enqueue_indirect_dma source(%dma_start3A_137 : memref<10112x16xf32, #tpu.memory_space<vmem_shared>>) target(%dma_start3A_131 : memref<1024x16xf32, #tpu.memory_space<vmem>>) offsets(%dma_start3A_134 : memref<1024xi32, #tpu.memory_space<vmem>>) semaphore(%arg13 : memref<!tpu.dma_semaphore, #tpu.memory_space<semaphore_mem>>)
      } else {
      }
    }
    %scan3A_30 = arith.constant 5 : i32
    %barrier3A_31 = arith.constant 0 : index
    tpu.barrier barrier_id(%barrier3A_31)
    "tpu.region"() ({
      %run_scoped3A = tpu.sem_alloc : memref<!tpu.dma_semaphore, #tpu.memory_space<semaphore_mem>>
      %dma_start3A_32 = arith.constant 0 : i32
      %dma_start3A_33 = tpu.memref_slice %arg6[%mul3A_2, %dma_start3A_32] : memref<10112x16xf32, #tpu.memory_space<vmem_shared>> -> memref<632x16xf32, #tpu.memory_space<vmem_shared>>
      %dma_start3A_34 = arith.constant 0 : i32
      %dma_start3A_35 = tpu.memref_slice %arg6[%mul3A_2, %dma_start3A_34] : memref<10112x16xf32, #tpu.memory_space<vmem_shared>> -> memref<632x16xf32, #tpu.memory_space<vmem_shared>>
      tpu.enqueue_dma source(%dma_start3A_35 : memref<632x16xf32, #tpu.memory_space<vmem_shared>>) target(%arg11 : memref<632x16xf32, #tpu.memory_space<vmem>>) target_semaphore(%run_scoped3A : memref<!tpu.dma_semaphore, #tpu.memory_space<semaphore_mem>>)
      %dma_wait3A = arith.constant 0 : i32
      %dma_wait3A_36 = tpu.memref_slice %arg6[%mul3A_2, %dma_wait3A] : memref<10112x16xf32, #tpu.memory_space<vmem_shared>> -> memref<632x16xf32, #tpu.memory_space<vmem_shared>>
      %dma_wait3A_37 = arith.constant 0 : i32
      %dma_wait3A_38 = tpu.memref_slice %arg6[%mul3A_2, %dma_wait3A_37] : memref<10112x16xf32, #tpu.memory_space<vmem_shared>> -> memref<632x16xf32, #tpu.memory_space<vmem_shared>>
      tpu.wait_dma2 semaphore(%run_scoped3A : memref<!tpu.dma_semaphore, #tpu.memory_space<semaphore_mem>>) src(%dma_wait3A_38 : memref<632x16xf32, #tpu.memory_space<vmem_shared>>) dst(%arg11 : memref<632x16xf32, #tpu.memory_space<vmem>>)
      tpu.yield
    }) : () -> ()
    "tpu.region"() ({
      %run_scoped3A = tpu.sem_alloc : memref<!tpu.dma_semaphore, #tpu.memory_space<semaphore_mem>>
      %dma_start3A_32 = arith.constant 0 : i32
      %dma_start3A_33 = tpu.memref_slice %arg5[%arg0, %mul3A_2, %dma_start3A_32] : memref<2x10112x16xf32, #tpu.memory_space<hbm>> -> memref<1x632x16xf32, #tpu.memory_space<hbm>>
      %dma_start3A_34 = tpu.memref_squeeze %dma_start3A_33 : memref<1x632x16xf32, #tpu.memory_space<hbm>> -> memref<632x16xf32, #tpu.memory_space<hbm>>
      %dma_start3A_35 = arith.constant 0 : i32
      %dma_start3A_36 = tpu.memref_slice %arg5[%arg0, %mul3A_2, %dma_start3A_35] : memref<2x10112x16xf32, #tpu.memory_space<hbm>> -> memref<1x632x16xf32, #tpu.memory_space<hbm>>
      %dma_start3A_37 = tpu.memref_squeeze %dma_start3A_36 : memref<1x632x16xf32, #tpu.memory_space<hbm>> -> memref<632x16xf32, #tpu.memory_space<hbm>>
      tpu.enqueue_dma source(%arg11 : memref<632x16xf32, #tpu.memory_space<vmem>>) target(%dma_start3A_37 : memref<632x16xf32, #tpu.memory_space<hbm>>) target_semaphore(%run_scoped3A : memref<!tpu.dma_semaphore, #tpu.memory_space<semaphore_mem>>)
      %dma_wait3A = arith.constant 0 : i32
      %dma_wait3A_38 = tpu.memref_slice %arg5[%arg0, %mul3A_2, %dma_wait3A] : memref<2x10112x16xf32, #tpu.memory_space<hbm>> -> memref<1x632x16xf32, #tpu.memory_space<hbm>>
      %dma_wait3A_39 = tpu.memref_squeeze %dma_wait3A_38 : memref<1x632x16xf32, #tpu.memory_space<hbm>> -> memref<632x16xf32, #tpu.memory_space<hbm>>
      %dma_wait3A_40 = arith.constant 0 : i32
      %dma_wait3A_41 = tpu.memref_slice %arg5[%arg0, %mul3A_2, %dma_wait3A_40] : memref<2x10112x16xf32, #tpu.memory_space<hbm>> -> memref<1x632x16xf32, #tpu.memory_space<hbm>>
      %dma_wait3A_42 = tpu.memref_squeeze %dma_wait3A_41 : memref<1x632x16xf32, #tpu.memory_space<hbm>> -> memref<632x16xf32, #tpu.memory_space<hbm>>
      tpu.wait_dma2 semaphore(%run_scoped3A : memref<!tpu.dma_semaphore, #tpu.memory_space<semaphore_mem>>) src(%arg11 : memref<632x16xf32, #tpu.memory_space<vmem>>) dst(%dma_wait3A_42 : memref<632x16xf32, #tpu.memory_space<hbm>>)
      tpu.yield
    }) : () -> ()
    return
  }
}

module attributes {stable_mosaic.version = 14 : i64} {
  func.func @body(%arg0: memref<10000x128xf32, #tpu.memory_space<vmem>>, %arg1: memref<128x32xf32, #tpu.memory_space<vmem>>, %arg2: memref<10000x1xf32, #tpu.memory_space<vmem>>, %arg3: memref<10112x16xf32, #tpu.memory_space<vmem>>, %arg4: memref<10112x16xf32, #tpu.memory_space<vmem>>) attributes {dimension_semantics = [], scalar_prefetch = 0 : i64, scratch_operands = 0 : i64, tpu.core_type = #tpu.core_type<tc>} {
    %get3A = arith.constant 0 : index
    %get3A_0 = arith.constant 0 : index
    %get3A_1 = vector.load %arg0[%get3A, %get3A_0] : memref<10000x128xf32, #tpu.memory_space<vmem>>, vector<10000x128xf32>
    %get3A_2 = arith.constant 0 : index
    %get3A_3 = arith.constant 0 : index
    %get3A_4 = vector.load %arg1[%get3A_2, %get3A_3] : memref<128x32xf32, #tpu.memory_space<vmem>>, vector<128x32xf32>
    %dot_general3A = arith.constant dense<0.000000e+00> : vector<10000x32xf32>
    %dot_general3A_5 = tpu.matmul %get3A_1, %get3A_4, %dot_general3A {dimension_numbers = #tpu.dot_dimension_numbers<[1], [0], [0], [1], [0, 0, 1, 1], [], []>, transpose_lhs_hint = false} : vector<10000x128xf32>, vector<128x32xf32>, vector<10000x32xf32> -> vector<10000x32xf32>
    %get3A_6 = arith.constant 0 : index
    %get3A_7 = arith.constant 0 : index
    %get3A_8 = vector.load %arg2[%get3A_6, %get3A_7] : memref<10000x1xf32, #tpu.memory_space<vmem>>, vector<10000x1xf32>
    %mul3A = vector.broadcast %get3A_8 : vector<10000x1xf32> to vector<10000x32xf32>
    %mul3A_9 = arith.mulf %dot_general3A_5, %mul3A : vector<10000x32xf32>
    %slice3A = vector.extract_strided_slice %mul3A_9 {offsets = [0, 0], sizes = [10000, 16], strides = [1, 1]} : vector<10000x32xf32> to vector<10000x16xf32>
    %swap3A = arith.constant 0 : index
    %swap3A_10 = arith.constant 0 : index
    %swap3A_11 = vector.load %arg3[%swap3A, %swap3A_10] : memref<10112x16xf32, #tpu.memory_space<vmem>>, vector<10000x16xf32>
    tpu.vector_store %arg3[%swap3A, %swap3A_10], %slice3A {strides = array<i32>} : memref<10112x16xf32, #tpu.memory_space<vmem>>, vector<10000x16xf32>,
    %slice3A_12 = vector.extract_strided_slice %mul3A_9 {offsets = [0, 16], sizes = [10000, 16], strides = [1, 1]} : vector<10000x32xf32> to vector<10000x16xf32>
    %swap3A_13 = arith.constant 0 : index
    %swap3A_14 = arith.constant 0 : index
    %swap3A_15 = vector.load %arg4[%swap3A_13, %swap3A_14] : memref<10112x16xf32, #tpu.memory_space<vmem>>, vector<10000x16xf32>
    tpu.vector_store %arg4[%swap3A_13, %swap3A_14], %slice3A_12 {strides = array<i32>} : memref<10112x16xf32, #tpu.memory_space<vmem>>, vector<10000x16xf32>,
    return
  }
}

module attributes {stable_mosaic.version = 14 : i64} {
  func.func @body(%arg0: memref<10112x16xf32, #tpu.memory_space<vmem>>, %arg1: memref<10112x16xf32, #tpu.memory_space<vmem>>, %arg2: memref<10000x1xf32, #tpu.memory_space<vmem>>, %arg3: memref<32x16xf32, #tpu.memory_space<vmem>>, %arg4: memref<10112x16xf32, #tpu.memory_space<vmem>>) attributes {dimension_semantics = [], scalar_prefetch = 0 : i64, scratch_operands = 0 : i64, tpu.core_type = #tpu.core_type<tc>} {
    %get3A = arith.constant 0 : index
    %get3A_0 = arith.constant 0 : index
    %get3A_1 = vector.load %arg0[%get3A, %get3A_0] : memref<10112x16xf32, #tpu.memory_space<vmem>>, vector<10000x16xf32>
    %get3A_2 = arith.constant 0 : index
    %get3A_3 = arith.constant 0 : index
    %get3A_4 = vector.load %arg1[%get3A_2, %get3A_3] : memref<10112x16xf32, #tpu.memory_space<vmem>>, vector<10000x16xf32>
    %concatenate3A = tpu.concatenate %get3A_1, %get3A_4 in 1 : vector<10000x16xf32>, vector<10000x16xf32> -> vector<10000x32xf32>
    %get3A_5 = arith.constant 0 : index
    %get3A_6 = arith.constant 0 : index
    %get3A_7 = vector.load %arg2[%get3A_5, %get3A_6] : memref<10000x1xf32, #tpu.memory_space<vmem>>, vector<10000x1xf32>
    %mul3A = vector.broadcast %get3A_7 : vector<10000x1xf32> to vector<10000x32xf32>
    %mul3A_8 = arith.mulf %concatenate3A, %mul3A : vector<10000x32xf32>
    %max3A = arith.constant 0.000000e+00 : f32
    %max3A_9 = vector.broadcast %max3A : f32 to vector<10000x32xf32>
    %max3A_10 = arith.maximumf %mul3A_8, %max3A_9 : vector<10000x32xf32>
    %get3A_11 = arith.constant 0 : index
    %get3A_12 = arith.constant 0 : index
    %get3A_13 = vector.load %arg3[%get3A_11, %get3A_12] : memref<32x16xf32, #tpu.memory_space<vmem>>, vector<32x16xf32>
    %dot_general3A = arith.constant dense<0.000000e+00> : vector<10000x16xf32>
    %dot_general3A_14 = tpu.matmul %max3A_10, %get3A_13, %dot_general3A {dimension_numbers = #tpu.dot_dimension_numbers<[1], [0], [0], [1], [0, 0, 1, 1], [], []>, transpose_lhs_hint = false} : vector<10000x32xf32>, vector<32x16xf32>, vector<10000x16xf32> -> vector<10000x16xf32>
    %get3A_15 = arith.constant 0 : index
    %get3A_16 = arith.constant 0 : index
    %get3A_17 = vector.load %arg2[%get3A_15, %get3A_16] : memref<10000x1xf32, #tpu.memory_space<vmem>>, vector<10000x1xf32>
    %mul3A_18 = vector.broadcast %get3A_17 : vector<10000x1xf32> to vector<10000x16xf32>
    %mul3A_19 = arith.mulf %dot_general3A_14, %mul3A_18 : vector<10000x16xf32>
    %swap3A = arith.constant 0 : index
    %swap3A_20 = arith.constant 0 : index
    %swap3A_21 = vector.load %arg4[%swap3A, %swap3A_20] : memref<10112x16xf32, #tpu.memory_space<vmem>>, vector<10000x16xf32>
    tpu.vector_store %arg4[%swap3A, %swap3A_20], %mul3A_19 {strides = array<i32>} : memref<10112x16xf32, #tpu.memory_space<vmem>>, vector<10000x16xf32>,
    return
  }
}

module attributes {stable_mosaic.version = 14 : i64} {
  func.func @body(%arg0: memref<10112x16xf32, #tpu.memory_space<vmem>>, %arg1: memref<10112x16xf32, #tpu.memory_space<vmem>>, %arg2: memref<10112x16xf32, #tpu.memory_space<vmem>>, %arg3: memref<10000x1xf32, #tpu.memory_space<vmem>>, %arg4: memref<10000x16xf32, #tpu.memory_space<vmem>>) attributes {dimension_semantics = [], scalar_prefetch = 0 : i64, scratch_operands = 0 : i64, tpu.core_type = #tpu.core_type<tc>} {
    %get3A = arith.constant 0 : index
    %get3A_0 = arith.constant 0 : index
    %get3A_1 = vector.load %arg0[%get3A, %get3A_0] : memref<10112x16xf32, #tpu.memory_space<vmem>>, vector<10000x16xf32>
    %get3A_2 = arith.constant 0 : index
    %get3A_3 = arith.constant 0 : index
    %get3A_4 = vector.load %arg1[%get3A_2, %get3A_3] : memref<10112x16xf32, #tpu.memory_space<vmem>>, vector<10000x16xf32>
    %add3A = arith.addf %get3A_1, %get3A_4 : vector<10000x16xf32>
    %get3A_5 = arith.constant 0 : index
    %get3A_6 = arith.constant 0 : index
    %get3A_7 = vector.load %arg2[%get3A_5, %get3A_6] : memref<10112x16xf32, #tpu.memory_space<vmem>>, vector<10000x16xf32>
    %sub3A = arith.subf %add3A, %get3A_7 : vector<10000x16xf32>
    %get3A_8 = arith.constant 0 : index
    %get3A_9 = arith.constant 0 : index
    %get3A_10 = vector.load %arg3[%get3A_8, %get3A_9] : memref<10000x1xf32, #tpu.memory_space<vmem>>, vector<10000x1xf32>
    %mul3A = vector.broadcast %get3A_10 : vector<10000x1xf32> to vector<10000x16xf32>
    %mul3A_11 = arith.mulf %sub3A, %mul3A : vector<10000x16xf32>
    %swap3A = arith.constant 0 : index
    %swap3A_12 = arith.constant 0 : index
    %swap3A_13 = vector.load %arg4[%swap3A, %swap3A_12] : memref<10000x16xf32, #tpu.memory_space<vmem>>, vector<10000x16xf32>
    tpu.vector_store %arg4[%swap3A, %swap3A_12], %mul3A_11 {strides = array<i32>} : memref<10000x16xf32, #tpu.memory_space<vmem>>, vector<10000x16xf32>,
    return
  }
}

</mosaic_0001>

<sc_bundles>
// kernel: kernel.11.cloned.1.call-start
scs
__scs_entry_jumppad:
0x0: {  	(pc) =	sbr.rel $0x88, $3  }
0x1: {  	(tag) =	ssettag $0x0;
	lr =	simm.s32 $0x1  }
0x2: {  	[smem:$0x3F9D] =	sst lr;
	_ =	strace $0xD0000000  }
0x3: {  	_ = 	snop  }
0x4: {  	_ = 	snop  }
0x5: {  	_ = 	snop  }
0x6: {  	_ = 	snop  }
0x7: {  	_ = 	snop  }
__scs_overlays_trampoline_lowered:
0x8: {  	[smem:$0x3FAC] =	sst s0  }
0x9: {  	[smem:$0x3FAD] =	sst s1  }
0xa: {  	[smem:$0x3FAE] =	sst s2  }
0xb: {  	[smem:$0x3FAF] =	sst s3  }
0xc: {  	[smem:$0x3FB0] =	sst s4  }
0xd: {  	[smem:$0x3FB1] =	sst s5  }
0xe: {  	[smem:$0x3FB2] =	sst s6  }
0xf: {  	[smem:$0x3FB3] =	sst s7  }
0x10: {  	[smem:$0x3FB4] =	sst s8  }
0x11: {  	[smem:$0x3FB5] =	sst s9;
	s0 =	simm.s32 @!p0 $0x0  }
0x12: {  	s1 =	sld [smem:$0x3F9B];
	s0 =	simm.s32 @p0 $0x1  }
0x13: {  	[smem:$0x3FB6] =	sst s0;
	s0 =	simm.s32 @!p1 $0x0  }
0x14: {  	s2 =	sld [smem:$0x3F9A];
	s0 =	simm.s32 @p1 $0x1  }
0x15: {  	[smem:$0x3FB7] =	sst s0;
	s0 =	simm.s32 @!p2 $0x0  }
0x16: {  	s3 =	sld [smem:$0x3FDB];
	s0 =	simm.s32 @p2 $0x1  }
0x17: {  	s4 =	simm.s32 $0x1BF5;
	[smem:$0x3FB9] =	sst s0  }
0x18: {  	s0 =	sld [smem:$0x3F9C];
	_ =	swait.ge [sflag:s4], $0x0  }
0x19: {  	s7 =	sld [smem:$0x3F9D]  }
0x1a: {  	s8 =	sadd.s32 $0xFFFFE003, lr  }
0x1b: {  	s9 =	sadd.s32 $0xFFFFFEF7, lr;
	s5 =	simm.s32 $0xFFFFFFFF;
	p2 =	slt.u32 s8, $0xFFFFF086  }
0x1c: {  	p1 =	slt.u32 s9, $0xF7A;
	s5 =	simm.s32 @!p2 $0x0  }
0x1d: {  	s5 =	simm.s32 @p1 $0x1;
	p0 =	seq.s32 s7, s2  }
0x1e: {  	s7 =	smul.u32 @!p0 $0xF7A, s2;
	p2 =	seq.s32 @!p0 s5, $0x0  }
0x1f: {  	s9 =	smul.u32 $0xF7A, s1;
	s8 =	simm.s32 @!p0 $0x1BF5;
	p2 =	por !p2, p0  }
0x20: {  	[sflag:s8] =	ssyncset.s32 @!p0 $0xFFFFF086;
	s6 =	sadd.s32 @!p0 s3, s7;
	s7 =	simm.s32 @!p0 $0x108  }
0x21: {  	s3 =	sadd.s32 s3, s9;
	s6 =	sadd.s32 @!p0 $0x88, s6;
	s7 =	simm.s32 @p2 $0x1082  }
0x22: {  	[simem:s7], [sflag:s8] =	dma.local @!p0 [hbm:s6], $0xF7A  }
0x23: {  	s9 =	sor.u32 $0xD0000000, s2;
	s6 =	simm.s32 $0x108;
	_ =	swait.ge @!p0 [sflag:s8], $0x0  }
0x24: {  	s3 =	sadd.s32 $0x88, s3;
	s6 =	simm.s32 @!p1 $0x1082;
	[sflag:s4] =	ssyncset.s32 $0xFFFFF086  }
0x25: {  	[simem:s6], [sflag:s4] =	dma.local [hbm:s3], $0xF7A  }
0x26: {  	[smem:$0x3F9D] =	sst s1;
	(tag) =	ssettag s2;
	_ =	strace s9  }
0x27: {  	s1 =	sld [smem:$0x3FAD]  }
0x28: {  	s2 =	sld [smem:$0x3FAE]  }
0x29: {  	s4 =	sld [smem:$0x3FB0]  }
0x2a: {  	p0 =	seq.s32 s5, $0x0;
	s5 =	sld [smem:$0x3FB1]  }
0x2b: {  	s6 =	sld [smem:$0x3FB2]  }
0x2c: {  	s7 =	sld [smem:$0x3FB3]  }
0x2d: {  	s3 =	simm.s32 $0x108;
	s8 =	sld [smem:$0x3FB4]  }
0x2e: {  	s3 =	simm.s32 @!p0 $0x1082;
	s9 =	sld [smem:$0x3FB5]  }
0x2f: {  	lr =	sadd.s32 s0, s3;
	s0 =	sld [smem:$0x3FAC]  }
0x30: {  	s3 =	sld [smem:$0x3FAF]  }
0x31: {  	[smem:$0x3FB8] =	sst s10  }
0x32: {  	s10 =	sld [smem:$0x3FB6];
	_ =	sdelay $0x3  }
0x33: {  	p0 =	seq.s32 s10, $0x1;
	s10 =	sld [smem:$0x3FB8];
	_ =	sdelay $0x3  }
0x34: {  	[smem:$0x3FB8] =	sst s10  }
0x35: {  	s10 =	sld [smem:$0x3FB7];
	_ =	sdelay $0x3  }
0x36: {  	p1 =	seq.s32 s10, $0x1;
	s10 =	sld [smem:$0x3FB8];
	_ =	sdelay $0x3  }
0x37: {  	[smem:$0x3FB8] =	sst s10  }
0x38: {  	s10 =	sld [smem:$0x3FB9]  }
0x39: {  	_ = 	snop;
	(pc) =	sbr.ind lr, $3  }
0x3a: {  	_ = 	snop  }
0x3b: {  	_ = 	snop  }
0x3c: {  	p2 =	seq.s32 s10, $0x1;
	s10 =	sld [smem:$0x3FB8]  }
0x3d: {  	_ =	shalt  }
0x3e: {  	_ =	shalt  }
0x3f: {  	_ =	shalt  }
0x40: {  	_ =	shalt  }
0x41: {  	_ =	shalt  }
0x42: {  	_ =	shalt  }
0x43: {  	_ =	shalt  }
0x44: {  	_ =	shalt  }
0x45: {  	_ =	shalt  }
0x46: {  	_ =	shalt  }
0x47: {  	_ =	shalt  }
0x48: {  	_ =	shalt  }
0x49: {  	_ =	shalt  }
0x4a: {  	_ =	shalt  }
0x4b: {  	_ =	shalt  }
0x4c: {  	_ =	shalt  }
0x4d: {  	_ =	shalt  }
0x4e: {  	_ =	shalt  }
0x4f: {  	_ =	shalt  }
0x50: {  	_ =	shalt  }
0x51: {  	_ =	shalt  }
0x52: {  	_ =	shalt  }
0x53: {  	_ =	shalt  }
0x54: {  	_ =	shalt  }
0x55: {  	_ =	shalt  }
0x56: {  	_ =	shalt  }
0x57: {  	_ =	shalt  }
0x58: {  	_ =	shalt  }
0x59: {  	_ =	shalt  }
0x5a: {  	_ =	shalt  }
0x5b: {  	_ =	shalt  }
0x5c: {  	_ =	shalt  }
0x5d: {  	_ =	shalt  }
0x5e: {  	_ =	shalt  }
0x5f: {  	_ =	shalt  }
0x60: {  	_ =	shalt  }
0x61: {  	_ =	shalt  }
0x62: {  	_ =	shalt  }
0x63: {  	_ =	shalt  }
0x64: {  	_ =	shalt  }
0x65: {  	_ =	shalt  }
0x66: {  	_ =	shalt  }
0x67: {  	_ =	shalt  }
0x68: {  	_ =	shalt  }
0x69: {  	_ =	shalt  }
0x6a: {  	_ =	shalt  }
0x6b: {  	_ =	shalt  }
0x6c: {  	_ =	shalt  }
0x6d: {  	_ =	shalt  }
0x6e: {  	_ =	shalt  }
0x6f: {  	_ =	shalt  }
0x70: {  	_ =	shalt  }
0x71: {  	_ =	shalt  }
0x72: {  	_ =	shalt  }
0x73: {  	_ =	shalt  }
0x74: {  	_ =	shalt  }
0x75: {  	_ =	shalt  }
0x76: {  	_ =	shalt  }
0x77: {  	_ =	shalt  }
0x78: {  	_ =	shalt  }
0x79: {  	_ =	shalt  }
0x7a: {  	_ =	shalt  }
0x7b: {  	_ =	shalt  }
0x7c: {  	_ =	shalt  }
0x7d: {  	_ =	shalt  }
0x7e: {  	_ =	shalt  }
0x7f: {  	_ =	shalt  }
0x80: {  	_ =	shalt  }
0x81: {  	_ =	shalt  }
0x82: {  	_ =	shalt  }
0x83: {  	_ =	shalt  }
0x84: {  	_ =	shalt  }
0x85: {  	_ =	shalt  }
0x86: {  	_ =	shalt  }
0x87: {  	_ =	shalt  }
.Lfunc_end0:
.L_simem_size_0:
called_computation.1_lowered:
.L_overlay_start_0:
0x88: {  	s2 =	sld [smem:$0x3FD9]  }
0x89: {  	s3 =	sld [smem:$0x3FFE];
	_ =	sdelay $0x1  }
0x8a: {  	s1 =	srdreg.scid  }
0x8b: {  	s0 =	sand.u32 $0x1, s1  }
0x8c: {  	s16 =	sshll.u32 s0, $0xA;
	s2 =	sadd.s32 s3, s2  }
0x8d: {  	s2 =	sadd.s32 s2, s16  }
0x8e: {  	[smem:$0x3FC4] =	sst s2  }
0x8f: {  	_ = 	snop  }
0x90: {  	(tm) =	ssettm $0x1  }
0x91: {  	s17 =	sld [smem:$0x3FFB];
	_ =	sdelay $0x3  }
0x92: {  	_ =	strace s17  }
0x93: {  	s2 =	sld [smem:$0x3FFC];
	_ =	sdelay $0x3  }
0x94: {  	_ =	strace s2  }
0x95: {  	s2 =	sld [smem:$0x3FFD];
	_ =	sdelay $0x3  }
0x96: {  	_ =	strace s2  }
0x97: {  	_ =	strace $0x8FFFFFFF  }
0x98: {  	s18 =	sld [smem:$0x3FDB];
	_ =	sdelay $0x1  }
0x99: {  	s19 =	simm.s32 $_scs_section_size  }
0x9a: {  	s4 =	simm.s32 $_size__tile_overlayer_lowered;
	s5 =	simm.s32 $_tile_overlayer_lowered  }
0x9b: {  	s22 =	simm.s32 $0x1BFF;
	s21 =	sshll.u32 s5, $0x1;
	s2 =	sadd.s32 s19, s18  }
0x9c: {  	s6 =	simm.s32 $0x0;
	s20 =	sshll.u32 s4, $0x1;
	s4 =	sadd.s32 s21, s2  }
0x9d: {  	[timem:s6], [sflag:s22] =	dma.local [hbm:s4], s20  }
0x9e: {  	_ =	swait.ge [sflag:s22], s20  }
0x9f: {  	s3 =	ssub.s32 $0x0, s20;
	[sflag:s22] =	ssyncset.done $0x0  }
0xa0: {  	[sflag:s22] =	ssyncadd.s32 s3;
	_ =	sdelay $0x1  }
0xa1: {  	s23 =	simm.s32 $0x1B8B  }
0xa2: {  	_ =	swait.ge [sflag:s23], $0x1  }
0xa3: {  	[sflag:s23] =	ssyncset.done $0x0  }
0xa4: {  	s25 =	simm.s32 $0x1B8E;
	s24 =	sld [smem:$0x3FFE];
	[sflag:s23] =	ssyncadd.s32 $0xFFFFFFFF  }
0xa5: {  	s26 =	simm.s32 $execute0_lowered;
	[smem:$0x3FD2] =	sst s25  }
0xa6: {  	s4 =	sshll.u32 s26, $0x1;
	_ =	strace $0x80000049;
	[dreg:$0x1] =	wrdreg $0xFFFFFFFF  }
0xa7: {  	s28 =	simm.s32 $_size_execute0_lowered;
	s2 =	sadd.s32 s2, s4;
	[dreg:$0x0] =	wrdreg $0x0  }
0xa8: {  	s4 =	sshll.u32 s28, $0x1;
	[dreg:$0x2] =	wrdreg s2  }
0xa9: {  	[dreg:$0x3] =	wrdreg s4  }
0xaa: {  	[dreg:$0x4] =	wrdreg $0xC0  }
0xab: {  	_ =	task [dreg:s6], $0x5FFFF  }
0xac: {  	[dreg:$0x1] =	wrdreg $0xFFFFFFFF  }
0xad: {  	[dreg:$0x0] =	wrdreg $0x60  }
0xae: {  	[dreg:$0x2] =	wrdreg s24  }
0xaf: {  	[dreg:$0x3] =	wrdreg $0x0  }
0xb0: {  	[dreg:$0x4] =	wrdreg $0x27800  }
0xb1: {  	[dreg:$0x5] =	wrdreg $0x9  }
0xb2: {  	_ =	task.clear_ibuf [dreg:s6], $0x6FFFF;
	_ =	strace $0x90000049  }
0xb3: {  	s29 =	simm.s32 $0x9;
	_ =	strace $0x8000004B  }
0xb4: {  	_ =	swait.ge [sflag:s29], $0x1  }
0xb5: {  	[sflag:s29] =	ssyncadd.s32 $0xFFFFFFFF  }
0xb6: {  	_ =	strace $0x9000004B  }
0xb7: {  	_ =	sfence  }
0xb8: {  	s30 =	sld [smem:$0x0];
	_ =	sdelay $0x2  }
0xb9: {  	s31 =	sshll.u32 s1, $0xD;
	s1 =	sshrl.u32 s1, $0x2  }
0xba: {  	s3 =	sand.u32 $0x4000, s31;
	s1 =	sadd.s32 s1, s30  }
0xbb: {  	s0 =	sor.u32 s3, s0;
	s1 =	sshll.u32 s1, $0x11  }
0xbc: {  	s0 =	sor.u32 s1, s0  }
0xbd: {  	s0 =	sadd.s32 $0x8F2B, s0  }
0xbe: {  	[sflag:s0] =	ssyncadd.remote.s32 $0x1  }
0xbf: {  	_ =	sfence.sel $0xFFFF  }
0xc0: {  	[dreg:$0x0] =	wrdreg $0xFFFFFFFF;
	(pc) =	sbr.abs _section_cstart, $3  }
0xc1: {  	[dreg:$0x1] =	wrdreg $0xFFFFFFFF  }
0xc2: {  	_ =	task.clear_ibuf [dreg:s6], $0x2FFFF;
	_ =	strace $0x9FFFFFFF  }
0xc3: {  	(tm) =	ssettm $0x7FFFFFFF  }
tec
execute0_lowered:
.L_overlay_start_1:
0x0: {  	(tag) =	ssettag $0x1  }
0x1: {  	s0 =	rddreg [dreg:$0x0]  }
0x2: {  	s3 =	rddreg [dreg:$0x1];
	s1 =	srdreg.scid  }
0x3: {  	s12 =	stileid.u32;
	s4 =	rddreg [dreg:$0x2]  }
0x4: {  	s2 =	simm.s32 $0x0;
	s23 =	simm.s32 $0x5300;
	s24 =	simm.s32 $0xA300  }
0x5: {  	s25 =	simm.s32 $0x5700;
	s26 =	simm.s32 $0x5B00;
	[smem:$0x7FF] =	sst s2  }
0x6: {  	s13 =	simm.s32 $0x6700;
	_ =	strace $0x8000004A;
	[dreg:$0xb] =	wrdreg s23  }
0x7: {  	s14 =	simm.s32 $0x6B00;
	s15 =	simm.s32 $0xB700;
	[dreg:$0xc] =	wrdreg s24  }
0x8: {  	s16 =	simm.s32 $0xBB00;
	s30 =	simm.s32 $0x4F00;
	[dreg:$0xd] =	wrdreg s25  }
0x9: {  	s17 =	simm.s32 $0x6F00;
	s29 =	simm.s32 $0x7700;
	[dreg:$0xe] =	wrdreg s26  }
0xa: {  	s18 =	simm.s32 $0x7300;
	s31 =	simm.s32 $0x9F00;
	[dreg:$0x15] =	wrdreg s13  }
0xb: {  	s19 =	simm.s32 $0xBF00;
	s5 =	smul.u32 $0x2780, s12;
	[dreg:$0x16] =	wrdreg s14  }
0xc: {  	s28 =	simm.s32 $0xC700;
	s8 =	smul.u32 $0x5000, s12;
	[dreg:$0x17] =	wrdreg s15  }
0xd: {  	s1 =	sand.u32 $0x1, s1;
	s10 =	smul.u32 $0xA00, s12;
	[dreg:$0x18] =	wrdreg s16  }
0xe: {  	s7 =	sadd.s32 $0xB800, s0;
	s12 =	smul.u32 $0x4F0, s12;
	[dreg:$0x19] =	wrdreg s17  }
0xf: {  	s9 =	sadd.s32 $0x1800, s0;
	s6 =	smul.u32 $0x27800, s1;
	[dreg:$0x1a] =	wrdreg s18  }
0x10: {  	p0 =	seq.s32 s1, $0x1;
	s1 =	ssub.s32 $0x2, s1;
	[dreg:$0x1b] =	wrdreg s19  }
0x11: {  	s23 =	simm.s32 $0x7F00;
	s14 =	simm.s32 $0x1;
	s24 =	simm.s32 $0x8300  }
0x12: {  	s13 =	simm.s32 $0x2;
	s25 =	simm.s32 $0xCF00;
	s26 =	simm.s32 $0xD300  }
0x13: {  	s19 =	simm.s32 $0xE300;
	s18 =	simm.s32 $0x9700;
	s17 =	simm.s32 $0x9B00  }
0x14: {  	s16 =	simm.s32 $0xE700;
	s15 =	simm.s32 $0xEB00;
	[dreg:$0x1f] =	wrdreg s23  }
0x15: {  	s11 =	sadd.s32 s5, s4;
	s8 =	sshrl.u32 s8, $0x3;
	[smem:$0x7FB] =	sst s24  }
0x16: {  	s20 =	sadd.s32 s7, s10;
	s21 =	sadd.s32 s9, s10;
	[smem:$0x7FC] =	sst s25  }
0x17: {  	s10 =	simm.s32 $0x1A800;
	[smem:$0x7FD] =	sst s26;
	s26 =	simm.s32 $0x8700  }
0x18: {  	s25 =	simm.s32 $0x8B00;
	s24 =	simm.s32 $0xD700;
	[dreg:$0x4] =	wrdreg s11  }
0x19: {  	s23 =	simm.s32 $0xDB00;
	s6 =	sadd.s32 s5, s6;
	[dreg:$0x5] =	wrdreg s20  }
0x1a: {  	s8 =	sadd.s32 $0x500, s8;
	[dreg:$0x7] =	wrdreg s21;
	s10 =	simm.s32 @!p0 $0x15800  }
0x1b: {  	s11 =	simm.s32 $0xAF00;
	s5 =	sadd.s32 s5, s3;
	s20 =	simm.s32 $0xC300  }
0x1c: {  	s21 =	simm.s32 $0x7B00;
	p0 =	por $0x0, $0x0;
	[dreg:$0x13] =	wrdreg s11  }
0x1d: {  	s6 =	sshrl.u32 s6, $0x3;
	s7 =	sadd.s32 s7, s8;
	[dreg:$0x1c] =	wrdreg s20  }
0x1e: {  	s22 =	sadd.s32 s9, s8;
	s8 =	simm.s32 $0x5F00;
	[dreg:$0x1d] =	wrdreg s21  }
0x1f: {  	s9 =	simm.s32 $0x6300;
	s11 =	simm.s32 $0x3;
	[dreg:$0x6] =	wrdreg s7  }
0x20: {  	s20 =	simm.s32 $0x9300;
	s21 =	simm.s32 $0xDF00;
	[dreg:$0x8] =	wrdreg s22  }
0x21: {  	s6 =	sadd.s32 s6, s0;
	s0 =	sadd.s32 s10, s0;
	[dreg:$0x11] =	wrdreg s8  }
0x22: {  	s7 =	simm.s32 $0xAB00;
	s10 =	sshrl.u32 s1, $0x1;
	[dreg:$0x12] =	wrdreg s9  }
0x23: {  	s8 =	simm.s32 $0x400;
	s22 =	simm.s32 $0xCB00;
	s1 =	ssub.s32 s1, s10  }
0x24: {  	s9 =	simm.s32 $0x12F00;
	[dreg:$0x10] =	wrdreg s7;
	s1 =	smax.u32 s1, $0x1  }
0x25: {  	s6 =	sadd.s32 $0x1F800, s6;
	[dreg:$0x1e] =	wrdreg s22;
	p1 =	sne.s32 s1, $0x1  }
.Ltmp0:
0x26: {  	s0 =	sadd.s32 s0, s12;
	[dreg:$0x9] =	wrdreg s6;
	(pc) =	sbr.rel @!p1 .LBB2_3-.Ltmp0, $4  }
0x27: {  	s12 =	simm.s32 $0xB300;
	s7 =	simm.s32 $0x5;
	[dreg:$0xa] =	wrdreg s0  }
0x28: {  	s10 =	simm.s32 $0xEF00;
	s6 =	simm.s32 $0xA700;
	[dreg:$0x14] =	wrdreg s12  }
0x29: {  	s22 =	simm.s32 $0x8F00;
	s12 =	simm.s32 $0x4;
	[dreg:$0xf] =	wrdreg s6  }
0x2a: {  	s6 =	simm.s32 $0x16F00;
	s1 =	sadd.s32 $0xFFFFFFFF, s1;
	s0 =	rddreg [dreg:$0xa]  }
0x2b: {  	[tilespmem:s6], [sflag:$0x5] =	stream.linear.gather [hbm4b:s0+s2], $0x2780, $0x38;
	[tilespmem:$0x19680] =	vst v63  }
0x2c: {  	_ =	swait.ge [sflag:s7], $0x2780  }
0x2d: {  	[sflag:s7] =	ssyncset.done $0x0  }
0x2e: {  	[sflag:s7] =	ssyncadd.s32 $0xFFFFD880  }
0x2f: {  	[spmem:s5] =	stream.linear.scatter [tilespmem:s6], [sflag:$0x5], $0x2780, $0x38;
	[tilespmem:$0x19680] =	vst v63  }
0x30: {  	_ =	swait.ge [sflag:s7], $0x2780  }
0x31: {  	[sflag:s7] =	ssyncset.done $0x0  }
0x32: {  	s0 =	rddreg [dreg:$0x4];
	[sflag:s7] =	ssyncadd.s32 $0xFFFFD880  }
0x33: {  	[spmem:s0] =	stream.linear.scatter [tilespmem:s6], [sflag:$0x5], $0x2780, $0x38;
	[tilespmem:$0x19680] =	vst v63  }
0x34: {  	_ =	swait.ge [sflag:s7], $0x2780  }
0x35: {  	[sflag:s7] =	ssyncset.done $0x0  }
0x36: {  	s0 =	rddreg [dreg:$0x5];
	[sflag:s7] =	ssyncadd.s32 $0xFFFFD880  }
0x37: {  	[tilespmem:s30], [sflag:$0x5] =	stream.linear.gather [hbm4b:s0+s2], $0x2800, $0x38;
	[tilespmem:$0x19680] =	vst v63  }
0x38: {  	_ =	swait.ge [sflag:s7], $0x2800  }
0x39: {  	[sflag:s7] =	ssyncset.done $0x0  }
0x3a: {  	s0 =	rddreg [dreg:$0x6];
	[sflag:s7] =	ssyncadd.s32 $0xFFFFD800  }
0x3b: {  	[tilespmem:s29], [sflag:$0x5] =	stream.linear.gather [hbm4b:s0+s2], $0x2800, $0x38;
	[tilespmem:$0x19680] =	vst v63  }
0x3c: {  	_ =	swait.ge [sflag:s7], $0x2800  }
0x3d: {  	[sflag:s7] =	ssyncset.done $0x0  }
0x3e: {  	s0 =	rddreg [dreg:$0x7];
	[sflag:s7] =	ssyncadd.s32 $0xFFFFD800  }
0x3f: {  	[tilespmem:s31], [sflag:$0x5] =	stream.linear.gather [hbm4b:s0+s2], $0x2800, $0x38;
	[tilespmem:$0x19680] =	vst v63  }
0x40: {  	_ =	swait.ge [sflag:s7], $0x2800  }
0x41: {  	[sflag:s7] =	ssyncset.done $0x0  }
0x42: {  	s0 =	rddreg [dreg:$0x8];
	[sflag:s7] =	ssyncadd.s32 $0xFFFFD800  }
0x43: {  	[tilespmem:s28], [sflag:$0x5] =	stream.linear.gather [hbm4b:s0+s2], $0x2800, $0x38;
	[tilespmem:$0x19680] =	vst v63  }
0x44: {  	_ =	swait.ge [sflag:s7], $0x2800  }
0x45: {  	[sflag:s7] =	ssyncset.done $0x0  }
0x46: {  	[sflag:s7] =	ssyncadd.s32 $0xFFFFD800  }
0x47: {  	[bflag:$0x0] =	sbarrier.arrive $0xFFFF  }
0x48: {  	[tilespmem:s10], [sflag:$0x1] =	stream.indirect.gather [spmem:s4], $0x10, s30, s8, $0xb8;
	[tilespmem:$0x19680] =	vst v63  }
0x49: {  	s0 =	rddreg [dreg:$0xb]  }
0x4a: {  	[tilespmem:s9], [sflag:$0x2] =	stream.indirect.gather [spmem:s4], $0x10, s0, s8, $0xb8;
	[tilespmem:$0x19680] =	vst v63  }
0x4b: {  	_ =	swait.ge [sflag:s14], $0x4000  }
0x4c: {  	[sflag:s14] =	ssyncset.done $0x0  }
0x4d: {  	[sflag:s14] =	ssyncadd.s32 $0xFFFFC000  }
0x4e: {  	[spmem:s3] =	stream.indirect.scatter.add.f32 [tilespmem:s10], [sflag:$0x3], $0x10, s31, s8, $0xb8;
	[tilespmem:$0x19680] =	vst v63  }
0x4f: {  	_ =	swait.ge [sflag:s13], $0x4000  }
0x50: {  	[sflag:s13] =	ssyncset.done $0x0  }
0x51: {  	s0 =	rddreg [dreg:$0xc];
	[sflag:s13] =	ssyncadd.s32 $0xFFFFC000  }
0x52: {  	[spmem:s3] =	stream.indirect.scatter.add.f32 [tilespmem:s9], [sflag:$0x4], $0x10, s0, s8, $0xb8;
	[tilespmem:$0x19680] =	vst v63  }
0x53: {  	_ =	swait.ge [sflag:s11], $0x4000  }
0x54: {  	[sflag:s11] =	ssyncset.done $0x0  }
0x55: {  	s0 =	rddreg [dreg:$0xd];
	[sflag:s11] =	ssyncadd.s32 $0xFFFFC000  }
0x56: {  	[tilespmem:s10], [sflag:$0x1] =	stream.indirect.gather [spmem:s4], $0x10, s0, s8, $0xb8;
	[tilespmem:$0x19680] =	vst v63  }
0x57: {  	_ =	swait.ge [sflag:s12], $0x4000  }
0x58: {  	[sflag:s12] =	ssyncset.done $0x0  }
0x59: {  	s0 =	rddreg [dreg:$0xe];
	[sflag:s12] =	ssyncadd.s32 $0xFFFFC000  }
0x5a: {  	[tilespmem:s9], [sflag:$0x2] =	stream.indirect.gather [spmem:s4], $0x10, s0, s8, $0xb8;
	[tilespmem:$0x19680] =	vst v63  }
0x5b: {  	_ =	swait.ge [sflag:s14], $0x4000  }
0x5c: {  	[sflag:s14] =	ssyncset.done $0x0  }
0x5d: {  	s0 =	rddreg [dreg:$0xf];
	[sflag:s14] =	ssyncadd.s32 $0xFFFFC000  }
0x5e: {  	[spmem:s3] =	stream.indirect.scatter.add.f32 [tilespmem:s10], [sflag:$0x3], $0x10, s0, s8, $0xb8;
	[tilespmem:$0x19680] =	vst v63  }
0x5f: {  	_ =	swait.ge [sflag:s13], $0x4000  }
0x60: {  	[sflag:s13] =	ssyncset.done $0x0  }
0x61: {  	s0 =	rddreg [dreg:$0x10];
	[sflag:s13] =	ssyncadd.s32 $0xFFFFC000  }
0x62: {  	[spmem:s3] =	stream.indirect.scatter.add.f32 [tilespmem:s9], [sflag:$0x4], $0x10, s0, s8, $0xb8;
	[tilespmem:$0x19680] =	vst v63  }
0x63: {  	_ =	swait.ge [sflag:s11], $0x4000  }
0x64: {  	[sflag:s11] =	ssyncset.done $0x0  }
0x65: {  	s0 =	rddreg [dreg:$0x11];
	[sflag:s11] =	ssyncadd.s32 $0xFFFFC000  }
0x66: {  	[tilespmem:s10], [sflag:$0x1] =	stream.indirect.gather [spmem:s4], $0x10, s0, s8, $0xb8;
	[tilespmem:$0x19680] =	vst v63  }
0x67: {  	_ =	swait.ge [sflag:s12], $0x4000  }
0x68: {  	[sflag:s12] =	ssyncset.done $0x0  }
0x69: {  	s0 =	rddreg [dreg:$0x12];
	[sflag:s12] =	ssyncadd.s32 $0xFFFFC000  }
0x6a: {  	[tilespmem:s9], [sflag:$0x2] =	stream.indirect.gather [spmem:s4], $0x10, s0, s8, $0xb8;
	[tilespmem:$0x19680] =	vst v63  }
0x6b: {  	_ =	swait.ge [sflag:s14], $0x4000  }
0x6c: {  	[sflag:s14] =	ssyncset.done $0x0  }
0x6d: {  	s0 =	rddreg [dreg:$0x13];
	[sflag:s14] =	ssyncadd.s32 $0xFFFFC000  }
0x6e: {  	[spmem:s3] =	stream.indirect.scatter.add.f32 [tilespmem:s10], [sflag:$0x3], $0x10, s0, s8, $0xb8;
	[tilespmem:$0x19680] =	vst v63  }
0x6f: {  	_ =	swait.ge [sflag:s13], $0x4000  }
0x70: {  	[sflag:s13] =	ssyncset.done $0x0  }
0x71: {  	s0 =	rddreg [dreg:$0x14];
	[sflag:s13] =	ssyncadd.s32 $0xFFFFC000  }
0x72: {  	[spmem:s3] =	stream.indirect.scatter.add.f32 [tilespmem:s9], [sflag:$0x4], $0x10, s0, s8, $0xb8;
	[tilespmem:$0x19680] =	vst v63  }
0x73: {  	_ =	swait.ge [sflag:s11], $0x4000  }
0x74: {  	[sflag:s11] =	ssyncset.done $0x0  }
0x75: {  	s0 =	rddreg [dreg:$0x15];
	[sflag:s11] =	ssyncadd.s32 $0xFFFFC000  }
0x76: {  	[tilespmem:s10], [sflag:$0x1] =	stream.indirect.gather [spmem:s4], $0x10, s0, s8, $0xb8;
	[tilespmem:$0x19680] =	vst v63  }
0x77: {  	_ =	swait.ge [sflag:s12], $0x4000  }
0x78: {  	[sflag:s12] =	ssyncset.done $0x0  }
0x79: {  	s0 =	rddreg [dreg:$0x16];
	[sflag:s12] =	ssyncadd.s32 $0xFFFFC000  }
0x7a: {  	[tilespmem:s9], [sflag:$0x2] =	stream.indirect.gather [spmem:s4], $0x10, s0, s8, $0xb8;
	[tilespmem:$0x19680] =	vst v63  }
0x7b: {  	_ =	swait.ge [sflag:s14], $0x4000  }
0x7c: {  	[sflag:s14] =	ssyncset.done $0x0  }
0x7d: {  	s0 =	rddreg [dreg:$0x17];
	[sflag:s14] =	ssyncadd.s32 $0xFFFFC000  }
0x7e: {  	[spmem:s3] =	stream.indirect.scatter.add.f32 [tilespmem:s10], [sflag:$0x3], $0x10, s0, s8, $0xb8;
	[tilespmem:$0x19680] =	vst v63  }
0x7f: {  	_ =	swait.ge [sflag:s13], $0x4000  }
0x80: {  	[sflag:s13] =	ssyncset.done $0x0  }
0x81: {  	s0 =	rddreg [dreg:$0x18];
	[sflag:s13] =	ssyncadd.s32 $0xFFFFC000  }
0x82: {  	[spmem:s3] =	stream.indirect.scatter.add.f32 [tilespmem:s9], [sflag:$0x4], $0x10, s0, s8, $0xb8;
	[tilespmem:$0x19680] =	vst v63  }
0x83: {  	_ =	swait.ge [sflag:s11], $0x4000  }
0x84: {  	[sflag:s11] =	ssyncset.done $0x0  }
0x85: {  	s0 =	rddreg [dreg:$0x19];
	[sflag:s11] =	ssyncadd.s32 $0xFFFFC000  }
0x86: {  	[tilespmem:s10], [sflag:$0x1] =	stream.indirect.gather [spmem:s4], $0x10, s0, s8, $0xb8;
	[tilespmem:$0x19680] =	vst v63  }
0x87: {  	_ =	swait.ge [sflag:s12], $0x4000  }
0x88: {  	[sflag:s12] =	ssyncset.done $0x0  }
0x89: {  	s0 =	rddreg [dreg:$0x1a];
	[sflag:s12] =	ssyncadd.s32 $0xFFFFC000  }
0x8a: {  	[tilespmem:s9], [sflag:$0x2] =	stream.indirect.gather [spmem:s4], $0x10, s0, s8, $0xb8;
	[tilespmem:$0x19680] =	vst v63  }
0x8b: {  	_ =	swait.ge [sflag:s14], $0x4000  }
0x8c: {  	[sflag:s14] =	ssyncset.done $0x0  }
0x8d: {  	s0 =	rddreg [dreg:$0x1b];
	[sflag:s14] =	ssyncadd.s32 $0xFFFFC000  }
0x8e: {  	[spmem:s3] =	stream.indirect.scatter.add.f32 [tilespmem:s10], [sflag:$0x3], $0x10, s0, s8, $0xb8;
	[tilespmem:$0x19680] =	vst v63  }
0x8f: {  	_ =	swait.ge [sflag:s13], $0x4000  }
0x90: {  	[sflag:s13] =	ssyncset.done $0x0  }
0x91: {  	s0 =	rddreg [dreg:$0x1c];
	[sflag:s13] =	ssyncadd.s32 $0xFFFFC000  }
0x92: {  	[spmem:s3] =	stream.indirect.scatter.add.f32 [tilespmem:s9], [sflag:$0x4], $0x10, s0, s8, $0xb8;
	[tilespmem:$0x19680] =	vst v63  }
0x93: {  	_ =	swait.ge [sflag:s11], $0x4000  }
0x94: {  	[sflag:s11] =	ssyncset.done $0x0  }
0x95: {  	[sflag:s11] =	ssyncadd.s32 $0xFFFFC000  }
0x96: {  	[tilespmem:s10], [sflag:$0x1] =	stream.indirect.gather [spmem:s4], $0x10, s29, s8, $0xb8;
	[tilespmem:$0x19680] =	vst v63  }
0x97: {  	_ =	swait.ge [sflag:s12], $0x4000  }
0x98: {  	[sflag:s12] =	ssyncset.done $0x0  }
0x99: {  	s0 =	rddreg [dreg:$0x1d];
	[sflag:s12] =	ssyncadd.s32 $0xFFFFC000  }
0x9a: {  	[tilespmem:s9], [sflag:$0x2] =	stream.indirect.gather [spmem:s4], $0x10, s0, s8, $0xb8;
	[tilespmem:$0x19680] =	vst v63  }
0x9b: {  	_ =	swait.ge [sflag:s14], $0x4000  }
0x9c: {  	[sflag:s14] =	ssyncset.done $0x0  }
0x9d: {  	[sflag:s14] =	ssyncadd.s32 $0xFFFFC000  }
0x9e: {  	[spmem:s3] =	stream.indirect.scatter.add.f32 [tilespmem:s10], [sflag:$0x3], $0x10, s28, s8, $0xb8;
	[tilespmem:$0x19680] =	vst v63  }
0x9f: {  	_ =	swait.ge [sflag:s13], $0x4000  }
0xa0: {  	[sflag:s13] =	ssyncset.done $0x0  }
0xa1: {  	s0 =	rddreg [dreg:$0x1e];
	[sflag:s13] =	ssyncadd.s32 $0xFFFFC000  }
0xa2: {  	[spmem:s3] =	stream.indirect.scatter.add.f32 [tilespmem:s9], [sflag:$0x4], $0x10, s0, s8, $0xb8;
	[tilespmem:$0x19680] =	vst v63  }
0xa3: {  	_ =	swait.ge [sflag:s11], $0x4000  }
0xa4: {  	[sflag:s11] =	ssyncset.done $0x0  }
0xa5: {  	s0 =	rddreg [dreg:$0x1f];
	[sflag:s11] =	ssyncadd.s32 $0xFFFFC000  }
0xa6: {  	[tilespmem:s10], [sflag:$0x1] =	stream.indirect.gather [spmem:s4], $0x10, s0, s8, $0xb8;
	[tilespmem:$0x19680] =	vst v63  }
0xa7: {  	_ =	swait.ge [sflag:s12], $0x4000  }
0xa8: {  	s0 =	sld [smem:$0x7FB]  }
0xa9: {  	[sflag:s12] =	ssyncset.done $0x0  }
0xaa: {  	[sflag:s12] =	ssyncadd.s32 $0xFFFFC000  }
0xab: {  	[tilespmem:s9], [sflag:$0x2] =	stream.indirect.gather [spmem:s4], $0x10, s0, s8, $0xb8;
	[tilespmem:$0x19680] =	vst v63  }
0xac: {  	_ =	swait.ge [sflag:s14], $0x4000  }
0xad: {  	s0 =	sld [smem:$0x7FC]  }
0xae: {  	[sflag:s14] =	ssyncset.done $0x0  }
0xaf: {  	[sflag:s14] =	ssyncadd.s32 $0xFFFFC000  }
0xb0: {  	[spmem:s3] =	stream.indirect.scatter.add.f32 [tilespmem:s10], [sflag:$0x3], $0x10, s0, s8, $0xb8;
	[tilespmem:$0x19680] =	vst v63  }
0xb1: {  	_ =	swait.ge [sflag:s13], $0x4000  }
0xb2: {  	s0 =	sld [smem:$0x7FD]  }
0xb3: {  	[sflag:s13] =	ssyncset.done $0x0  }
0xb4: {  	[sflag:s13] =	ssyncadd.s32 $0xFFFFC000  }
0xb5: {  	[spmem:s3] =	stream.indirect.scatter.add.f32 [tilespmem:s9], [sflag:$0x4], $0x10, s0, s8, $0xb8;
	[tilespmem:$0x19680] =	vst v63  }
0xb6: {  	_ =	swait.ge [sflag:s11], $0x4000  }
0xb7: {  	[sflag:s11] =	ssyncset.done $0x0  }
0xb8: {  	[sflag:s11] =	ssyncadd.s32 $0xFFFFC000  }
0xb9: {  	[tilespmem:s10], [sflag:$0x1] =	stream.indirect.gather [spmem:s4], $0x10, s26, s8, $0xb8;
	[tilespmem:$0x19680] =	vst v63  }
0xba: {  	_ =	swait.ge [sflag:s12], $0x4000  }
0xbb: {  	[sflag:s12] =	ssyncset.done $0x0  }
0xbc: {  	[sflag:s12] =	ssyncadd.s32 $0xFFFFC000  }
0xbd: {  	[tilespmem:s9], [sflag:$0x2] =	stream.indirect.gather [spmem:s4], $0x10, s25, s8, $0xb8;
	[tilespmem:$0x19680] =	vst v63  }
0xbe: {  	_ =	swait.ge [sflag:s14], $0x4000  }
0xbf: {  	[sflag:s14] =	ssyncset.done $0x0  }
0xc0: {  	[sflag:s14] =	ssyncadd.s32 $0xFFFFC000  }
0xc1: {  	[spmem:s3] =	stream.indirect.scatter.add.f32 [tilespmem:s10], [sflag:$0x3], $0x10, s24, s8, $0xb8;
	[tilespmem:$0x19680] =	vst v63  }
0xc2: {  	_ =	swait.ge [sflag:s13], $0x4000  }
0xc3: {  	[sflag:s13] =	ssyncset.done $0x0  }
0xc4: {  	[sflag:s13] =	ssyncadd.s32 $0xFFFFC000  }
0xc5: {  	[spmem:s3] =	stream.indirect.scatter.add.f32 [tilespmem:s9], [sflag:$0x4], $0x10, s23, s8, $0xb8;
	[tilespmem:$0x19680] =	vst v63  }
0xc6: {  	_ =	swait.ge [sflag:s11], $0x4000  }
0xc7: {  	[sflag:s11] =	ssyncset.done $0x0  }
0xc8: {  	[sflag:s11] =	ssyncadd.s32 $0xFFFFC000  }
0xc9: {  	[tilespmem:s10], [sflag:$0x1] =	stream.indirect.gather [spmem:s4], $0x10, s22, s8, $0xb8;
	[tilespmem:$0x19680] =	vst v63  }
0xca: {  	_ =	swait.ge [sflag:s12], $0x4000  }
0xcb: {  	[sflag:s12] =	ssyncset.done $0x0  }
0xcc: {  	[sflag:s12] =	ssyncadd.s32 $0xFFFFC000  }
0xcd: {  	[tilespmem:s9], [sflag:$0x2] =	stream.indirect.gather [spmem:s4], $0x10, s20, s8, $0xb8;
	[tilespmem:$0x19680] =	vst v63  }
0xce: {  	_ =	swait.ge [sflag:s14], $0x4000  }
0xcf: {  	[sflag:s14] =	ssyncset.done $0x0  }
0xd0: {  	[sflag:s14] =	ssyncadd.s32 $0xFFFFC000  }
0xd1: {  	[spmem:s3] =	stream.indirect.scatter.add.f32 [tilespmem:s10], [sflag:$0x3], $0x10, s21, s8, $0xb8;
	[tilespmem:$0x19680] =	vst v63  }
0xd2: {  	_ =	swait.ge [sflag:s13], $0x4000  }
0xd3: {  	[sflag:s13] =	ssyncset.done $0x0  }
0xd4: {  	[sflag:s13] =	ssyncadd.s32 $0xFFFFC000  }
0xd5: {  	[spmem:s3] =	stream.indirect.scatter.add.f32 [tilespmem:s9], [sflag:$0x4], $0x10, s19, s8, $0xb8;
	[tilespmem:$0x19680] =	vst v63  }
0xd6: {  	_ =	swait.ge [sflag:s11], $0x4000  }
0xd7: {  	[sflag:s11] =	ssyncset.done $0x0  }
0xd8: {  	[sflag:s11] =	ssyncadd.s32 $0xFFFFC000  }
0xd9: {  	[tilespmem:s10], [sflag:$0x1] =	stream.indirect.gather [spmem:s4], $0x10, s18, s8, $0xb8;
	[tilespmem:$0x19680] =	vst v63  }
0xda: {  	_ =	swait.ge [sflag:s12], $0x4000  }
0xdb: {  	[sflag:s12] =	ssyncset.done $0x0  }
0xdc: {  	[sflag:s12] =	ssyncadd.s32 $0xFFFFC000  }
0xdd: {  	[tilespmem:s9], [sflag:$0x2] =	stream.indirect.gather [spmem:s4], $0x10, s17, s8, $0xb8;
	[tilespmem:$0x19680] =	vst v63  }
0xde: {  	_ =	swait.ge [sflag:s14], $0x4000  }
0xdf: {  	[sflag:s14] =	ssyncset.done $0x0  }
0xe0: {  	[sflag:s14] =	ssyncadd.s32 $0xFFFFC000  }
0xe1: {  	[spmem:s3] =	stream.indirect.scatter.add.f32 [tilespmem:s10], [sflag:$0x3], $0x10, s16, s8, $0xb8;
	[tilespmem:$0x19680] =	vst v63  }
0xe2: {  	_ =	swait.ge [sflag:s13], $0x4000  }
0xe3: {  	[sflag:s13] =	ssyncset.done $0x0  }
0xe4: {  	[sflag:s13] =	ssyncadd.s32 $0xFFFFC000  }
0xe5: {  	[spmem:s3] =	stream.indirect.scatter.add.f32 [tilespmem:s9], [sflag:$0x4], $0x10, s15, s8, $0xb8;
	[tilespmem:$0x19680] =	vst v63  }
0xe6: {  	_ =	swait.ge [sflag:s11], $0x4000  }
0xe7: {  	[sflag:s11] =	ssyncset.done $0x0  }
0xe8: {  	[sflag:s11] =	ssyncadd.s32 $0xFFFFC000  }
0xe9: {  	_ =	swait.ge [sflag:s12], $0x4000  }
0xea: {  	[sflag:s12] =	ssyncset.done $0x0  }
0xeb: {  	[sflag:s12] =	ssyncadd.s32 $0xFFFFC000  }
0xec: {  	[bflag:$0x0] =	sbarrier.arrive $0xFFFF  }
0xed: {  	[tilespmem:s6], [sflag:$0x5] =	stream.linear.gather [spmem:s5], $0x2780, $0x38;
	[tilespmem:$0x19680] =	vst v63  }
0xee: {  	p1 =	sne.s32 s1, $0x1;
	_ =	swait.ge [sflag:s7], $0x2780  }
.Ltmp1:
0xef: {  	[sflag:s7] =	ssyncset.done $0x0;
	(pc) =	sbr.rel @!p1 .LBB2_3-.Ltmp1, $4  }
0xf0: {  	s0 =	rddreg [dreg:$0x9];
	[sflag:s7] =	ssyncadd.s32 $0xFFFFD880  }
0xf1: {  	[hbm4b:s0+s2] =	stream.linear.scatter [tilespmem:s6], [sflag:$0x5], $0x2780, $0x38;
	[tilespmem:$0x19680] =	vst v63  }
0xf2: {  	s1 =	sadd.s32 $0xFFFFFFFF, s1;
	_ =	swait.ge [sflag:s7], $0x2780  }
0xf3: {  	p0 =	por $0x1, $0x1;
	s0 =	rddreg [dreg:$0xa];
	[sflag:s7] =	ssyncset.done $0x0  }
.LBB2_2:
0xf4: {  	[sflag:s7] =	ssyncadd.s32 $0xFFFFD880  }
0xf5: {  	[tilespmem:s6], [sflag:$0x5] =	stream.linear.gather [hbm4b:s0+s2], $0x2780, $0x38;
	[tilespmem:$0x19680] =	vst v63  }
0xf6: {  	_ =	swait.ge [sflag:s7], $0x2780  }
0xf7: {  	[sflag:s7] =	ssyncset.done $0x0  }
0xf8: {  	[sflag:s7] =	ssyncadd.s32 $0xFFFFD880  }
0xf9: {  	[spmem:s5] =	stream.linear.scatter [tilespmem:s6], [sflag:$0x5], $0x2780, $0x38;
	[tilespmem:$0x19680] =	vst v63  }
0xfa: {  	_ =	swait.ge [sflag:s7], $0x2780  }
0xfb: {  	[sflag:s7] =	ssyncset.done $0x0  }
0xfc: {  	s0 =	rddreg [dreg:$0x4];
	[sflag:s7] =	ssyncadd.s32 $0xFFFFD880  }
0xfd: {  	[spmem:s0] =	stream.linear.scatter [tilespmem:s6], [sflag:$0x5], $0x2780, $0x38;
	[tilespmem:$0x19680] =	vst v63  }
0xfe: {  	_ =	swait.ge [sflag:s7], $0x2780  }
0xff: {  	[sflag:s7] =	ssyncset.done $0x0  }
0x100: {  	s0 =	rddreg [dreg:$0x5];
	[sflag:s7] =	ssyncadd.s32 $0xFFFFD880  }
0x101: {  	[tilespmem:s30], [sflag:$0x5] =	stream.linear.gather [hbm4b:s0+s2], $0x2800, $0x38;
	[tilespmem:$0x19680] =	vst v63  }
0x102: {  	_ =	swait.ge [sflag:s7], $0x2800  }
0x103: {  	[sflag:s7] =	ssyncset.done $0x0  }
0x104: {  	s0 =	rddreg [dreg:$0x6];
	[sflag:s7] =	ssyncadd.s32 $0xFFFFD800  }
0x105: {  	[tilespmem:s29], [sflag:$0x5] =	stream.linear.gather [hbm4b:s0+s2], $0x2800, $0x38;
	[tilespmem:$0x19680] =	vst v63  }
0x106: {  	_ =	swait.ge [sflag:s7], $0x2800  }
0x107: {  	[sflag:s7] =	ssyncset.done $0x0  }
0x108: {  	s0 =	rddreg [dreg:$0x7];
	[sflag:s7] =	ssyncadd.s32 $0xFFFFD800  }
0x109: {  	[tilespmem:s31], [sflag:$0x5] =	stream.linear.gather [hbm4b:s0+s2], $0x2800, $0x38;
	[tilespmem:$0x19680] =	vst v63  }
0x10a: {  	_ =	swait.ge [sflag:s7], $0x2800  }
0x10b: {  	[sflag:s7] =	ssyncset.done $0x0  }
0x10c: {  	s0 =	rddreg [dreg:$0x8];
	[sflag:s7] =	ssyncadd.s32 $0xFFFFD800  }
0x10d: {  	[tilespmem:s28], [sflag:$0x5] =	stream.linear.gather [hbm4b:s0+s2], $0x2800, $0x38;
	[tilespmem:$0x19680] =	vst v63  }
0x10e: {  	_ =	swait.ge [sflag:s7], $0x2800  }
0x10f: {  	[sflag:s7] =	ssyncset.done $0x0  }
0x110: {  	[sflag:s7] =	ssyncadd.s32 $0xFFFFD800  }
0x111: {  	[bflag:$0x0] =	sbarrier.arrive $0xFFFF  }
0x112: {  	[tilespmem:s10], [sflag:$0x1] =	stream.indirect.gather [spmem:s4], $0x10, s30, s8, $0xb8;
	[tilespmem:$0x19680] =	vst v63  }
0x113: {  	s0 =	rddreg [dreg:$0xb]  }
0x114: {  	[tilespmem:s9], [sflag:$0x2] =	stream.indirect.gather [spmem:s4], $0x10, s0, s8, $0xb8;
	[tilespmem:$0x19680] =	vst v63  }
0x115: {  	_ =	swait.ge [sflag:s14], $0x4000  }
0x116: {  	[sflag:s14] =	ssyncset.done $0x0  }
0x117: {  	[sflag:s14] =	ssyncadd.s32 $0xFFFFC000  }
0x118: {  	[spmem:s3] =	stream.indirect.scatter.add.f32 [tilespmem:s10], [sflag:$0x3], $0x10, s31, s8, $0xb8;
	[tilespmem:$0x19680] =	vst v63  }
0x119: {  	_ =	swait.ge [sflag:s13], $0x4000  }
0x11a: {  	[sflag:s13] =	ssyncset.done $0x0  }
0x11b: {  	s0 =	rddreg [dreg:$0xc];
	[sflag:s13] =	ssyncadd.s32 $0xFFFFC000  }
0x11c: {  	[spmem:s3] =	stream.indirect.scatter.add.f32 [tilespmem:s9], [sflag:$0x4], $0x10, s0, s8, $0xb8;
	[tilespmem:$0x19680] =	vst v63  }
0x11d: {  	_ =	swait.ge [sflag:s11], $0x4000  }
0x11e: {  	[sflag:s11] =	ssyncset.done $0x0  }
0x11f: {  	s0 =	rddreg [dreg:$0xd];
	[sflag:s11] =	ssyncadd.s32 $0xFFFFC000  }
0x120: {  	[tilespmem:s10], [sflag:$0x1] =	stream.indirect.gather [spmem:s4], $0x10, s0, s8, $0xb8;
	[tilespmem:$0x19680] =	vst v63  }
0x121: {  	_ =	swait.ge [sflag:s12], $0x4000  }
0x122: {  	[sflag:s12] =	ssyncset.done $0x0  }
0x123: {  	s0 =	rddreg [dreg:$0xe];
	[sflag:s12] =	ssyncadd.s32 $0xFFFFC000  }
0x124: {  	[tilespmem:s9], [sflag:$0x2] =	stream.indirect.gather [spmem:s4], $0x10, s0, s8, $0xb8;
	[tilespmem:$0x19680] =	vst v63  }
0x125: {  	_ =	swait.ge [sflag:s14], $0x4000  }
0x126: {  	[sflag:s14] =	ssyncset.done $0x0  }
0x127: {  	s0 =	rddreg [dreg:$0xf];
	[sflag:s14] =	ssyncadd.s32 $0xFFFFC000  }
0x128: {  	[spmem:s3] =	stream.indirect.scatter.add.f32 [tilespmem:s10], [sflag:$0x3], $0x10, s0, s8, $0xb8;
	[tilespmem:$0x19680] =	vst v63  }
0x129: {  	_ =	swait.ge [sflag:s13], $0x4000  }
0x12a: {  	[sflag:s13] =	ssyncset.done $0x0  }
0x12b: {  	s0 =	rddreg [dreg:$0x10];
	[sflag:s13] =	ssyncadd.s32 $0xFFFFC000  }
0x12c: {  	[spmem:s3] =	stream.indirect.scatter.add.f32 [tilespmem:s9], [sflag:$0x4], $0x10, s0, s8, $0xb8;
	[tilespmem:$0x19680] =	vst v63  }
0x12d: {  	_ =	swait.ge [sflag:s11], $0x4000  }
0x12e: {  	[sflag:s11] =	ssyncset.done $0x0  }
0x12f: {  	s0 =	rddreg [dreg:$0x11];
	[sflag:s11] =	ssyncadd.s32 $0xFFFFC000  }
0x130: {  	[tilespmem:s10], [sflag:$0x1] =	stream.indirect.gather [spmem:s4], $0x10, s0, s8, $0xb8;
	[tilespmem:$0x19680] =	vst v63  }
0x131: {  	_ =	swait.ge [sflag:s12], $0x4000  }
0x132: {  	[sflag:s12] =	ssyncset.done $0x0  }
0x133: {  	s0 =	rddreg [dreg:$0x12];
	[sflag:s12] =	ssyncadd.s32 $0xFFFFC000  }
0x134: {  	[tilespmem:s9], [sflag:$0x2] =	stream.indirect.gather [spmem:s4], $0x10, s0, s8, $0xb8;
	[tilespmem:$0x19680] =	vst v63  }
0x135: {  	_ =	swait.ge [sflag:s14], $0x4000  }
0x136: {  	[sflag:s14] =	ssyncset.done $0x0  }
0x137: {  	s0 =	rddreg [dreg:$0x13];
	[sflag:s14] =	ssyncadd.s32 $0xFFFFC000  }
0x138: {  	[spmem:s3] =	stream.indirect.scatter.add.f32 [tilespmem:s10], [sflag:$0x3], $0x10, s0, s8, $0xb8;
	[tilespmem:$0x19680] =	vst v63  }
0x139: {  	_ =	swait.ge [sflag:s13], $0x4000  }
0x13a: {  	[sflag:s13] =	ssyncset.done $0x0  }
0x13b: {  	s0 =	rddreg [dreg:$0x14];
	[sflag:s13] =	ssyncadd.s32 $0xFFFFC000  }
0x13c: {  	[spmem:s3] =	stream.indirect.scatter.add.f32 [tilespmem:s9], [sflag:$0x4], $0x10, s0, s8, $0xb8;
	[tilespmem:$0x19680] =	vst v63  }
0x13d: {  	_ =	swait.ge [sflag:s11], $0x4000  }
0x13e: {  	[sflag:s11] =	ssyncset.done $0x0  }
0x13f: {  	s0 =	rddreg [dreg:$0x15];
	[sflag:s11] =	ssyncadd.s32 $0xFFFFC000  }
0x140: {  	[tilespmem:s10], [sflag:$0x1] =	stream.indirect.gather [spmem:s4], $0x10, s0, s8, $0xb8;
	[tilespmem:$0x19680] =	vst v63  }
0x141: {  	_ =	swait.ge [sflag:s12], $0x4000  }
0x142: {  	[sflag:s12] =	ssyncset.done $0x0  }
0x143: {  	s0 =	rddreg [dreg:$0x16];
	[sflag:s12] =	ssyncadd.s32 $0xFFFFC000  }
0x144: {  	[tilespmem:s9], [sflag:$0x2] =	stream.indirect.gather [spmem:s4], $0x10, s0, s8, $0xb8;
	[tilespmem:$0x19680] =	vst v63  }
0x145: {  	_ =	swait.ge [sflag:s14], $0x4000  }
0x146: {  	[sflag:s14] =	ssyncset.done $0x0  }
0x147: {  	s0 =	rddreg [dreg:$0x17];
	[sflag:s14] =	ssyncadd.s32 $0xFFFFC000  }
0x148: {  	[spmem:s3] =	stream.indirect.scatter.add.f32 [tilespmem:s10], [sflag:$0x3], $0x10, s0, s8, $0xb8;
	[tilespmem:$0x19680] =	vst v63  }
0x149: {  	_ =	swait.ge [sflag:s13], $0x4000  }
0x14a: {  	[sflag:s13] =	ssyncset.done $0x0  }
0x14b: {  	s0 =	rddreg [dreg:$0x18];
	[sflag:s13] =	ssyncadd.s32 $0xFFFFC000  }
0x14c: {  	[spmem:s3] =	stream.indirect.scatter.add.f32 [tilespmem:s9], [sflag:$0x4], $0x10, s0, s8, $0xb8;
	[tilespmem:$0x19680] =	vst v63  }
0x14d: {  	_ =	swait.ge [sflag:s11], $0x4000  }
0x14e: {  	[sflag:s11] =	ssyncset.done $0x0  }
0x14f: {  	s0 =	rddreg [dreg:$0x19];
	[sflag:s11] =	ssyncadd.s32 $0xFFFFC000  }
0x150: {  	[tilespmem:s10], [sflag:$0x1] =	stream.indirect.gather [spmem:s4], $0x10, s0, s8, $0xb8;
	[tilespmem:$0x19680] =	vst v63  }
0x151: {  	_ =	swait.ge [sflag:s12], $0x4000  }
0x152: {  	[sflag:s12] =	ssyncset.done $0x0  }
0x153: {  	s0 =	rddreg [dreg:$0x1a];
	[sflag:s12] =	ssyncadd.s32 $0xFFFFC000  }
0x154: {  	[tilespmem:s9], [sflag:$0x2] =	stream.indirect.gather [spmem:s4], $0x10, s0, s8, $0xb8;
	[tilespmem:$0x19680] =	vst v63  }
0x155: {  	_ =	swait.ge [sflag:s14], $0x4000  }
0x156: {  	[sflag:s14] =	ssyncset.done $0x0  }
0x157: {  	s0 =	rddreg [dreg:$0x1b];
	[sflag:s14] =	ssyncadd.s32 $0xFFFFC000  }
0x158: {  	[spmem:s3] =	stream.indirect.scatter.add.f32 [tilespmem:s10], [sflag:$0x3], $0x10, s0, s8, $0xb8;
	[tilespmem:$0x19680] =	vst v63  }
0x159: {  	_ =	swait.ge [sflag:s13], $0x4000  }
0x15a: {  	[sflag:s13] =	ssyncset.done $0x0  }
0x15b: {  	s0 =	rddreg [dreg:$0x1c];
	[sflag:s13] =	ssyncadd.s32 $0xFFFFC000  }
0x15c: {  	[spmem:s3] =	stream.indirect.scatter.add.f32 [tilespmem:s9], [sflag:$0x4], $0x10, s0, s8, $0xb8;
	[tilespmem:$0x19680] =	vst v63  }
0x15d: {  	_ =	swait.ge [sflag:s11], $0x4000  }
0x15e: {  	[sflag:s11] =	ssyncset.done $0x0  }
0x15f: {  	[sflag:s11] =	ssyncadd.s32 $0xFFFFC000  }
0x160: {  	[tilespmem:s10], [sflag:$0x1] =	stream.indirect.gather [spmem:s4], $0x10, s29, s8, $0xb8;
	[tilespmem:$0x19680] =	vst v63  }
0x161: {  	_ =	swait.ge [sflag:s12], $0x4000  }
0x162: {  	[sflag:s12] =	ssyncset.done $0x0  }
0x163: {  	s0 =	rddreg [dreg:$0x1d];
	[sflag:s12] =	ssyncadd.s32 $0xFFFFC000  }
0x164: {  	[tilespmem:s9], [sflag:$0x2] =	stream.indirect.gather [spmem:s4], $0x10, s0, s8, $0xb8;
	[tilespmem:$0x19680] =	vst v63  }
0x165: {  	_ =	swait.ge [sflag:s14], $0x4000  }
0x166: {  	[sflag:s14] =	ssyncset.done $0x0  }
0x167: {  	[sflag:s14] =	ssyncadd.s32 $0xFFFFC000  }
0x168: {  	[spmem:s3] =	stream.indirect.scatter.add.f32 [tilespmem:s10], [sflag:$0x3], $0x10, s28, s8, $0xb8;
	[tilespmem:$0x19680] =	vst v63  }
0x169: {  	_ =	swait.ge [sflag:s13], $0x4000  }
0x16a: {  	[sflag:s13] =	ssyncset.done $0x0  }
0x16b: {  	s0 =	rddreg [dreg:$0x1e];
	[sflag:s13] =	ssyncadd.s32 $0xFFFFC000  }
0x16c: {  	[spmem:s3] =	stream.indirect.scatter.add.f32 [tilespmem:s9], [sflag:$0x4], $0x10, s0, s8, $0xb8;
	[tilespmem:$0x19680] =	vst v63  }
0x16d: {  	_ =	swait.ge [sflag:s11], $0x4000  }
0x16e: {  	[sflag:s11] =	ssyncset.done $0x0  }
0x16f: {  	s0 =	rddreg [dreg:$0x1f];
	[sflag:s11] =	ssyncadd.s32 $0xFFFFC000  }
0x170: {  	[tilespmem:s10], [sflag:$0x1] =	stream.indirect.gather [spmem:s4], $0x10, s0, s8, $0xb8;
	[tilespmem:$0x19680] =	vst v63  }
0x171: {  	_ =	swait.ge [sflag:s12], $0x4000  }
0x172: {  	s0 =	sld [smem:$0x7FB]  }
0x173: {  	[sflag:s12] =	ssyncset.done $0x0  }
0x174: {  	[sflag:s12] =	ssyncadd.s32 $0xFFFFC000  }
0x175: {  	[tilespmem:s9], [sflag:$0x2] =	stream.indirect.gather [spmem:s4], $0x10, s0, s8, $0xb8;
	[tilespmem:$0x19680] =	vst v63  }
0x176: {  	_ =	swait.ge [sflag:s14], $0x4000  }
0x177: {  	s0 =	sld [smem:$0x7FC]  }
0x178: {  	[sflag:s14] =	ssyncset.done $0x0  }
0x179: {  	[sflag:s14] =	ssyncadd.s32 $0xFFFFC000  }
0x17a: {  	[spmem:s3] =	stream.indirect.scatter.add.f32 [tilespmem:s10], [sflag:$0x3], $0x10, s0, s8, $0xb8;
	[tilespmem:$0x19680] =	vst v63  }
0x17b: {  	_ =	swait.ge [sflag:s13], $0x4000  }
0x17c: {  	s0 =	sld [smem:$0x7FD]  }
0x17d: {  	[sflag:s13] =	ssyncset.done $0x0  }
0x17e: {  	[sflag:s13] =	ssyncadd.s32 $0xFFFFC000  }
0x17f: {  	[spmem:s3] =	stream.indirect.scatter.add.f32 [tilespmem:s9], [sflag:$0x4], $0x10, s0, s8, $0xb8;
	[tilespmem:$0x19680] =	vst v63  }
0x180: {  	_ =	swait.ge [sflag:s11], $0x4000  }
0x181: {  	[sflag:s11] =	ssyncset.done $0x0  }
0x182: {  	[sflag:s11] =	ssyncadd.s32 $0xFFFFC000  }
0x183: {  	[tilespmem:s10], [sflag:$0x1] =	stream.indirect.gather [spmem:s4], $0x10, s26, s8, $0xb8;
	[tilespmem:$0x19680] =	vst v63  }
0x184: {  	_ =	swait.ge [sflag:s12], $0x4000  }
0x185: {  	[sflag:s12] =	ssyncset.done $0x0  }
0x186: {  	[sflag:s12] =	ssyncadd.s32 $0xFFFFC000  }
0x187: {  	[tilespmem:s9], [sflag:$0x2] =	stream.indirect.gather [spmem:s4], $0x10, s25, s8, $0xb8;
	[tilespmem:$0x19680] =	vst v63  }
0x188: {  	_ =	swait.ge [sflag:s14], $0x4000  }
0x189: {  	[sflag:s14] =	ssyncset.done $0x0  }
0x18a: {  	[sflag:s14] =	ssyncadd.s32 $0xFFFFC000  }
0x18b: {  	[spmem:s3] =	stream.indirect.scatter.add.f32 [tilespmem:s10], [sflag:$0x3], $0x10, s24, s8, $0xb8;
	[tilespmem:$0x19680] =	vst v63  }
0x18c: {  	_ =	swait.ge [sflag:s13], $0x4000  }
0x18d: {  	[sflag:s13] =	ssyncset.done $0x0  }
0x18e: {  	[sflag:s13] =	ssyncadd.s32 $0xFFFFC000  }
0x18f: {  	[spmem:s3] =	stream.indirect.scatter.add.f32 [tilespmem:s9], [sflag:$0x4], $0x10, s23, s8, $0xb8;
	[tilespmem:$0x19680] =	vst v63  }
0x190: {  	_ =	swait.ge [sflag:s11], $0x4000  }
0x191: {  	[sflag:s11] =	ssyncset.done $0x0  }
0x192: {  	[sflag:s11] =	ssyncadd.s32 $0xFFFFC000  }
0x193: {  	[tilespmem:s10], [sflag:$0x1] =	stream.indirect.gather [spmem:s4], $0x10, s22, s8, $0xb8;
	[tilespmem:$0x19680] =	vst v63  }
0x194: {  	_ =	swait.ge [sflag:s12], $0x4000  }
0x195: {  	[sflag:s12] =	ssyncset.done $0x0  }
0x196: {  	[sflag:s12] =	ssyncadd.s32 $0xFFFFC000  }
0x197: {  	[tilespmem:s9], [sflag:$0x2] =	stream.indirect.gather [spmem:s4], $0x10, s20, s8, $0xb8;
	[tilespmem:$0x19680] =	vst v63  }
0x198: {  	_ =	swait.ge [sflag:s14], $0x4000  }
0x199: {  	[sflag:s14] =	ssyncset.done $0x0  }
0x19a: {  	[sflag:s14] =	ssyncadd.s32 $0xFFFFC000  }
0x19b: {  	[spmem:s3] =	stream.indirect.scatter.add.f32 [tilespmem:s10], [sflag:$0x3], $0x10, s21, s8, $0xb8;
	[tilespmem:$0x19680] =	vst v63  }
0x19c: {  	_ =	swait.ge [sflag:s13], $0x4000  }
0x19d: {  	[sflag:s13] =	ssyncset.done $0x0  }
0x19e: {  	[sflag:s13] =	ssyncadd.s32 $0xFFFFC000  }
0x19f: {  	[spmem:s3] =	stream.indirect.scatter.add.f32 [tilespmem:s9], [sflag:$0x4], $0x10, s19, s8, $0xb8;
	[tilespmem:$0x19680] =	vst v63  }
0x1a0: {  	_ =	swait.ge [sflag:s11], $0x4000  }
0x1a1: {  	[sflag:s11] =	ssyncset.done $0x0  }
0x1a2: {  	[sflag:s11] =	ssyncadd.s32 $0xFFFFC000  }
0x1a3: {  	[tilespmem:s10], [sflag:$0x1] =	stream.indirect.gather [spmem:s4], $0x10, s18, s8, $0xb8;
	[tilespmem:$0x19680] =	vst v63  }
0x1a4: {  	_ =	swait.ge [sflag:s12], $0x4000  }
0x1a5: {  	[sflag:s12] =	ssyncset.done $0x0  }
0x1a6: {  	[sflag:s12] =	ssyncadd.s32 $0xFFFFC000  }
0x1a7: {  	[tilespmem:s9], [sflag:$0x2] =	stream.indirect.gather [spmem:s4], $0x10, s17, s8, $0xb8;
	[tilespmem:$0x19680] =	vst v63  }
0x1a8: {  	_ =	swait.ge [sflag:s14], $0x4000  }
0x1a9: {  	[sflag:s14] =	ssyncset.done $0x0  }
0x1aa: {  	[sflag:s14] =	ssyncadd.s32 $0xFFFFC000  }
0x1ab: {  	[spmem:s3] =	stream.indirect.scatter.add.f32 [tilespmem:s10], [sflag:$0x3], $0x10, s16, s8, $0xb8;
	[tilespmem:$0x19680] =	vst v63  }
0x1ac: {  	_ =	swait.ge [sflag:s13], $0x4000  }
0x1ad: {  	[sflag:s13] =	ssyncset.done $0x0  }
0x1ae: {  	[sflag:s13] =	ssyncadd.s32 $0xFFFFC000  }
0x1af: {  	[spmem:s3] =	stream.indirect.scatter.add.f32 [tilespmem:s9], [sflag:$0x4], $0x10, s15, s8, $0xb8;
	[tilespmem:$0x19680] =	vst v63  }
0x1b0: {  	_ =	swait.ge [sflag:s11], $0x4000  }
0x1b1: {  	[sflag:s11] =	ssyncset.done $0x0  }
0x1b2: {  	[sflag:s11] =	ssyncadd.s32 $0xFFFFC000  }
0x1b3: {  	_ =	swait.ge [sflag:s12], $0x4000  }
0x1b4: {  	[sflag:s12] =	ssyncset.done $0x0  }
0x1b5: {  	[sflag:s12] =	ssyncadd.s32 $0xFFFFC000  }
0x1b6: {  	[bflag:$0x0] =	sbarrier.arrive $0xFFFF  }
0x1b7: {  	[tilespmem:s6], [sflag:$0x5] =	stream.linear.gather [spmem:s5], $0x2780, $0x38;
	[tilespmem:$0x19680] =	vst v63  }
0x1b8: {  	p1 =	sne.s32 s1, $0x1;
	_ =	swait.ge [sflag:s7], $0x2780  }
.Ltmp2:
0x1b9: {  	[sflag:s7] =	ssyncset.done $0x0;
	(pc) =	sbr.rel @p1 .LBB2_2-.Ltmp2, $4  }
0x1ba: {  	s0 =	rddreg [dreg:$0x9];
	[sflag:s7] =	ssyncadd.s32 $0xFFFFD880  }
0x1bb: {  	[hbm4b:s0+s2] =	stream.linear.scatter [tilespmem:s6], [sflag:$0x5], $0x2780, $0x38;
	[tilespmem:$0x19680] =	vst v63  }
0x1bc: {  	_ =	swait.ge [sflag:s7], $0x2780  }
0x1bd: {  	s1 =	sadd.s32 $0xFFFFFFFF, s1;
	s0 =	rddreg [dreg:$0xa];
	[sflag:s7] =	ssyncset.done $0x0  }
.LBB2_3:
0x1be: {  	[sflag:s7] =	ssyncadd.s32 @p0 $0xFFFFD880  }
0x1bf: {  	[tilespmem:s6], [sflag:$0x5] =	stream.linear.gather [hbm4b:s0+s2], $0x2780, $0x38;
	[tilespmem:$0x19680] =	vst v63  }
0x1c0: {  	_ =	swait.ge [sflag:s7], $0x2780  }
0x1c1: {  	[sflag:s7] =	ssyncset.done $0x0  }
0x1c2: {  	[sflag:s7] =	ssyncadd.s32 $0xFFFFD880  }
0x1c3: {  	[spmem:s5] =	stream.linear.scatter [tilespmem:s6], [sflag:$0x5], $0x2780, $0x38;
	[tilespmem:$0x19680] =	vst v63  }
0x1c4: {  	_ =	swait.ge [sflag:s7], $0x2780  }
0x1c5: {  	[sflag:s7] =	ssyncset.done $0x0  }
0x1c6: {  	s1 =	rddreg [dreg:$0x4];
	[sflag:s7] =	ssyncadd.s32 $0xFFFFD880  }
0x1c7: {  	[spmem:s1] =	stream.linear.scatter [tilespmem:s6], [sflag:$0x5], $0x2780, $0x38;
	[tilespmem:$0x19680] =	vst v63  }
0x1c8: {  	_ =	swait.ge [sflag:s7], $0x2780  }
0x1c9: {  	[sflag:s7] =	ssyncset.done $0x0  }
0x1ca: {  	s1 =	rddreg [dreg:$0x5];
	[sflag:s7] =	ssyncadd.s32 $0xFFFFD880  }
0x1cb: {  	[tilespmem:s30], [sflag:$0x5] =	stream.linear.gather [hbm4b:s1+s2], $0x2800, $0x38;
	[tilespmem:$0x19680] =	vst v63  }
0x1cc: {  	_ =	swait.ge [sflag:s7], $0x2800  }
0x1cd: {  	[sflag:s7] =	ssyncset.done $0x0  }
0x1ce: {  	s1 =	rddreg [dreg:$0x6];
	[sflag:s7] =	ssyncadd.s32 $0xFFFFD800  }
0x1cf: {  	[tilespmem:s29], [sflag:$0x5] =	stream.linear.gather [hbm4b:s1+s2], $0x2800, $0x38;
	[tilespmem:$0x19680] =	vst v63  }
0x1d0: {  	_ =	swait.ge [sflag:s7], $0x2800  }
0x1d1: {  	[sflag:s7] =	ssyncset.done $0x0  }
0x1d2: {  	s1 =	rddreg [dreg:$0x7];
	[sflag:s7] =	ssyncadd.s32 $0xFFFFD800  }
0x1d3: {  	[tilespmem:s31], [sflag:$0x5] =	stream.linear.gather [hbm4b:s1+s2], $0x2800, $0x38;
	[tilespmem:$0x19680] =	vst v63  }
0x1d4: {  	_ =	swait.ge [sflag:s7], $0x2800  }
0x1d5: {  	[sflag:s7] =	ssyncset.done $0x0  }
0x1d6: {  	s1 =	rddreg [dreg:$0x8];
	[sflag:s7] =	ssyncadd.s32 $0xFFFFD800  }
0x1d7: {  	[tilespmem:s28], [sflag:$0x5] =	stream.linear.gather [hbm4b:s1+s2], $0x2800, $0x38;
	[tilespmem:$0x19680] =	vst v63  }
0x1d8: {  	_ =	swait.ge [sflag:s7], $0x2800  }
0x1d9: {  	[sflag:s7] =	ssyncset.done $0x0  }
0x1da: {  	[sflag:s7] =	ssyncadd.s32 $0xFFFFD800  }
0x1db: {  	[bflag:$0x0] =	sbarrier.arrive $0xFFFF  }
0x1dc: {  	[tilespmem:s10], [sflag:$0x1] =	stream.indirect.gather [spmem:s4], $0x10, s30, s8, $0xb8;
	[tilespmem:$0x19680] =	vst v63  }
0x1dd: {  	s1 =	rddreg [dreg:$0xb]  }
0x1de: {  	[tilespmem:s9], [sflag:$0x2] =	stream.indirect.gather [spmem:s4], $0x10, s1, s8, $0xb8;
	[tilespmem:$0x19680] =	vst v63  }
0x1df: {  	_ =	swait.ge [sflag:s14], $0x4000  }
0x1e0: {  	[sflag:s14] =	ssyncset.done $0x0  }
0x1e1: {  	[sflag:s14] =	ssyncadd.s32 $0xFFFFC000  }
0x1e2: {  	[spmem:s3] =	stream.indirect.scatter.add.f32 [tilespmem:s10], [sflag:$0x3], $0x10, s31, s8, $0xb8;
	[tilespmem:$0x19680] =	vst v63  }
0x1e3: {  	_ =	swait.ge [sflag:s13], $0x4000  }
0x1e4: {  	[sflag:s13] =	ssyncset.done $0x0  }
0x1e5: {  	s31 =	rddreg [dreg:$0xc];
	[sflag:s13] =	ssyncadd.s32 $0xFFFFC000  }
0x1e6: {  	[spmem:s3] =	stream.indirect.scatter.add.f32 [tilespmem:s9], [sflag:$0x4], $0x10, s31, s8, $0xb8;
	[tilespmem:$0x19680] =	vst v63  }
0x1e7: {  	_ =	swait.ge [sflag:s11], $0x4000  }
0x1e8: {  	[sflag:s11] =	ssyncset.done $0x0  }
0x1e9: {  	s1 =	rddreg [dreg:$0xd];
	[sflag:s11] =	ssyncadd.s32 $0xFFFFC000  }
0x1ea: {  	[tilespmem:s10], [sflag:$0x1] =	stream.indirect.gather [spmem:s4], $0x10, s1, s8, $0xb8;
	[tilespmem:$0x19680] =	vst v63  }
0x1eb: {  	_ =	swait.ge [sflag:s12], $0x4000  }
0x1ec: {  	[sflag:s12] =	ssyncset.done $0x0  }
0x1ed: {  	s30 =	rddreg [dreg:$0xe];
	[sflag:s12] =	ssyncadd.s32 $0xFFFFC000  }
0x1ee: {  	[tilespmem:s9], [sflag:$0x2] =	stream.indirect.gather [spmem:s4], $0x10, s30, s8, $0xb8;
	[tilespmem:$0x19680] =	vst v63  }
0x1ef: {  	_ =	swait.ge [sflag:s14], $0x4000  }
0x1f0: {  	[sflag:s14] =	ssyncset.done $0x0  }
0x1f1: {  	s31 =	rddreg [dreg:$0xf];
	[sflag:s14] =	ssyncadd.s32 $0xFFFFC000  }
0x1f2: {  	[spmem:s3] =	stream.indirect.scatter.add.f32 [tilespmem:s10], [sflag:$0x3], $0x10, s31, s8, $0xb8;
	[tilespmem:$0x19680] =	vst v63  }
0x1f3: {  	_ =	swait.ge [sflag:s13], $0x4000  }
0x1f4: {  	[sflag:s13] =	ssyncset.done $0x0  }
0x1f5: {  	s1 =	rddreg [dreg:$0x10];
	[sflag:s13] =	ssyncadd.s32 $0xFFFFC000  }
0x1f6: {  	[spmem:s3] =	stream.indirect.scatter.add.f32 [tilespmem:s9], [sflag:$0x4], $0x10, s1, s8, $0xb8;
	[tilespmem:$0x19680] =	vst v63  }
0x1f7: {  	_ =	swait.ge [sflag:s11], $0x4000  }
0x1f8: {  	[sflag:s11] =	ssyncset.done $0x0  }
0x1f9: {  	s30 =	rddreg [dreg:$0x11];
	[sflag:s11] =	ssyncadd.s32 $0xFFFFC000  }
0x1fa: {  	[tilespmem:s10], [sflag:$0x1] =	stream.indirect.gather [spmem:s4], $0x10, s30, s8, $0xb8;
	[tilespmem:$0x19680] =	vst v63  }
0x1fb: {  	_ =	swait.ge [sflag:s12], $0x4000  }
0x1fc: {  	[sflag:s12] =	ssyncset.done $0x0  }
0x1fd: {  	s31 =	rddreg [dreg:$0x12];
	[sflag:s12] =	ssyncadd.s32 $0xFFFFC000  }
0x1fe: {  	[tilespmem:s9], [sflag:$0x2] =	stream.indirect.gather [spmem:s4], $0x10, s31, s8, $0xb8;
	[tilespmem:$0x19680] =	vst v63  }
0x1ff: {  	_ =	swait.ge [sflag:s14], $0x4000  }
0x200: {  	[sflag:s14] =	ssyncset.done $0x0  }
0x201: {  	s1 =	rddreg [dreg:$0x13];
	[sflag:s14] =	ssyncadd.s32 $0xFFFFC000  }
0x202: {  	[spmem:s3] =	stream.indirect.scatter.add.f32 [tilespmem:s10], [sflag:$0x3], $0x10, s1, s8, $0xb8;
	[tilespmem:$0x19680] =	vst v63  }
0x203: {  	_ =	swait.ge [sflag:s13], $0x4000  }
0x204: {  	[sflag:s13] =	ssyncset.done $0x0  }
0x205: {  	s30 =	rddreg [dreg:$0x14];
	[sflag:s13] =	ssyncadd.s32 $0xFFFFC000  }
0x206: {  	[spmem:s3] =	stream.indirect.scatter.add.f32 [tilespmem:s9], [sflag:$0x4], $0x10, s30, s8, $0xb8;
	[tilespmem:$0x19680] =	vst v63  }
0x207: {  	_ =	swait.ge [sflag:s11], $0x4000  }
0x208: {  	[sflag:s11] =	ssyncset.done $0x0  }
0x209: {  	s31 =	rddreg [dreg:$0x15];
	[sflag:s11] =	ssyncadd.s32 $0xFFFFC000  }
0x20a: {  	[tilespmem:s10], [sflag:$0x1] =	stream.indirect.gather [spmem:s4], $0x10, s31, s8, $0xb8;
	[tilespmem:$0x19680] =	vst v63  }
0x20b: {  	_ =	swait.ge [sflag:s12], $0x4000  }
0x20c: {  	[sflag:s12] =	ssyncset.done $0x0  }
0x20d: {  	s1 =	rddreg [dreg:$0x16];
	[sflag:s12] =	ssyncadd.s32 $0xFFFFC000  }
0x20e: {  	[tilespmem:s9], [sflag:$0x2] =	stream.indirect.gather [spmem:s4], $0x10, s1, s8, $0xb8;
	[tilespmem:$0x19680] =	vst v63  }
0x20f: {  	_ =	swait.ge [sflag:s14], $0x4000  }
0x210: {  	[sflag:s14] =	ssyncset.done $0x0  }
0x211: {  	s30 =	rddreg [dreg:$0x17];
	[sflag:s14] =	ssyncadd.s32 $0xFFFFC000  }
0x212: {  	[spmem:s3] =	stream.indirect.scatter.add.f32 [tilespmem:s10], [sflag:$0x3], $0x10, s30, s8, $0xb8;
	[tilespmem:$0x19680] =	vst v63  }
0x213: {  	_ =	swait.ge [sflag:s13], $0x4000  }
0x214: {  	[sflag:s13] =	ssyncset.done $0x0  }
0x215: {  	s31 =	rddreg [dreg:$0x18];
	[sflag:s13] =	ssyncadd.s32 $0xFFFFC000  }
0x216: {  	[spmem:s3] =	stream.indirect.scatter.add.f32 [tilespmem:s9], [sflag:$0x4], $0x10, s31, s8, $0xb8;
	[tilespmem:$0x19680] =	vst v63  }
0x217: {  	_ =	swait.ge [sflag:s11], $0x4000  }
0x218: {  	[sflag:s11] =	ssyncset.done $0x0  }
0x219: {  	s1 =	rddreg [dreg:$0x19];
	[sflag:s11] =	ssyncadd.s32 $0xFFFFC000  }
0x21a: {  	[tilespmem:s10], [sflag:$0x1] =	stream.indirect.gather [spmem:s4], $0x10, s1, s8, $0xb8;
	[tilespmem:$0x19680] =	vst v63  }
0x21b: {  	_ =	swait.ge [sflag:s12], $0x4000  }
0x21c: {  	[sflag:s12] =	ssyncset.done $0x0  }
0x21d: {  	s30 =	rddreg [dreg:$0x1a];
	[sflag:s12] =	ssyncadd.s32 $0xFFFFC000  }
0x21e: {  	[tilespmem:s9], [sflag:$0x2] =	stream.indirect.gather [spmem:s4], $0x10, s30, s8, $0xb8;
	[tilespmem:$0x19680] =	vst v63  }
0x21f: {  	_ =	swait.ge [sflag:s14], $0x4000  }
0x220: {  	[sflag:s14] =	ssyncset.done $0x0  }
0x221: {  	s31 =	rddreg [dreg:$0x1b];
	[sflag:s14] =	ssyncadd.s32 $0xFFFFC000  }
0x222: {  	[spmem:s3] =	stream.indirect.scatter.add.f32 [tilespmem:s10], [sflag:$0x3], $0x10, s31, s8, $0xb8;
	[tilespmem:$0x19680] =	vst v63  }
0x223: {  	_ =	swait.ge [sflag:s13], $0x4000  }
0x224: {  	[sflag:s13] =	ssyncset.done $0x0  }
0x225: {  	s1 =	rddreg [dreg:$0x1c];
	[sflag:s13] =	ssyncadd.s32 $0xFFFFC000  }
0x226: {  	[spmem:s3] =	stream.indirect.scatter.add.f32 [tilespmem:s9], [sflag:$0x4], $0x10, s1, s8, $0xb8;
	[tilespmem:$0x19680] =	vst v63  }
0x227: {  	_ =	swait.ge [sflag:s11], $0x4000  }
0x228: {  	[sflag:s11] =	ssyncset.done $0x0  }
0x229: {  	[sflag:s11] =	ssyncadd.s32 $0xFFFFC000  }
0x22a: {  	[tilespmem:s10], [sflag:$0x1] =	stream.indirect.gather [spmem:s4], $0x10, s29, s8, $0xb8;
	[tilespmem:$0x19680] =	vst v63  }
0x22b: {  	_ =	swait.ge [sflag:s12], $0x4000  }
0x22c: {  	[sflag:s12] =	ssyncset.done $0x0  }
0x22d: {  	s29 =	rddreg [dreg:$0x1d];
	[sflag:s12] =	ssyncadd.s32 $0xFFFFC000  }
0x22e: {  	[tilespmem:s9], [sflag:$0x2] =	stream.indirect.gather [spmem:s4], $0x10, s29, s8, $0xb8;
	[tilespmem:$0x19680] =	vst v63  }
0x22f: {  	_ =	swait.ge [sflag:s14], $0x4000  }
0x230: {  	[sflag:s14] =	ssyncset.done $0x0  }
0x231: {  	[sflag:s14] =	ssyncadd.s32 $0xFFFFC000  }
0x232: {  	[spmem:s3] =	stream.indirect.scatter.add.f32 [tilespmem:s10], [sflag:$0x3], $0x10, s28, s8, $0xb8;
	[tilespmem:$0x19680] =	vst v63  }
0x233: {  	_ =	swait.ge [sflag:s13], $0x4000  }
0x234: {  	[sflag:s13] =	ssyncset.done $0x0  }
0x235: {  	s30 =	rddreg [dreg:$0x1e];
	[sflag:s13] =	ssyncadd.s32 $0xFFFFC000  }
0x236: {  	[spmem:s3] =	stream.indirect.scatter.add.f32 [tilespmem:s9], [sflag:$0x4], $0x10, s30, s8, $0xb8;
	[tilespmem:$0x19680] =	vst v63  }
0x237: {  	_ =	swait.ge [sflag:s11], $0x4000  }
0x238: {  	[sflag:s11] =	ssyncset.done $0x0  }
0x239: {  	s31 =	rddreg [dreg:$0x1f];
	[sflag:s11] =	ssyncadd.s32 $0xFFFFC000  }
0x23a: {  	[tilespmem:s10], [sflag:$0x1] =	stream.indirect.gather [spmem:s4], $0x10, s31, s8, $0xb8;
	[tilespmem:$0x19680] =	vst v63  }
0x23b: {  	_ =	swait.ge [sflag:s12], $0x4000  }
0x23c: {  	s1 =	sld [smem:$0x7FB]  }
0x23d: {  	[sflag:s12] =	ssyncset.done $0x0  }
0x23e: {  	[sflag:s12] =	ssyncadd.s32 $0xFFFFC000  }
0x23f: {  	[tilespmem:s9], [sflag:$0x2] =	stream.indirect.gather [spmem:s4], $0x10, s1, s8, $0xb8;
	[tilespmem:$0x19680] =	vst v63  }
0x240: {  	_ =	swait.ge [sflag:s14], $0x4000  }
0x241: {  	s28 =	sld [smem:$0x7FC]  }
0x242: {  	[sflag:s14] =	ssyncset.done $0x0  }
0x243: {  	[sflag:s14] =	ssyncadd.s32 $0xFFFFC000  }
0x244: {  	[spmem:s3] =	stream.indirect.scatter.add.f32 [tilespmem:s10], [sflag:$0x3], $0x10, s28, s8, $0xb8;
	[tilespmem:$0x19680] =	vst v63  }
0x245: {  	_ =	swait.ge [sflag:s13], $0x4000  }
0x246: {  	s29 =	sld [smem:$0x7FD]  }
0x247: {  	[sflag:s13] =	ssyncset.done $0x0  }
0x248: {  	[sflag:s13] =	ssyncadd.s32 $0xFFFFC000  }
0x249: {  	[spmem:s3] =	stream.indirect.scatter.add.f32 [tilespmem:s9], [sflag:$0x4], $0x10, s29, s8, $0xb8;
	[tilespmem:$0x19680] =	vst v63  }
0x24a: {  	_ =	swait.ge [sflag:s11], $0x4000  }
0x24b: {  	[sflag:s11] =	ssyncset.done $0x0  }
0x24c: {  	[sflag:s11] =	ssyncadd.s32 $0xFFFFC000  }
0x24d: {  	[tilespmem:s10], [sflag:$0x1] =	stream.indirect.gather [spmem:s4], $0x10, s26, s8, $0xb8;
	[tilespmem:$0x19680] =	vst v63  }
0x24e: {  	_ =	swait.ge [sflag:s12], $0x4000  }
0x24f: {  	[sflag:s12] =	ssyncset.done $0x0  }
0x250: {  	[sflag:s12] =	ssyncadd.s32 $0xFFFFC000  }
0x251: {  	[tilespmem:s9], [sflag:$0x2] =	stream.indirect.gather [spmem:s4], $0x10, s25, s8, $0xb8;
	[tilespmem:$0x19680] =	vst v63  }
0x252: {  	_ =	swait.ge [sflag:s14], $0x4000  }
0x253: {  	[sflag:s14] =	ssyncset.done $0x0  }
0x254: {  	[sflag:s14] =	ssyncadd.s32 $0xFFFFC000  }
0x255: {  	[spmem:s3] =	stream.indirect.scatter.add.f32 [tilespmem:s10], [sflag:$0x3], $0x10, s24, s8, $0xb8;
	[tilespmem:$0x19680] =	vst v63  }
0x256: {  	_ =	swait.ge [sflag:s13], $0x4000  }
0x257: {  	[sflag:s13] =	ssyncset.done $0x0  }
0x258: {  	[sflag:s13] =	ssyncadd.s32 $0xFFFFC000  }
0x259: {  	[spmem:s3] =	stream.indirect.scatter.add.f32 [tilespmem:s9], [sflag:$0x4], $0x10, s23, s8, $0xb8;
	[tilespmem:$0x19680] =	vst v63  }
0x25a: {  	_ =	swait.ge [sflag:s11], $0x4000  }
0x25b: {  	[sflag:s11] =	ssyncset.done $0x0  }
0x25c: {  	[sflag:s11] =	ssyncadd.s32 $0xFFFFC000  }
0x25d: {  	[tilespmem:s10], [sflag:$0x1] =	stream.indirect.gather [spmem:s4], $0x10, s22, s8, $0xb8;
	[tilespmem:$0x19680] =	vst v63  }
0x25e: {  	_ =	swait.ge [sflag:s12], $0x4000  }
0x25f: {  	[sflag:s12] =	ssyncset.done $0x0  }
0x260: {  	[sflag:s12] =	ssyncadd.s32 $0xFFFFC000  }
0x261: {  	[tilespmem:s9], [sflag:$0x2] =	stream.indirect.gather [spmem:s4], $0x10, s20, s8, $0xb8;
	[tilespmem:$0x19680] =	vst v63  }
0x262: {  	_ =	swait.ge [sflag:s14], $0x4000  }
0x263: {  	[sflag:s14] =	ssyncset.done $0x0  }
0x264: {  	[sflag:s14] =	ssyncadd.s32 $0xFFFFC000  }
0x265: {  	[spmem:s3] =	stream.indirect.scatter.add.f32 [tilespmem:s10], [sflag:$0x3], $0x10, s21, s8, $0xb8;
	[tilespmem:$0x19680] =	vst v63  }
0x266: {  	_ =	swait.ge [sflag:s13], $0x4000  }
0x267: {  	[sflag:s13] =	ssyncset.done $0x0  }
0x268: {  	[sflag:s13] =	ssyncadd.s32 $0xFFFFC000  }
0x269: {  	[spmem:s3] =	stream.indirect.scatter.add.f32 [tilespmem:s9], [sflag:$0x4], $0x10, s19, s8, $0xb8;
	[tilespmem:$0x19680] =	vst v63  }
0x26a: {  	_ =	swait.ge [sflag:s11], $0x4000  }
0x26b: {  	[sflag:s11] =	ssyncset.done $0x0  }
0x26c: {  	[sflag:s11] =	ssyncadd.s32 $0xFFFFC000  }
0x26d: {  	[tilespmem:s10], [sflag:$0x1] =	stream.indirect.gather [spmem:s4], $0x10, s18, s8, $0xb8;
	[tilespmem:$0x19680] =	vst v63  }
0x26e: {  	_ =	swait.ge [sflag:s12], $0x4000  }
0x26f: {  	[sflag:s12] =	ssyncset.done $0x0  }
0x270: {  	[sflag:s12] =	ssyncadd.s32 $0xFFFFC000  }
0x271: {  	[tilespmem:s9], [sflag:$0x2] =	stream.indirect.gather [spmem:s4], $0x10, s17, s8, $0xb8;
	[tilespmem:$0x19680] =	vst v63  }
0x272: {  	_ =	swait.ge [sflag:s14], $0x4000  }
0x273: {  	[sflag:s14] =	ssyncset.done $0x0  }
0x274: {  	[sflag:s14] =	ssyncadd.s32 $0xFFFFC000  }
0x275: {  	[spmem:s3] =	stream.indirect.scatter.add.f32 [tilespmem:s10], [sflag:$0x3], $0x10, s16, s8, $0xb8;
	[tilespmem:$0x19680] =	vst v63  }
0x276: {  	_ =	swait.ge [sflag:s13], $0x4000  }
0x277: {  	[sflag:s13] =	ssyncset.done $0x0  }
0x278: {  	[sflag:s13] =	ssyncadd.s32 $0xFFFFC000  }
0x279: {  	[spmem:s3] =	stream.indirect.scatter.add.f32 [tilespmem:s9], [sflag:$0x4], $0x10, s15, s8, $0xb8;
	[tilespmem:$0x19680] =	vst v63  }
0x27a: {  	_ =	swait.ge [sflag:s11], $0x4000  }
0x27b: {  	[sflag:s11] =	ssyncset.done $0x0  }
0x27c: {  	[sflag:s11] =	ssyncadd.s32 $0xFFFFC000  }
0x27d: {  	_ =	swait.ge [sflag:s12], $0x4000  }
0x27e: {  	[sflag:s12] =	ssyncset.done $0x0  }
0x27f: {  	[sflag:s12] =	ssyncadd.s32 $0xFFFFC000  }
0x280: {  	[bflag:$0x0] =	sbarrier.arrive $0xFFFF  }
0x281: {  	[tilespmem:s6], [sflag:$0x5] =	stream.linear.gather [spmem:s5], $0x2780, $0x38;
	[tilespmem:$0x19680] =	vst v63  }
0x282: {  	_ =	swait.ge [sflag:s7], $0x2780  }
0x283: {  	[sflag:s7] =	ssyncset.done $0x0  }
0x284: {  	s30 =	rddreg [dreg:$0x9];
	[sflag:s7] =	ssyncadd.s32 $0xFFFFD880  }
0x285: {  	[hbm4b:s30+s2] =	stream.linear.scatter [tilespmem:s6], [sflag:$0x5], $0x2780, $0x38;
	[tilespmem:$0x19680] =	vst v63  }
0x286: {  	_ =	swait.ge [sflag:s7], $0x2780  }
0x287: {  	[sflag:s7] =	ssyncset.done $0x0  }
0x288: {  	[sflag:s7] =	ssyncadd.s32 $0xFFFFD880  }
0x289: {  	_ =	sfence.sel $0x180000  }
0x28a: {  	[bflag:$0x0] =	sbarrier.arrive $0xFFFF  }
0x28b: {  	_ =	strace $0x9000004A  }
0x28c: {  	s31 =	stileid.u32;
	[bflag:$0x2] =	sbarrier.arrive $0xFFFF  }
0x28d: {  	p0 =	sne.s32 s31, $0x0;
	s0 =	rddreg [dreg:$0x3]  }
0x28e: {  	s0 =	sadd.s32 @!p0 $0x100000, s0  }
0x28f: {  	[sflag:s0] =	ssyncadd.tile.s32 @!p0 $0x1;
	_ =	shalt  }
.Lfunc_end2:
_tile_overlayer_lowered:
.L_overlay_start_2:
0x290: {  	(tag) =	ssettag $0x2  }
0x291: {  	s0 =	rddreg [dreg:$0x0];
	s2 =	stileid.u32  }
0x292: {  	s1 =	rddreg [dreg:$0x1];
	p0 =	sne.s32 s2, $0x0  }
0x293: {  	s3 =	rddreg [dreg:$0x2];
	[bflag:$0x3] =	sbarrier.arrive $0xFFFF;
	s2 =	simm.s32 @!p0 $0x1C05  }
0x294: {  	[timem:s3], [sflag:s2] =	dma.local @!p0 [hbm:s0], s1  }
0x295: {  	s0 =	simm.s32 @!p0 $0x5  }
0x296: {  	_ =	swait.ge @!p0 [sflag:s0], s1  }
0x297: {  	s1 =	ssub.s32 @!p0 $0x0, s1;
	[sflag:s0] =	ssyncset.done @!p0 $0x0  }
0x298: {  	[sflag:s0] =	ssyncadd.s32 @!p0 s1  }
0x299: {  	[bflag:$0x3] =	sbarrier.arrive $0xFFFF  }
0x29a: {  	_ =	shalt  }

// kernel: kernel.14.cloned.1.call-start
scs
__scs_entry_jumppad:
0x0: {  	(pc) =	sbr.rel $0x88, $3  }
0x1: {  	(tag) =	ssettag $0x0;
	lr =	simm.s32 $0x1  }
0x2: {  	[smem:$0x3F9D] =	sst lr;
	_ =	strace $0xD0000000  }
0x3: {  	_ = 	snop  }
0x4: {  	_ = 	snop  }
0x5: {  	_ = 	snop  }
0x6: {  	_ = 	snop  }
0x7: {  	_ = 	snop  }
__scs_overlays_trampoline_lowered:
0x8: {  	[smem:$0x3FAC] =	sst s0  }
0x9: {  	[smem:$0x3FAD] =	sst s1  }
0xa: {  	[smem:$0x3FAE] =	sst s2  }
0xb: {  	[smem:$0x3FAF] =	sst s3  }
0xc: {  	[smem:$0x3FB0] =	sst s4  }
0xd: {  	[smem:$0x3FB1] =	sst s5  }
0xe: {  	[smem:$0x3FB2] =	sst s6  }
0xf: {  	[smem:$0x3FB3] =	sst s7  }
0x10: {  	[smem:$0x3FB4] =	sst s8  }
0x11: {  	[smem:$0x3FB5] =	sst s9;
	s0 =	simm.s32 @!p0 $0x0  }
0x12: {  	s1 =	sld [smem:$0x3F9B];
	s0 =	simm.s32 @p0 $0x1  }
0x13: {  	[smem:$0x3FB6] =	sst s0;
	s0 =	simm.s32 @!p1 $0x0  }
0x14: {  	s2 =	sld [smem:$0x3F9A];
	s0 =	simm.s32 @p1 $0x1  }
0x15: {  	[smem:$0x3FB7] =	sst s0;
	s0 =	simm.s32 @!p2 $0x0  }
0x16: {  	s3 =	sld [smem:$0x3FDB];
	s0 =	simm.s32 @p2 $0x1  }
0x17: {  	s4 =	simm.s32 $0x1BF5;
	[smem:$0x3FB9] =	sst s0  }
0x18: {  	s0 =	sld [smem:$0x3F9C];
	_ =	swait.ge [sflag:s4], $0x0  }
0x19: {  	s7 =	sld [smem:$0x3F9D]  }
0x1a: {  	s8 =	sadd.s32 $0xFFFFE003, lr  }
0x1b: {  	s9 =	sadd.s32 $0xFFFFFEF7, lr;
	s5 =	simm.s32 $0xFFFFFFFF;
	p2 =	slt.u32 s8, $0xFFFFF086  }
0x1c: {  	p1 =	slt.u32 s9, $0xF7A;
	s5 =	simm.s32 @!p2 $0x0  }
0x1d: {  	s5 =	simm.s32 @p1 $0x1;
	p0 =	seq.s32 s7, s2  }
0x1e: {  	s7 =	smul.u32 @!p0 $0xF7A, s2;
	p2 =	seq.s32 @!p0 s5, $0x0  }
0x1f: {  	s9 =	smul.u32 $0xF7A, s1;
	s8 =	simm.s32 @!p0 $0x1BF5;
	p2 =	por !p2, p0  }
0x20: {  	[sflag:s8] =	ssyncset.s32 @!p0 $0xFFFFF086;
	s6 =	sadd.s32 @!p0 s3, s7;
	s7 =	simm.s32 @!p0 $0x108  }
0x21: {  	s3 =	sadd.s32 s3, s9;
	s6 =	sadd.s32 @!p0 $0x88, s6;
	s7 =	simm.s32 @p2 $0x1082  }
0x22: {  	[simem:s7], [sflag:s8] =	dma.local @!p0 [hbm:s6], $0xF7A  }
0x23: {  	s9 =	sor.u32 $0xD0000000, s2;
	s6 =	simm.s32 $0x108;
	_ =	swait.ge @!p0 [sflag:s8], $0x0  }
0x24: {  	s3 =	sadd.s32 $0x88, s3;
	s6 =	simm.s32 @!p1 $0x1082;
	[sflag:s4] =	ssyncset.s32 $0xFFFFF086  }
0x25: {  	[simem:s6], [sflag:s4] =	dma.local [hbm:s3], $0xF7A  }
0x26: {  	[smem:$0x3F9D] =	sst s1;
	(tag) =	ssettag s2;
	_ =	strace s9  }
0x27: {  	s1 =	sld [smem:$0x3FAD]  }
0x28: {  	s2 =	sld [smem:$0x3FAE]  }
0x29: {  	s4 =	sld [smem:$0x3FB0]  }
0x2a: {  	p0 =	seq.s32 s5, $0x0;
	s5 =	sld [smem:$0x3FB1]  }
0x2b: {  	s6 =	sld [smem:$0x3FB2]  }
0x2c: {  	s7 =	sld [smem:$0x3FB3]  }
0x2d: {  	s3 =	simm.s32 $0x108;
	s8 =	sld [smem:$0x3FB4]  }
0x2e: {  	s3 =	simm.s32 @!p0 $0x1082;
	s9 =	sld [smem:$0x3FB5]  }
0x2f: {  	lr =	sadd.s32 s0, s3;
	s0 =	sld [smem:$0x3FAC]  }
0x30: {  	s3 =	sld [smem:$0x3FAF]  }
0x31: {  	[smem:$0x3FB8] =	sst s10  }
0x32: {  	s10 =	sld [smem:$0x3FB6];
	_ =	sdelay $0x3  }
0x33: {  	p0 =	seq.s32 s10, $0x1;
	s10 =	sld [smem:$0x3FB8];
	_ =	sdelay $0x3  }
0x34: {  	[smem:$0x3FB8] =	sst s10  }
0x35: {  	s10 =	sld [smem:$0x3FB7];
	_ =	sdelay $0x3  }
0x36: {  	p1 =	seq.s32 s10, $0x1;
	s10 =	sld [smem:$0x3FB8];
	_ =	sdelay $0x3  }
0x37: {  	[smem:$0x3FB8] =	sst s10  }
0x38: {  	s10 =	sld [smem:$0x3FB9]  }
0x39: {  	_ = 	snop;
	(pc) =	sbr.ind lr, $3  }
0x3a: {  	_ = 	snop  }
0x3b: {  	_ = 	snop  }
0x3c: {  	p2 =	seq.s32 s10, $0x1;
	s10 =	sld [smem:$0x3FB8]  }
0x3d: {  	_ =	shalt  }
0x3e: {  	_ =	shalt  }
0x3f: {  	_ =	shalt  }
0x40: {  	_ =	shalt  }
0x41: {  	_ =	shalt  }
0x42: {  	_ =	shalt  }
0x43: {  	_ =	shalt  }
0x44: {  	_ =	shalt  }
0x45: {  	_ =	shalt  }
0x46: {  	_ =	shalt  }
0x47: {  	_ =	shalt  }
0x48: {  	_ =	shalt  }
0x49: {  	_ =	shalt  }
0x4a: {  	_ =	shalt  }
0x4b: {  	_ =	shalt  }
0x4c: {  	_ =	shalt  }
0x4d: {  	_ =	shalt  }
0x4e: {  	_ =	shalt  }
0x4f: {  	_ =	shalt  }
0x50: {  	_ =	shalt  }
0x51: {  	_ =	shalt  }
0x52: {  	_ =	shalt  }
0x53: {  	_ =	shalt  }
0x54: {  	_ =	shalt  }
0x55: {  	_ =	shalt  }
0x56: {  	_ =	shalt  }
0x57: {  	_ =	shalt  }
0x58: {  	_ =	shalt  }
0x59: {  	_ =	shalt  }
0x5a: {  	_ =	shalt  }
0x5b: {  	_ =	shalt  }
0x5c: {  	_ =	shalt  }
0x5d: {  	_ =	shalt  }
0x5e: {  	_ =	shalt  }
0x5f: {  	_ =	shalt  }
0x60: {  	_ =	shalt  }
0x61: {  	_ =	shalt  }
0x62: {  	_ =	shalt  }
0x63: {  	_ =	shalt  }
0x64: {  	_ =	shalt  }
0x65: {  	_ =	shalt  }
0x66: {  	_ =	shalt  }
0x67: {  	_ =	shalt  }
0x68: {  	_ =	shalt  }
0x69: {  	_ =	shalt  }
0x6a: {  	_ =	shalt  }
0x6b: {  	_ =	shalt  }
0x6c: {  	_ =	shalt  }
0x6d: {  	_ =	shalt  }
0x6e: {  	_ =	shalt  }
0x6f: {  	_ =	shalt  }
0x70: {  	_ =	shalt  }
0x71: {  	_ =	shalt  }
0x72: {  	_ =	shalt  }
0x73: {  	_ =	shalt  }
0x74: {  	_ =	shalt  }
0x75: {  	_ =	shalt  }
0x76: {  	_ =	shalt  }
0x77: {  	_ =	shalt  }
0x78: {  	_ =	shalt  }
0x79: {  	_ =	shalt  }
0x7a: {  	_ =	shalt  }
0x7b: {  	_ =	shalt  }
0x7c: {  	_ =	shalt  }
0x7d: {  	_ =	shalt  }
0x7e: {  	_ =	shalt  }
0x7f: {  	_ =	shalt  }
0x80: {  	_ =	shalt  }
0x81: {  	_ =	shalt  }
0x82: {  	_ =	shalt  }
0x83: {  	_ =	shalt  }
0x84: {  	_ =	shalt  }
0x85: {  	_ =	shalt  }
0x86: {  	_ =	shalt  }
0x87: {  	_ =	shalt  }
.Lfunc_end0:
.L_simem_size_0:
called_computation.2_lowered:
.L_overlay_start_0:
0x88: {  	s2 =	sld [smem:$0x3FD9]  }
0x89: {  	s3 =	sld [smem:$0x3FFE];
	_ =	sdelay $0x1  }
0x8a: {  	s1 =	srdreg.scid  }
0x8b: {  	s0 =	sand.u32 $0x1, s1  }
0x8c: {  	s16 =	sshll.u32 s0, $0xA;
	s2 =	sadd.s32 s3, s2  }
0x8d: {  	s2 =	sadd.s32 s2, s16  }
0x8e: {  	[smem:$0x3FC4] =	sst s2  }
0x8f: {  	_ = 	snop  }
0x90: {  	(tm) =	ssettm $0x1  }
0x91: {  	s17 =	sld [smem:$0x3FFB];
	_ =	sdelay $0x3  }
0x92: {  	_ =	strace s17  }
0x93: {  	s2 =	sld [smem:$0x3FFC];
	_ =	sdelay $0x3  }
0x94: {  	_ =	strace s2  }
0x95: {  	s2 =	sld [smem:$0x3FFD];
	_ =	sdelay $0x3  }
0x96: {  	_ =	strace s2  }
0x97: {  	_ =	strace $0x8FFFFFFF  }
0x98: {  	s18 =	sld [smem:$0x3FDB];
	_ =	sdelay $0x1  }
0x99: {  	s19 =	simm.s32 $_scs_section_size  }
0x9a: {  	s4 =	simm.s32 $_size__tile_overlayer_lowered;
	s5 =	simm.s32 $_tile_overlayer_lowered  }
0x9b: {  	s22 =	simm.s32 $0x1BFF;
	s21 =	sshll.u32 s5, $0x1;
	s2 =	sadd.s32 s19, s18  }
0x9c: {  	s6 =	simm.s32 $0x0;
	s20 =	sshll.u32 s4, $0x1;
	s4 =	sadd.s32 s21, s2  }
0x9d: {  	[timem:s6], [sflag:s22] =	dma.local [hbm:s4], s20  }
0x9e: {  	_ =	swait.ge [sflag:s22], s20  }
0x9f: {  	s3 =	ssub.s32 $0x0, s20;
	[sflag:s22] =	ssyncset.done $0x0  }
0xa0: {  	[sflag:s22] =	ssyncadd.s32 s3;
	_ =	sdelay $0x1  }
0xa1: {  	s23 =	simm.s32 $0x1B8B  }
0xa2: {  	_ =	swait.ge [sflag:s23], $0x1  }
0xa3: {  	[sflag:s23] =	ssyncset.done $0x0  }
0xa4: {  	s25 =	simm.s32 $0x1B8E;
	s24 =	sld [smem:$0x3FFE];
	[sflag:s23] =	ssyncadd.s32 $0xFFFFFFFF  }
0xa5: {  	s26 =	simm.s32 $execute0_lowered;
	[smem:$0x3FD2] =	sst s25  }
0xa6: {  	s4 =	sshll.u32 s26, $0x1;
	_ =	strace $0x8000004C;
	[dreg:$0x1] =	wrdreg $0xFFFFFFFF  }
0xa7: {  	s28 =	simm.s32 $_size_execute0_lowered;
	s2 =	sadd.s32 s2, s4;
	[dreg:$0x0] =	wrdreg $0x0  }
0xa8: {  	s4 =	sshll.u32 s28, $0x1;
	[dreg:$0x2] =	wrdreg s2  }
0xa9: {  	[dreg:$0x3] =	wrdreg s4  }
0xaa: {  	[dreg:$0x4] =	wrdreg $0xC0  }
0xab: {  	_ =	task [dreg:s6], $0x5FFFF  }
0xac: {  	[dreg:$0x1] =	wrdreg $0xFFFFFFFF  }
0xad: {  	[dreg:$0x0] =	wrdreg $0x60  }
0xae: {  	[dreg:$0x2] =	wrdreg s24  }
0xaf: {  	[dreg:$0x3] =	wrdreg $0x0  }
0xb0: {  	[dreg:$0x4] =	wrdreg $0x27800  }
0xb1: {  	[dreg:$0x5] =	wrdreg $0x9  }
0xb2: {  	_ =	task.clear_ibuf [dreg:s6], $0x6FFFF;
	_ =	strace $0x9000004C  }
0xb3: {  	s29 =	simm.s32 $0x9;
	_ =	strace $0x8000004E  }
0xb4: {  	_ =	swait.ge [sflag:s29], $0x1  }
0xb5: {  	[sflag:s29] =	ssyncadd.s32 $0xFFFFFFFF  }
0xb6: {  	_ =	strace $0x9000004E  }
0xb7: {  	_ =	sfence  }
0xb8: {  	s30 =	sld [smem:$0x0];
	_ =	sdelay $0x2  }
0xb9: {  	s31 =	sshll.u32 s1, $0xD;
	s1 =	sshrl.u32 s1, $0x2  }
0xba: {  	s3 =	sand.u32 $0x4000, s31;
	s1 =	sadd.s32 s1, s30  }
0xbb: {  	s0 =	sor.u32 s3, s0;
	s1 =	sshll.u32 s1, $0x11  }
0xbc: {  	s0 =	sor.u32 s1, s0  }
0xbd: {  	s0 =	sadd.s32 $0x8F2B, s0  }
0xbe: {  	[sflag:s0] =	ssyncadd.remote.s32 $0x1  }
0xbf: {  	_ =	sfence.sel $0xFFFF  }
0xc0: {  	[dreg:$0x0] =	wrdreg $0xFFFFFFFF;
	(pc) =	sbr.abs _section_cstart, $3  }
0xc1: {  	[dreg:$0x1] =	wrdreg $0xFFFFFFFF  }
0xc2: {  	_ =	task.clear_ibuf [dreg:s6], $0x2FFFF;
	_ =	strace $0x9FFFFFFF  }
0xc3: {  	(tm) =	ssettm $0x7FFFFFFF  }
tec
execute0_lowered:
.L_overlay_start_1:
0x0: {  	(tag) =	ssettag $0x1  }
0x1: {  	s5 =	rddreg [dreg:$0x0]  }
0x2: {  	s2 =	rddreg [dreg:$0x1]  }
0x3: {  	s0 =	stileid.u32;
	s1 =	srdreg.scid  }
0x4: {  	s7 =	smul.u32 $0x2780, s0;
	s1 =	sand.u32 $0x1, s1;
	s4 =	sshll.u32 s0, $0x1  }
0x5: {  	s3 =	rddreg [dreg:$0x2];
	s6 =	sor.u32 s1, s4;
	s4 =	simm.s32 $0x0  }
0x6: {  	s19 =	simm.s32 $0x5300;
	[smem:$0x7FF] =	sst s4;
	s17 =	sadd.s32 s7, s3  }
0x7: {  	s20 =	simm.s32 $0x7B00;
	_ =	strace $0x8000004D;
	[dreg:$0x5] =	wrdreg s17  }
0x8: {  	s21 =	simm.s32 $0x5700;
	s23 =	simm.s32 $0x5B00;
	[dreg:$0x9] =	wrdreg s19  }
0x9: {  	s8 =	sshrl.u32 s7, $0x3;
	s6 =	smul.u32 $0x500, s6;
	[dreg:$0xa] =	wrdreg s20  }
0xa: {  	s9 =	smul.u32 $0x27800, s1;
	s8 =	sadd.s32 s8, s5;
	[dreg:$0xb] =	wrdreg s21  }
0xb: {  	[dreg:$0xc] =	wrdreg s23;
	s6 =	sadd.s32 s6, s5;
	s8 =	sadd.s32 $0x3D000, s8  }
0xc: {  	s9 =	sadd.s32 s7, s9;
	[dreg:$0x4] =	wrdreg s8;
	s18 =	sadd.s32 $0xB800, s6  }
0xd: {  	s9 =	sshrl.u32 s9, $0x3;
	s6 =	sadd.s32 $0x1800, s6;
	[dreg:$0x6] =	wrdreg s18  }
0xe: {  	s5 =	sadd.s32 s9, s5;
	[dreg:$0x7] =	wrdreg s6  }
0xf: {  	s5 =	sadd.s32 $0x42000, s5;
	s22 =	rddreg [dreg:$0x4]  }
0x10: {  	s6 =	simm.s32 $0x11F00;
	[dreg:$0x8] =	wrdreg s5;
	s5 =	simm.s32 $0x5  }
0x11: {  	[tilespmem:s6], [sflag:$0x5] =	stream.linear.gather [hbm4b:s22+s4], $0x2780, $0x38;
	[tilespmem:$0x14680] =	vst v63  }
0x12: {  	_ =	swait.ge [sflag:s5], $0x2780  }
0x13: {  	[sflag:s5] =	ssyncset.done $0x0  }
0x14: {  	s7 =	sadd.s32 s7, s2;
	[sflag:s5] =	ssyncadd.s32 $0xFFFFD880  }
0x15: {  	[spmem:s7] =	stream.linear.scatter [tilespmem:s6], [sflag:$0x5], $0x2780, $0x38;
	[tilespmem:$0x14680] =	vst v63  }
0x16: {  	_ =	swait.ge [sflag:s5], $0x2780  }
0x17: {  	[sflag:s5] =	ssyncset.done $0x0  }
0x18: {  	s24 =	rddreg [dreg:$0x5];
	[sflag:s5] =	ssyncadd.s32 $0xFFFFD880  }
0x19: {  	[spmem:s24] =	stream.linear.scatter [tilespmem:s6], [sflag:$0x5], $0x2780, $0x38;
	[tilespmem:$0x14680] =	vst v63  }
0x1a: {  	_ =	swait.ge [sflag:s5], $0x2780  }
0x1b: {  	[sflag:s5] =	ssyncset.done $0x0  }
0x1c: {  	s8 =	simm.s32 $0x4F00;
	s25 =	rddreg [dreg:$0x6];
	[sflag:s5] =	ssyncadd.s32 $0xFFFFD880  }
0x1d: {  	[tilespmem:s8], [sflag:$0x5] =	stream.linear.gather [hbm4b:s25+s4], $0x2800, $0x38;
	[tilespmem:$0x14680] =	vst v63  }
0x1e: {  	_ =	swait.ge [sflag:s5], $0x2800  }
0x1f: {  	[sflag:s5] =	ssyncset.done $0x0  }
0x20: {  	s9 =	simm.s32 $0x7700;
	s10 =	rddreg [dreg:$0x7];
	[sflag:s5] =	ssyncadd.s32 $0xFFFFD800  }
0x21: {  	[tilespmem:s9], [sflag:$0x5] =	stream.linear.gather [hbm4b:s10+s4], $0x2800, $0x38;
	[tilespmem:$0x14680] =	vst v63  }
0x22: {  	_ =	swait.ge [sflag:s5], $0x2800  }
0x23: {  	[sflag:s5] =	ssyncset.done $0x0  }
0x24: {  	[sflag:s5] =	ssyncadd.s32 $0xFFFFD800  }
0x25: {  	s11 =	simm.s32 $0x9F00;
	s10 =	simm.s32 $0x400;
	[bflag:$0x0] =	sbarrier.arrive $0xFFFF  }
0x26: {  	[tilespmem:s11], [sflag:$0x1] =	stream.indirect.gather [spmem:s3], $0x10, s8, s10, $0xb8;
	[tilespmem:$0x14680] =	vst v63  }
0x27: {  	s12 =	simm.s32 $0xDF00;
	s13 =	simm.s32 $0x1;
	s14 =	rddreg [dreg:$0x9]  }
0x28: {  	[tilespmem:s12], [sflag:$0x2] =	stream.indirect.gather [spmem:s3], $0x10, s14, s10, $0xb8;
	[tilespmem:$0x14680] =	vst v63  }
0x29: {  	_ =	swait.ge [sflag:s13], $0x4000  }
0x2a: {  	[sflag:s13] =	ssyncset.done $0x0  }
0x2b: {  	s14 =	simm.s32 $0x2;
	[sflag:s13] =	ssyncadd.s32 $0xFFFFC000  }
0x2c: {  	[spmem:s2] =	stream.indirect.scatter.add.f32 [tilespmem:s11], [sflag:$0x3], $0x10, s9, s10, $0xb8;
	[tilespmem:$0x14680] =	vst v63  }
0x2d: {  	_ =	swait.ge [sflag:s14], $0x4000  }
0x2e: {  	[sflag:s14] =	ssyncset.done $0x0  }
0x2f: {  	s15 =	simm.s32 $0x3;
	s16 =	rddreg [dreg:$0xa];
	[sflag:s14] =	ssyncadd.s32 $0xFFFFC000  }
0x30: {  	[spmem:s2] =	stream.indirect.scatter.add.f32 [tilespmem:s12], [sflag:$0x4], $0x10, s16, s10, $0xb8;
	[tilespmem:$0x14680] =	vst v63  }
0x31: {  	_ =	swait.ge [sflag:s15], $0x4000  }
0x32: {  	[sflag:s15] =	ssyncset.done $0x0  }
0x33: {  	s16 =	simm.s32 $0x4;
	s17 =	rddreg [dreg:$0xb];
	[sflag:s15] =	ssyncadd.s32 $0xFFFFC000  }
0x34: {  	[tilespmem:s11], [sflag:$0x1] =	stream.indirect.gather [spmem:s3], $0x10, s17, s10, $0xb8;
	[tilespmem:$0x14680] =	vst v63  }
0x35: {  	_ =	swait.ge [sflag:s16], $0x4000  }
0x36: {  	[sflag:s16] =	ssyncset.done $0x0  }
0x37: {  	s26 =	rddreg [dreg:$0xc];
	[sflag:s16] =	ssyncadd.s32 $0xFFFFC000  }
0x38: {  	[tilespmem:s12], [sflag:$0x2] =	stream.indirect.gather [spmem:s3], $0x10, s26, s10, $0xb8;
	[tilespmem:$0x14680] =	vst v63  }
0x39: {  	_ =	swait.ge [sflag:s13], $0x4000  }
0x3a: {  	[sflag:s13] =	ssyncset.done $0x0  }
0x3b: {  	s17 =	simm.s32 $0x7F00;
	[sflag:s13] =	ssyncadd.s32 $0xFFFFC000  }
0x3c: {  	[spmem:s2] =	stream.indirect.scatter.add.f32 [tilespmem:s11], [sflag:$0x3], $0x10, s17, s10, $0xb8;
	[tilespmem:$0x14680] =	vst v63  }
0x3d: {  	_ =	swait.ge [sflag:s14], $0x4000  }
0x3e: {  	[sflag:s14] =	ssyncset.done $0x0  }
0x3f: {  	s18 =	simm.s32 $0x8300;
	[sflag:s14] =	ssyncadd.s32 $0xFFFFC000  }
0x40: {  	[spmem:s2] =	stream.indirect.scatter.add.f32 [tilespmem:s12], [sflag:$0x4], $0x10, s18, s10, $0xb8;
	[tilespmem:$0x14680] =	vst v63  }
0x41: {  	_ =	swait.ge [sflag:s15], $0x4000  }
0x42: {  	[sflag:s15] =	ssyncset.done $0x0  }
0x43: {  	s19 =	simm.s32 $0x5F00;
	[sflag:s15] =	ssyncadd.s32 $0xFFFFC000  }
0x44: {  	[tilespmem:s11], [sflag:$0x1] =	stream.indirect.gather [spmem:s3], $0x10, s19, s10, $0xb8;
	[tilespmem:$0x14680] =	vst v63  }
0x45: {  	_ =	swait.ge [sflag:s16], $0x4000  }
0x46: {  	[sflag:s16] =	ssyncset.done $0x0  }
0x47: {  	s20 =	simm.s32 $0x6300;
	[sflag:s16] =	ssyncadd.s32 $0xFFFFC000  }
0x48: {  	[tilespmem:s12], [sflag:$0x2] =	stream.indirect.gather [spmem:s3], $0x10, s20, s10, $0xb8;
	[tilespmem:$0x14680] =	vst v63  }
0x49: {  	_ =	swait.ge [sflag:s13], $0x4000  }
0x4a: {  	[sflag:s13] =	ssyncset.done $0x0  }
0x4b: {  	s21 =	simm.s32 $0x8700;
	[sflag:s13] =	ssyncadd.s32 $0xFFFFC000  }
0x4c: {  	[spmem:s2] =	stream.indirect.scatter.add.f32 [tilespmem:s11], [sflag:$0x3], $0x10, s21, s10, $0xb8;
	[tilespmem:$0x14680] =	vst v63  }
0x4d: {  	_ =	swait.ge [sflag:s14], $0x4000  }
0x4e: {  	[sflag:s14] =	ssyncset.done $0x0  }
0x4f: {  	s22 =	simm.s32 $0x8B00;
	[sflag:s14] =	ssyncadd.s32 $0xFFFFC000  }
0x50: {  	[spmem:s2] =	stream.indirect.scatter.add.f32 [tilespmem:s12], [sflag:$0x4], $0x10, s22, s10, $0xb8;
	[tilespmem:$0x14680] =	vst v63  }
0x51: {  	_ =	swait.ge [sflag:s15], $0x4000  }
0x52: {  	[sflag:s15] =	ssyncset.done $0x0  }
0x53: {  	s23 =	simm.s32 $0x6700;
	[sflag:s15] =	ssyncadd.s32 $0xFFFFC000  }
0x54: {  	[tilespmem:s11], [sflag:$0x1] =	stream.indirect.gather [spmem:s3], $0x10, s23, s10, $0xb8;
	[tilespmem:$0x14680] =	vst v63  }
0x55: {  	_ =	swait.ge [sflag:s16], $0x4000  }
0x56: {  	[sflag:s16] =	ssyncset.done $0x0  }
0x57: {  	s24 =	simm.s32 $0x6B00;
	[sflag:s16] =	ssyncadd.s32 $0xFFFFC000  }
0x58: {  	[tilespmem:s12], [sflag:$0x2] =	stream.indirect.gather [spmem:s3], $0x10, s24, s10, $0xb8;
	[tilespmem:$0x14680] =	vst v63  }
0x59: {  	_ =	swait.ge [sflag:s13], $0x4000  }
0x5a: {  	[sflag:s13] =	ssyncset.done $0x0  }
0x5b: {  	s25 =	simm.s32 $0x8F00;
	[sflag:s13] =	ssyncadd.s32 $0xFFFFC000  }
0x5c: {  	[spmem:s2] =	stream.indirect.scatter.add.f32 [tilespmem:s11], [sflag:$0x3], $0x10, s25, s10, $0xb8;
	[tilespmem:$0x14680] =	vst v63  }
0x5d: {  	_ =	swait.ge [sflag:s14], $0x4000  }
0x5e: {  	[sflag:s14] =	ssyncset.done $0x0  }
0x5f: {  	s26 =	simm.s32 $0x9300;
	[sflag:s14] =	ssyncadd.s32 $0xFFFFC000  }
0x60: {  	[spmem:s2] =	stream.indirect.scatter.add.f32 [tilespmem:s12], [sflag:$0x4], $0x10, s26, s10, $0xb8;
	[tilespmem:$0x14680] =	vst v63  }
0x61: {  	_ =	swait.ge [sflag:s15], $0x4000  }
0x62: {  	[sflag:s15] =	ssyncset.done $0x0  }
0x63: {  	s28 =	simm.s32 $0x6F00;
	[sflag:s15] =	ssyncadd.s32 $0xFFFFC000  }
0x64: {  	[tilespmem:s11], [sflag:$0x1] =	stream.indirect.gather [spmem:s3], $0x10, s28, s10, $0xb8;
	[tilespmem:$0x14680] =	vst v63  }
0x65: {  	_ =	swait.ge [sflag:s16], $0x4000  }
0x66: {  	[sflag:s16] =	ssyncset.done $0x0  }
0x67: {  	s29 =	simm.s32 $0x7300;
	[sflag:s16] =	ssyncadd.s32 $0xFFFFC000  }
0x68: {  	[tilespmem:s12], [sflag:$0x2] =	stream.indirect.gather [spmem:s3], $0x10, s29, s10, $0xb8;
	[tilespmem:$0x14680] =	vst v63  }
0x69: {  	_ =	swait.ge [sflag:s13], $0x4000  }
0x6a: {  	[sflag:s13] =	ssyncset.done $0x0  }
0x6b: {  	s30 =	simm.s32 $0x9700;
	[sflag:s13] =	ssyncadd.s32 $0xFFFFC000  }
0x6c: {  	[spmem:s2] =	stream.indirect.scatter.add.f32 [tilespmem:s11], [sflag:$0x3], $0x10, s30, s10, $0xb8;
	[tilespmem:$0x14680] =	vst v63  }
0x6d: {  	_ =	swait.ge [sflag:s14], $0x4000  }
0x6e: {  	[sflag:s14] =	ssyncset.done $0x0  }
0x6f: {  	s31 =	simm.s32 $0x9B00;
	[sflag:s14] =	ssyncadd.s32 $0xFFFFC000  }
0x70: {  	[spmem:s2] =	stream.indirect.scatter.add.f32 [tilespmem:s12], [sflag:$0x4], $0x10, s31, s10, $0xb8;
	[tilespmem:$0x14680] =	vst v63  }
0x71: {  	_ =	swait.ge [sflag:s15], $0x4000  }
0x72: {  	[sflag:s15] =	ssyncset.done $0x0  }
0x73: {  	[sflag:s15] =	ssyncadd.s32 $0xFFFFC000  }
0x74: {  	_ =	swait.ge [sflag:s16], $0x4000  }
0x75: {  	[sflag:s16] =	ssyncset.done $0x0  }
0x76: {  	[sflag:s16] =	ssyncadd.s32 $0xFFFFC000  }
0x77: {  	[bflag:$0x0] =	sbarrier.arrive $0xFFFF  }
0x78: {  	[tilespmem:s6], [sflag:$0x5] =	stream.linear.gather [spmem:s7], $0x2780, $0x38;
	[tilespmem:$0x14680] =	vst v63  }
0x79: {  	_ =	swait.ge [sflag:s5], $0x2780  }
0x7a: {  	s1 =	ssub.s32 $0x2, s1;
	s0 =	rddreg [dreg:$0x8]  }
0x7b: {  	[dreg:$0xd] =	wrdreg s0;
	s0 =	sshrl.u32 s1, $0x1  }
0x7c: {  	s0 =	ssub.s32 s1, s0  }
0x7d: {  	s0 =	smax.u32 s0, $0x1  }
0x7e: {  	p0 =	sne.s32 s0, $0x1  }
.Ltmp0:
0x7f: {  	_ = 	snop;
	(pc) =	sbr.rel @!p0 .LBB2_2-.Ltmp0, $4  }
0x80: {  	[sflag:s5] =	ssyncset.done $0x0  }
0x81: {  	[sflag:s5] =	ssyncadd.s32 $0xFFFFD880;
	s1 =	rddreg [dreg:$0xd]  }
0x82: {  	[hbm4b:s1+s4] =	stream.linear.scatter [tilespmem:s6], [sflag:$0x5], $0x2780, $0x38;
	[tilespmem:$0x14680] =	vst v63  }
0x83: {  	s1 =	sadd.s32 $0xFFFFFFFF, s0;
	_ =	swait.ge [sflag:s5], $0x2780  }
.LBB2_1:
0x84: {  	[sflag:s5] =	ssyncset.done $0x0  }
0x85: {  	s0 =	rddreg [dreg:$0x4];
	[sflag:s5] =	ssyncadd.s32 $0xFFFFD880  }
0x86: {  	[tilespmem:s6], [sflag:$0x5] =	stream.linear.gather [hbm4b:s0+s4], $0x2780, $0x38;
	[tilespmem:$0x14680] =	vst v63  }
0x87: {  	_ =	swait.ge [sflag:s5], $0x2780  }
0x88: {  	[sflag:s5] =	ssyncset.done $0x0  }
0x89: {  	[sflag:s5] =	ssyncadd.s32 $0xFFFFD880  }
0x8a: {  	[spmem:s7] =	stream.linear.scatter [tilespmem:s6], [sflag:$0x5], $0x2780, $0x38;
	[tilespmem:$0x14680] =	vst v63  }
0x8b: {  	_ =	swait.ge [sflag:s5], $0x2780  }
0x8c: {  	[sflag:s5] =	ssyncset.done $0x0  }
0x8d: {  	s0 =	rddreg [dreg:$0x5];
	[sflag:s5] =	ssyncadd.s32 $0xFFFFD880  }
0x8e: {  	[spmem:s0] =	stream.linear.scatter [tilespmem:s6], [sflag:$0x5], $0x2780, $0x38;
	[tilespmem:$0x14680] =	vst v63  }
0x8f: {  	_ =	swait.ge [sflag:s5], $0x2780  }
0x90: {  	[sflag:s5] =	ssyncset.done $0x0  }
0x91: {  	s0 =	rddreg [dreg:$0x6];
	[sflag:s5] =	ssyncadd.s32 $0xFFFFD880  }
0x92: {  	[tilespmem:s8], [sflag:$0x5] =	stream.linear.gather [hbm4b:s0+s4], $0x2800, $0x38;
	[tilespmem:$0x14680] =	vst v63  }
0x93: {  	_ =	swait.ge [sflag:s5], $0x2800  }
0x94: {  	[sflag:s5] =	ssyncset.done $0x0  }
0x95: {  	s0 =	rddreg [dreg:$0x7];
	[sflag:s5] =	ssyncadd.s32 $0xFFFFD800  }
0x96: {  	[tilespmem:s9], [sflag:$0x5] =	stream.linear.gather [hbm4b:s0+s4], $0x2800, $0x38;
	[tilespmem:$0x14680] =	vst v63  }
0x97: {  	_ =	swait.ge [sflag:s5], $0x2800  }
0x98: {  	[sflag:s5] =	ssyncset.done $0x0  }
0x99: {  	[sflag:s5] =	ssyncadd.s32 $0xFFFFD800  }
0x9a: {  	[bflag:$0x0] =	sbarrier.arrive $0xFFFF  }
0x9b: {  	[tilespmem:s11], [sflag:$0x1] =	stream.indirect.gather [spmem:s3], $0x10, s8, s10, $0xb8;
	[tilespmem:$0x14680] =	vst v63  }
0x9c: {  	s0 =	rddreg [dreg:$0x9]  }
0x9d: {  	[tilespmem:s12], [sflag:$0x2] =	stream.indirect.gather [spmem:s3], $0x10, s0, s10, $0xb8;
	[tilespmem:$0x14680] =	vst v63  }
0x9e: {  	_ =	swait.ge [sflag:s13], $0x4000  }
0x9f: {  	[sflag:s13] =	ssyncset.done $0x0  }
0xa0: {  	[sflag:s13] =	ssyncadd.s32 $0xFFFFC000  }
0xa1: {  	[spmem:s2] =	stream.indirect.scatter.add.f32 [tilespmem:s11], [sflag:$0x3], $0x10, s9, s10, $0xb8;
	[tilespmem:$0x14680] =	vst v63  }
0xa2: {  	_ =	swait.ge [sflag:s14], $0x4000  }
0xa3: {  	[sflag:s14] =	ssyncset.done $0x0  }
0xa4: {  	s0 =	rddreg [dreg:$0xa];
	[sflag:s14] =	ssyncadd.s32 $0xFFFFC000  }
0xa5: {  	[spmem:s2] =	stream.indirect.scatter.add.f32 [tilespmem:s12], [sflag:$0x4], $0x10, s0, s10, $0xb8;
	[tilespmem:$0x14680] =	vst v63  }
0xa6: {  	_ =	swait.ge [sflag:s15], $0x4000  }
0xa7: {  	[sflag:s15] =	ssyncset.done $0x0  }
0xa8: {  	s0 =	rddreg [dreg:$0xb];
	[sflag:s15] =	ssyncadd.s32 $0xFFFFC000  }
0xa9: {  	[tilespmem:s11], [sflag:$0x1] =	stream.indirect.gather [spmem:s3], $0x10, s0, s10, $0xb8;
	[tilespmem:$0x14680] =	vst v63  }
0xaa: {  	_ =	swait.ge [sflag:s16], $0x4000  }
0xab: {  	[sflag:s16] =	ssyncset.done $0x0  }
0xac: {  	s0 =	rddreg [dreg:$0xc];
	[sflag:s16] =	ssyncadd.s32 $0xFFFFC000  }
0xad: {  	[tilespmem:s12], [sflag:$0x2] =	stream.indirect.gather [spmem:s3], $0x10, s0, s10, $0xb8;
	[tilespmem:$0x14680] =	vst v63  }
0xae: {  	_ =	swait.ge [sflag:s13], $0x4000  }
0xaf: {  	[sflag:s13] =	ssyncset.done $0x0  }
0xb0: {  	[sflag:s13] =	ssyncadd.s32 $0xFFFFC000  }
0xb1: {  	[spmem:s2] =	stream.indirect.scatter.add.f32 [tilespmem:s11], [sflag:$0x3], $0x10, s17, s10, $0xb8;
	[tilespmem:$0x14680] =	vst v63  }
0xb2: {  	_ =	swait.ge [sflag:s14], $0x4000  }
0xb3: {  	[sflag:s14] =	ssyncset.done $0x0  }
0xb4: {  	[sflag:s14] =	ssyncadd.s32 $0xFFFFC000  }
0xb5: {  	[spmem:s2] =	stream.indirect.scatter.add.f32 [tilespmem:s12], [sflag:$0x4], $0x10, s18, s10, $0xb8;
	[tilespmem:$0x14680] =	vst v63  }
0xb6: {  	_ =	swait.ge [sflag:s15], $0x4000  }
0xb7: {  	[sflag:s15] =	ssyncset.done $0x0  }
0xb8: {  	[sflag:s15] =	ssyncadd.s32 $0xFFFFC000  }
0xb9: {  	[tilespmem:s11], [sflag:$0x1] =	stream.indirect.gather [spmem:s3], $0x10, s19, s10, $0xb8;
	[tilespmem:$0x14680] =	vst v63  }
0xba: {  	_ =	swait.ge [sflag:s16], $0x4000  }
0xbb: {  	[sflag:s16] =	ssyncset.done $0x0  }
0xbc: {  	[sflag:s16] =	ssyncadd.s32 $0xFFFFC000  }
0xbd: {  	[tilespmem:s12], [sflag:$0x2] =	stream.indirect.gather [spmem:s3], $0x10, s20, s10, $0xb8;
	[tilespmem:$0x14680] =	vst v63  }
0xbe: {  	_ =	swait.ge [sflag:s13], $0x4000  }
0xbf: {  	[sflag:s13] =	ssyncset.done $0x0  }
0xc0: {  	[sflag:s13] =	ssyncadd.s32 $0xFFFFC000  }
0xc1: {  	[spmem:s2] =	stream.indirect.scatter.add.f32 [tilespmem:s11], [sflag:$0x3], $0x10, s21, s10, $0xb8;
	[tilespmem:$0x14680] =	vst v63  }
0xc2: {  	_ =	swait.ge [sflag:s14], $0x4000  }
0xc3: {  	[sflag:s14] =	ssyncset.done $0x0  }
0xc4: {  	[sflag:s14] =	ssyncadd.s32 $0xFFFFC000  }
0xc5: {  	[spmem:s2] =	stream.indirect.scatter.add.f32 [tilespmem:s12], [sflag:$0x4], $0x10, s22, s10, $0xb8;
	[tilespmem:$0x14680] =	vst v63  }
0xc6: {  	_ =	swait.ge [sflag:s15], $0x4000  }
0xc7: {  	[sflag:s15] =	ssyncset.done $0x0  }
0xc8: {  	[sflag:s15] =	ssyncadd.s32 $0xFFFFC000  }
0xc9: {  	[tilespmem:s11], [sflag:$0x1] =	stream.indirect.gather [spmem:s3], $0x10, s23, s10, $0xb8;
	[tilespmem:$0x14680] =	vst v63  }
0xca: {  	_ =	swait.ge [sflag:s16], $0x4000  }
0xcb: {  	[sflag:s16] =	ssyncset.done $0x0  }
0xcc: {  	[sflag:s16] =	ssyncadd.s32 $0xFFFFC000  }
0xcd: {  	[tilespmem:s12], [sflag:$0x2] =	stream.indirect.gather [spmem:s3], $0x10, s24, s10, $0xb8;
	[tilespmem:$0x14680] =	vst v63  }
0xce: {  	_ =	swait.ge [sflag:s13], $0x4000  }
0xcf: {  	[sflag:s13] =	ssyncset.done $0x0  }
0xd0: {  	[sflag:s13] =	ssyncadd.s32 $0xFFFFC000  }
0xd1: {  	[spmem:s2] =	stream.indirect.scatter.add.f32 [tilespmem:s11], [sflag:$0x3], $0x10, s25, s10, $0xb8;
	[tilespmem:$0x14680] =	vst v63  }
0xd2: {  	_ =	swait.ge [sflag:s14], $0x4000  }
0xd3: {  	[sflag:s14] =	ssyncset.done $0x0  }
0xd4: {  	[sflag:s14] =	ssyncadd.s32 $0xFFFFC000  }
0xd5: {  	[spmem:s2] =	stream.indirect.scatter.add.f32 [tilespmem:s12], [sflag:$0x4], $0x10, s26, s10, $0xb8;
	[tilespmem:$0x14680] =	vst v63  }
0xd6: {  	_ =	swait.ge [sflag:s15], $0x4000  }
0xd7: {  	[sflag:s15] =	ssyncset.done $0x0  }
0xd8: {  	[sflag:s15] =	ssyncadd.s32 $0xFFFFC000  }
0xd9: {  	[tilespmem:s11], [sflag:$0x1] =	stream.indirect.gather [spmem:s3], $0x10, s28, s10, $0xb8;
	[tilespmem:$0x14680] =	vst v63  }
0xda: {  	_ =	swait.ge [sflag:s16], $0x4000  }
0xdb: {  	[sflag:s16] =	ssyncset.done $0x0  }
0xdc: {  	[sflag:s16] =	ssyncadd.s32 $0xFFFFC000  }
0xdd: {  	[tilespmem:s12], [sflag:$0x2] =	stream.indirect.gather [spmem:s3], $0x10, s29, s10, $0xb8;
	[tilespmem:$0x14680] =	vst v63  }
0xde: {  	_ =	swait.ge [sflag:s13], $0x4000  }
0xdf: {  	[sflag:s13] =	ssyncset.done $0x0  }
0xe0: {  	[sflag:s13] =	ssyncadd.s32 $0xFFFFC000  }
0xe1: {  	[spmem:s2] =	stream.indirect.scatter.add.f32 [tilespmem:s11], [sflag:$0x3], $0x10, s30, s10, $0xb8;
	[tilespmem:$0x14680] =	vst v63  }
0xe2: {  	_ =	swait.ge [sflag:s14], $0x4000  }
0xe3: {  	[sflag:s14] =	ssyncset.done $0x0  }
0xe4: {  	[sflag:s14] =	ssyncadd.s32 $0xFFFFC000  }
0xe5: {  	[spmem:s2] =	stream.indirect.scatter.add.f32 [tilespmem:s12], [sflag:$0x4], $0x10, s31, s10, $0xb8;
	[tilespmem:$0x14680] =	vst v63  }
0xe6: {  	_ =	swait.ge [sflag:s15], $0x4000  }
0xe7: {  	[sflag:s15] =	ssyncset.done $0x0  }
0xe8: {  	[sflag:s15] =	ssyncadd.s32 $0xFFFFC000  }
0xe9: {  	_ =	swait.ge [sflag:s16], $0x4000  }
0xea: {  	[sflag:s16] =	ssyncset.done $0x0  }
0xeb: {  	[sflag:s16] =	ssyncadd.s32 $0xFFFFC000  }
0xec: {  	p0 =	sne.s32 s1, $0x1;
	[bflag:$0x0] =	sbarrier.arrive $0xFFFF  }
0xed: {  	[tilespmem:s6], [sflag:$0x5] =	stream.linear.gather [spmem:s7], $0x2780, $0x38;
	[tilespmem:$0x14680] =	vst v63  }
.Ltmp1:
0xee: {  	_ =	swait.ge [sflag:s5], $0x2780;
	(pc) =	sbr.rel @p0 .LBB2_1-.Ltmp1, $4  }
0xef: {  	[sflag:s5] =	ssyncset.done $0x0  }
0xf0: {  	s0 =	rddreg [dreg:$0x8];
	[sflag:s5] =	ssyncadd.s32 $0xFFFFD880  }
0xf1: {  	[hbm4b:s0+s4] =	stream.linear.scatter [tilespmem:s6], [sflag:$0x5], $0x2780, $0x38;
	[tilespmem:$0x14680] =	vst v63  }
0xf2: {  	s1 =	sadd.s32 $0xFFFFFFFF, s1;
	_ =	swait.ge [sflag:s5], $0x2780  }
.LBB2_2:
0xf3: {  	[sflag:s5] =	ssyncset.done $0x0  }
0xf4: {  	[sflag:s5] =	ssyncadd.s32 $0xFFFFD880  }
0xf5: {  	_ =	sfence.sel $0x180000  }
0xf6: {  	[bflag:$0x0] =	sbarrier.arrive $0xFFFF  }
0xf7: {  	_ =	strace $0x9000004D  }
0xf8: {  	s0 =	stileid.u32;
	[bflag:$0x2] =	sbarrier.arrive $0xFFFF  }
0xf9: {  	p0 =	sne.s32 s0, $0x0;
	s0 =	rddreg [dreg:$0x3]  }
0xfa: {  	s0 =	sadd.s32 @!p0 $0x100000, s0  }
0xfb: {  	[sflag:s0] =	ssyncadd.tile.s32 @!p0 $0x1;
	_ =	shalt  }
.Lfunc_end2:
_tile_overlayer_lowered:
.L_overlay_start_2:
0xfc: {  	(tag) =	ssettag $0x2  }
0xfd: {  	s0 =	rddreg [dreg:$0x0];
	s2 =	stileid.u32  }
0xfe: {  	s1 =	rddreg [dreg:$0x1];
	p0 =	sne.s32 s2, $0x0  }
0xff: {  	s3 =	rddreg [dreg:$0x2];
	[bflag:$0x3] =	sbarrier.arrive $0xFFFF;
	s2 =	simm.s32 @!p0 $0x1C05  }
0x100: {  	[timem:s3], [sflag:s2] =	dma.local @!p0 [hbm:s0], s1  }
0x101: {  	s0 =	simm.s32 @!p0 $0x5  }
0x102: {  	_ =	swait.ge @!p0 [sflag:s0], s1  }
0x103: {  	s1 =	ssub.s32 @!p0 $0x0, s1;
	[sflag:s0] =	ssyncset.done @!p0 $0x0  }
0x104: {  	[sflag:s0] =	ssyncadd.s32 @!p0 s1  }
0x105: {  	[bflag:$0x3] =	sbarrier.arrive $0xFFFF  }
0x106: {  	_ =	shalt  }

// kernel: kernel.8.cloned.1.call-start
scs
__scs_entry_jumppad:
0x0: {  	(pc) =	sbr.rel $0x88, $3  }
0x1: {  	(tag) =	ssettag $0x0;
	lr =	simm.s32 $0x1  }
0x2: {  	[smem:$0x3F9D] =	sst lr;
	_ =	strace $0xD0000000  }
0x3: {  	_ = 	snop  }
0x4: {  	_ = 	snop  }
0x5: {  	_ = 	snop  }
0x6: {  	_ = 	snop  }
0x7: {  	_ = 	snop  }
__scs_overlays_trampoline_lowered:
0x8: {  	[smem:$0x3FAC] =	sst s0  }
0x9: {  	[smem:$0x3FAD] =	sst s1  }
0xa: {  	[smem:$0x3FAE] =	sst s2  }
0xb: {  	[smem:$0x3FAF] =	sst s3  }
0xc: {  	[smem:$0x3FB0] =	sst s4  }
0xd: {  	[smem:$0x3FB1] =	sst s5  }
0xe: {  	[smem:$0x3FB2] =	sst s6  }
0xf: {  	[smem:$0x3FB3] =	sst s7  }
0x10: {  	[smem:$0x3FB4] =	sst s8  }
0x11: {  	[smem:$0x3FB5] =	sst s9;
	s0 =	simm.s32 @!p0 $0x0  }
0x12: {  	s1 =	sld [smem:$0x3F9B];
	s0 =	simm.s32 @p0 $0x1  }
0x13: {  	[smem:$0x3FB6] =	sst s0;
	s0 =	simm.s32 @!p1 $0x0  }
0x14: {  	s2 =	sld [smem:$0x3F9A];
	s0 =	simm.s32 @p1 $0x1  }
0x15: {  	[smem:$0x3FB7] =	sst s0;
	s0 =	simm.s32 @!p2 $0x0  }
0x16: {  	s3 =	sld [smem:$0x3FDB];
	s0 =	simm.s32 @p2 $0x1  }
0x17: {  	s4 =	simm.s32 $0x1BF5;
	[smem:$0x3FB9] =	sst s0  }
0x18: {  	s0 =	sld [smem:$0x3F9C];
	_ =	swait.ge [sflag:s4], $0x0  }
0x19: {  	s7 =	sld [smem:$0x3F9D]  }
0x1a: {  	s8 =	sadd.s32 $0xFFFFE003, lr  }
0x1b: {  	s9 =	sadd.s32 $0xFFFFFEF7, lr;
	s5 =	simm.s32 $0xFFFFFFFF;
	p2 =	slt.u32 s8, $0xFFFFF086  }
0x1c: {  	p1 =	slt.u32 s9, $0xF7A;
	s5 =	simm.s32 @!p2 $0x0  }
0x1d: {  	s5 =	simm.s32 @p1 $0x1;
	p0 =	seq.s32 s7, s2  }
0x1e: {  	s7 =	smul.u32 @!p0 $0xF7A, s2;
	p2 =	seq.s32 @!p0 s5, $0x0  }
0x1f: {  	s9 =	smul.u32 $0xF7A, s1;
	s8 =	simm.s32 @!p0 $0x1BF5;
	p2 =	por !p2, p0  }
0x20: {  	[sflag:s8] =	ssyncset.s32 @!p0 $0xFFFFF086;
	s6 =	sadd.s32 @!p0 s3, s7;
	s7 =	simm.s32 @!p0 $0x108  }
0x21: {  	s3 =	sadd.s32 s3, s9;
	s6 =	sadd.s32 @!p0 $0x88, s6;
	s7 =	simm.s32 @p2 $0x1082  }
0x22: {  	[simem:s7], [sflag:s8] =	dma.local @!p0 [hbm:s6], $0xF7A  }
0x23: {  	s9 =	sor.u32 $0xD0000000, s2;
	s6 =	simm.s32 $0x108;
	_ =	swait.ge @!p0 [sflag:s8], $0x0  }
0x24: {  	s3 =	sadd.s32 $0x88, s3;
	s6 =	simm.s32 @!p1 $0x1082;
	[sflag:s4] =	ssyncset.s32 $0xFFFFF086  }
0x25: {  	[simem:s6], [sflag:s4] =	dma.local [hbm:s3], $0xF7A  }
0x26: {  	[smem:$0x3F9D] =	sst s1;
	(tag) =	ssettag s2;
	_ =	strace s9  }
0x27: {  	s1 =	sld [smem:$0x3FAD]  }
0x28: {  	s2 =	sld [smem:$0x3FAE]  }
0x29: {  	s4 =	sld [smem:$0x3FB0]  }
0x2a: {  	p0 =	seq.s32 s5, $0x0;
	s5 =	sld [smem:$0x3FB1]  }
0x2b: {  	s6 =	sld [smem:$0x3FB2]  }
0x2c: {  	s7 =	sld [smem:$0x3FB3]  }
0x2d: {  	s3 =	simm.s32 $0x108;
	s8 =	sld [smem:$0x3FB4]  }
0x2e: {  	s3 =	simm.s32 @!p0 $0x1082;
	s9 =	sld [smem:$0x3FB5]  }
0x2f: {  	lr =	sadd.s32 s0, s3;
	s0 =	sld [smem:$0x3FAC]  }
0x30: {  	s3 =	sld [smem:$0x3FAF]  }
0x31: {  	[smem:$0x3FB8] =	sst s10  }
0x32: {  	s10 =	sld [smem:$0x3FB6];
	_ =	sdelay $0x3  }
0x33: {  	p0 =	seq.s32 s10, $0x1;
	s10 =	sld [smem:$0x3FB8];
	_ =	sdelay $0x3  }
0x34: {  	[smem:$0x3FB8] =	sst s10  }
0x35: {  	s10 =	sld [smem:$0x3FB7];
	_ =	sdelay $0x3  }
0x36: {  	p1 =	seq.s32 s10, $0x1;
	s10 =	sld [smem:$0x3FB8];
	_ =	sdelay $0x3  }
0x37: {  	[smem:$0x3FB8] =	sst s10  }
0x38: {  	s10 =	sld [smem:$0x3FB9]  }
0x39: {  	_ = 	snop;
	(pc) =	sbr.ind lr, $3  }
0x3a: {  	_ = 	snop  }
0x3b: {  	_ = 	snop  }
0x3c: {  	p2 =	seq.s32 s10, $0x1;
	s10 =	sld [smem:$0x3FB8]  }
0x3d: {  	_ =	shalt  }
0x3e: {  	_ =	shalt  }
0x3f: {  	_ =	shalt  }
0x40: {  	_ =	shalt  }
0x41: {  	_ =	shalt  }
0x42: {  	_ =	shalt  }
0x43: {  	_ =	shalt  }
0x44: {  	_ =	shalt  }
0x45: {  	_ =	shalt  }
0x46: {  	_ =	shalt  }
0x47: {  	_ =	shalt  }
0x48: {  	_ =	shalt  }
0x49: {  	_ =	shalt  }
0x4a: {  	_ =	shalt  }
0x4b: {  	_ =	shalt  }
0x4c: {  	_ =	shalt  }
0x4d: {  	_ =	shalt  }
0x4e: {  	_ =	shalt  }
0x4f: {  	_ =	shalt  }
0x50: {  	_ =	shalt  }
0x51: {  	_ =	shalt  }
0x52: {  	_ =	shalt  }
0x53: {  	_ =	shalt  }
0x54: {  	_ =	shalt  }
0x55: {  	_ =	shalt  }
0x56: {  	_ =	shalt  }
0x57: {  	_ =	shalt  }
0x58: {  	_ =	shalt  }
0x59: {  	_ =	shalt  }
0x5a: {  	_ =	shalt  }
0x5b: {  	_ =	shalt  }
0x5c: {  	_ =	shalt  }
0x5d: {  	_ =	shalt  }
0x5e: {  	_ =	shalt  }
0x5f: {  	_ =	shalt  }
0x60: {  	_ =	shalt  }
0x61: {  	_ =	shalt  }
0x62: {  	_ =	shalt  }
0x63: {  	_ =	shalt  }
0x64: {  	_ =	shalt  }
0x65: {  	_ =	shalt  }
0x66: {  	_ =	shalt  }
0x67: {  	_ =	shalt  }
0x68: {  	_ =	shalt  }
0x69: {  	_ =	shalt  }
0x6a: {  	_ =	shalt  }
0x6b: {  	_ =	shalt  }
0x6c: {  	_ =	shalt  }
0x6d: {  	_ =	shalt  }
0x6e: {  	_ =	shalt  }
0x6f: {  	_ =	shalt  }
0x70: {  	_ =	shalt  }
0x71: {  	_ =	shalt  }
0x72: {  	_ =	shalt  }
0x73: {  	_ =	shalt  }
0x74: {  	_ =	shalt  }
0x75: {  	_ =	shalt  }
0x76: {  	_ =	shalt  }
0x77: {  	_ =	shalt  }
0x78: {  	_ =	shalt  }
0x79: {  	_ =	shalt  }
0x7a: {  	_ =	shalt  }
0x7b: {  	_ =	shalt  }
0x7c: {  	_ =	shalt  }
0x7d: {  	_ =	shalt  }
0x7e: {  	_ =	shalt  }
0x7f: {  	_ =	shalt  }
0x80: {  	_ =	shalt  }
0x81: {  	_ =	shalt  }
0x82: {  	_ =	shalt  }
0x83: {  	_ =	shalt  }
0x84: {  	_ =	shalt  }
0x85: {  	_ =	shalt  }
0x86: {  	_ =	shalt  }
0x87: {  	_ =	shalt  }
.Lfunc_end0:
.L_simem_size_0:
called_computation_lowered:
.L_overlay_start_0:
0x88: {  	s2 =	sld [smem:$0x3FD9]  }
0x89: {  	s3 =	sld [smem:$0x3FFE];
	_ =	sdelay $0x1  }
0x8a: {  	s1 =	srdreg.scid  }
0x8b: {  	s0 =	sand.u32 $0x1, s1  }
0x8c: {  	s17 =	sshll.u32 s0, $0xA;
	s2 =	sadd.s32 s3, s2  }
0x8d: {  	s2 =	sadd.s32 s2, s17  }
0x8e: {  	[smem:$0x3FC4] =	sst s2  }
0x8f: {  	_ = 	snop  }
0x90: {  	s2 =	sld [smem:$0x3FD0];
	(tm) =	ssettm $0x1  }
0x91: {  	s18 =	sld [smem:$0x3FFB];
	_ =	sdelay $0x3  }
0x92: {  	_ =	strace s18  }
0x93: {  	s3 =	sld [smem:$0x3FFC];
	_ =	sdelay $0x3  }
0x94: {  	_ =	strace s3  }
0x95: {  	s3 =	sld [smem:$0x3FFD];
	_ =	sdelay $0x3  }
0x96: {  	_ =	strace s3  }
0x97: {  	_ =	strace $0x8FFFFFFF  }
0x98: {  	s19 =	sld [smem:$0x3FDB];
	_ =	sdelay $0x1  }
0x99: {  	s4 =	simm.s32 $_scs_section_size  }
0x9a: {  	s5 =	simm.s32 $_size__tile_overlayer_lowered;
	s6 =	simm.s32 $_tile_overlayer_lowered  }
0x9b: {  	s22 =	simm.s32 $0x1BFF;
	s21 =	sshll.u32 s6, $0x1;
	s3 =	sadd.s32 s4, s19  }
0x9c: {  	s7 =	simm.s32 $0x0;
	s20 =	sshll.u32 s5, $0x1;
	s5 =	sadd.s32 s21, s3  }
0x9d: {  	[timem:s7], [sflag:s22] =	dma.local [hbm:s5], s20  }
0x9e: {  	_ =	swait.ge [sflag:s22], s20  }
0x9f: {  	s4 =	ssub.s32 $0x0, s20;
	[sflag:s22] =	ssyncset.done $0x0  }
0xa0: {  	[sflag:s22] =	ssyncadd.s32 s4;
	_ =	sdelay $0x1  }
0xa1: {  	s23 =	simm.s32 $0x1B8B  }
0xa2: {  	_ =	swait.ge [sflag:s23], $0x1  }
0xa3: {  	[sflag:s23] =	ssyncset.done $0x0  }
0xa4: {  	s25 =	simm.s32 $0x1B8E;
	s24 =	sld [smem:$0x3FFE];
	[sflag:s23] =	ssyncadd.s32 $0xFFFFFFFF  }
0xa5: {  	s26 =	simm.s32 $execute0_lowered;
	[smem:$0x3FD2] =	sst s25  }
0xa6: {  	s5 =	sshll.u32 s26, $0x1;
	_ =	strace $0x80000046;
	[dreg:$0x1] =	wrdreg $0xFFFFFFFF  }
0xa7: {  	s28 =	simm.s32 $_size_execute0_lowered;
	s3 =	sadd.s32 s3, s5;
	[dreg:$0x0] =	wrdreg $0x0  }
0xa8: {  	s5 =	sshll.u32 s28, $0x1;
	[dreg:$0x2] =	wrdreg s3  }
0xa9: {  	[dreg:$0x3] =	wrdreg s5  }
0xaa: {  	[dreg:$0x4] =	wrdreg $0xC0  }
0xab: {  	_ =	task [dreg:s7], $0x5FFFF  }
0xac: {  	[dreg:$0x1] =	wrdreg $0xFFFFFFFF  }
0xad: {  	[dreg:$0x0] =	wrdreg $0x60  }
0xae: {  	[dreg:$0x2] =	wrdreg s24  }
0xaf: {  	[dreg:$0x3] =	wrdreg s2  }
0xb0: {  	[dreg:$0x4] =	wrdreg $0x0  }
0xb1: {  	[dreg:$0x5] =	wrdreg $0x9  }
0xb2: {  	_ =	task.clear_ibuf [dreg:s7], $0x6FFFF;
	_ =	strace $0x90000046  }
0xb3: {  	s29 =	simm.s32 $0x9;
	_ =	strace $0x80000048  }
0xb4: {  	_ =	swait.ge [sflag:s29], $0x1  }
0xb5: {  	[sflag:s29] =	ssyncadd.s32 $0xFFFFFFFF  }
0xb6: {  	_ =	strace $0x90000048  }
0xb7: {  	_ =	sfence  }
0xb8: {  	s30 =	sld [smem:$0x0];
	_ =	sdelay $0x2  }
0xb9: {  	s31 =	sshll.u32 s1, $0xD;
	s1 =	sshrl.u32 s1, $0x2  }
0xba: {  	s3 =	sand.u32 $0x4000, s31;
	s1 =	sadd.s32 s1, s30  }
0xbb: {  	s0 =	sor.u32 s3, s0;
	s1 =	sshll.u32 s1, $0x11  }
0xbc: {  	s0 =	sor.u32 s1, s0  }
0xbd: {  	s0 =	sadd.s32 $0x8F2B, s0  }
0xbe: {  	[sflag:s0] =	ssyncadd.remote.s32 $0x1  }
0xbf: {  	_ =	sfence.sel $0xFFFF  }
0xc0: {  	[dreg:$0x0] =	wrdreg $0xFFFFFFFF;
	(pc) =	sbr.abs _section_cstart, $3  }
0xc1: {  	[dreg:$0x1] =	wrdreg $0xFFFFFFFF  }
0xc2: {  	_ =	task.clear_ibuf [dreg:s7], $0x2FFFF;
	_ =	strace $0x9FFFFFFF  }
0xc3: {  	(tm) =	ssettm $0x7FFFFFFF  }
tec
execute0_lowered:
.L_overlay_start_1:
0x0: {  	(tag) =	ssettag $0x1  }
0x1: {  	s4 =	rddreg [dreg:$0x0]  }
0x2: {  	s8 =	rddreg [dreg:$0x1]  }
0x3: {  	s2 =	rddreg [dreg:$0x2]  }
0x4: {  	s0 =	rddreg [dreg:$0x3];
	s1 =	stileid.u32  }
0x5: {  	s3 =	simm.s32 $0x0;
	s5 =	srdreg.scid;
	s7 =	smul.u32 $0x50, s1  }
0x6: {  	s15 =	simm.s32 $0x2A80;
	s16 =	simm.s32 $0x7D00;
	s26 =	smul.u32 $0x280, s1  }
0x7: {  	s17 =	simm.s32 $0x0;
	[smem:$0x7FF] =	sst s3;
	s10 =	smul.u32 $0xA00, s1  }
0x8: {  	s6 =	sand.u32 $0x1, s5;
	s11 =	sadd.s32 $0x1800, s4;
	s12 =	smul.u32 $0x5000, s1  }
0x9: {  	_ =	strace $0x80000047;
	s9 =	ssub.s32 $0x2, s6;
	s29 =	smul.u32 $0x28, s6  }
0xa: {  	s14 =	smul.u32 $0x500, s6;
	s28 =	sshrl.u32 s9, $0x1;
	s4 =	sadd.s32 s26, s2  }
0xb: {  	s5 =	sadd.s32 $0x280, s26;
	s12 =	sshrl.u32 s12, $0x3;
	s6 =	sadd.s32 s11, s10  }
0xc: {  	s13 =	ssub.s32 s9, s28;
	s30 =	sadd.s32 s11, s12;
	s9 =	sadd.s32 s29, s7  }
0xd: {  	s31 =	sshrl.u32 s14, $0x2;
	s11 =	simm.s32 $0x1;
	s12 =	simm.s32 $0x2D00  }
0xe: {  	s14 =	simm.s32 $0x280;
	s7 =	sadd.s32 $0x500, s30;
	s8 =	sadd.s32 s8, s9  }
0xf: {  	v0 =	vimm.f32 $0.0e+00;
	v1 =	vlaneseq.u32;
	v2 =	vimm.f32 $1.000000000e+00;
	s9 =	sadd.s32 $0x7D00, s31;
	s10 =	smax.u32 s13, $0x1;
	s13 =	simm.s32 $0x5500  }
.LBB2_1:
0x10: {  	s18 =	simm.s32 $0x0  }
.LBB2_2:
0x11: {  	p0 =	sne.s32 s18, $0x9FC0  }
.Ltmp0:
0x12: {  	_ = 	snop;
	(pc) =	sbr.rel @p0 .LBB2_2-.Ltmp0, $3  }
0x13: {  	_ =	sdelay $0x1  }
0x14: {  	s19 =	sshra.s32 s18, $0x2  }
0x15: {  	s18 =	sadd.s32 $0x40, s18;
	[tilespmem:s19+$0x280] =	vst v0  }
0x16: {  	s19 =	simm.s32 $0x0  }
0x17: {  	s18 =	simm.s32 $0x2A80;
	v3 =	vor.u32 s19, v1  }
0x18: {  	s19 =	simm.s32 $0x10;
	[tilespmem:s18+$0x0] =	vst v3  }
.LBB2_4:
0x19: {  	p0 =	sne.s32 s19, $0x270  }
.Ltmp1:
0x1a: {  	_ = 	snop;
	(pc) =	sbr.rel @p0 .LBB2_4-.Ltmp1, $3  }
0x1b: {  	_ =	sdelay $0x1  }
0x1c: {  	v3 =	vor.u32 s19, v1;
	s19 =	sadd.s32 $0x10, s19;
	s18 =	sadd.s32 $0x10, s18  }
0x1d: {  	[tilespmem:s18+$0x0] =	vst v3  }
0x1e: {  	[spmem:s4] =	stream.linear.scatter [tilespmem:s5], [sflag:$0x1], $0x280, $0x38;
	[tilespmem:$0x7F80] =	vst v63  }
0x1f: {  	_ =	swait.ge [sflag:s11], $0x280  }
0x20: {  	[sflag:s11] =	ssyncset.done $0x0  }
0x21: {  	s18 =	simm.s32 $0x0;
	[sflag:s11] =	ssyncadd.s32 $0xFFFFFD80  }
0x22: {  	[tilespmem:s12], [sflag:$0x1] =	stream.linear.gather [hbm4b:s6+s18], $0x2800, $0x38;
	[tilespmem:$0x7F80] =	vst v63  }
0x23: {  	_ =	swait.ge [sflag:s11], $0x2800  }
0x24: {  	[sflag:s11] =	ssyncset.done $0x0  }
0x25: {  	[sflag:s11] =	ssyncadd.s32 $0xFFFFD800  }
0x26: {  	[tilespmem:s13], [sflag:$0x1] =	stream.linear.gather [hbm4b:s7+s18], $0x2800, $0x38;
	[tilespmem:$0x7F80] =	vst v63  }
0x27: {  	_ =	swait.ge [sflag:s11], $0x2800  }
0x28: {  	s19 =	sand.u32 $0x1F000, s18;
	[sflag:s11] =	ssyncset.done $0x0  }
0x29: {  	s19 =	sshrl.u32 s19, $0x2;
	s18 =	sand.u32 $0x3F0, s18;
	[sflag:s11] =	ssyncadd.s32 $0xFFFFD800  }
0x2a: {  	s18 =	sor.u32 s18, s19;
	[bflag:$0x0] =	sbarrier.arrive $0xFFFF  }
0x2b: {  	v3 =	vld [tilespmem:s18+$0x2D00];
	_ =	sdelay $0x4  }
0x2c: {  	s20 =	simm.s32 $0x40  }
0x2d: {  	s20 =	sand.u32 $0x1F000, s20;
	s19 =	simm.s32 $0x80;
	s18 =	simm.s32 $0x10  }
.LBB2_6:
0x2e: {  	p0 =	sne.s32 s19, $0x13FC0;
	s21 =	sand.u32 $0x3F0, s18;
	s20 =	sshrl.u32 s20, $0x2  }
0x2f: {  	s20 =	sor.u32 s21, s20;
	[tilespmem:v3+s14+$0x0] =	vst.idx.add.f32.msk $0xffff, v2  }
0x30: {  	v3 =	vld [tilespmem:s20+$0x2D00];
	_ =	sdelay $0x1  }
.Ltmp2:
0x31: {  	(pc) =	sbr.rel @p0 .LBB2_6-.Ltmp2, $2  }
0x32: {  	_ =	sdelay $0x2  }
0x33: {  	s18 =	sadd.s32 $0x10, s18;
	s20 =	sand.u32 $0x1F000, s19;
	s19 =	sadd.s32 $0x40, s19  }
0x34: {  	_ =	sdelay $0x2  }
0x35: {  	s18 =	sand.u32 $0x3F0, s18;
	s19 =	sshrl.u32 s20, $0x2  }
0x36: {  	[tilespmem:v3+s14+$0x0] =	vst.idx.add.f32.msk $0xffff, v2;
	s18 =	sor.u32 s18, s19  }
0x37: {  	v3 =	vld [tilespmem:s18+$0x2D00];
	_ =	sdelay $0x7  }
0x38: {  	[tilespmem:v3+s14+$0x0] =	vst.idx.add.f32.msk $0xffff, v2  }
0x39: {  	[spmem:s2] =	stream.indirect.scatter.add.f32 [tilespmem:s14], [sflag:$0x1], $0x10, s15, s14, $0xb8;
	[tilespmem:$0x7F80] =	vst v63  }
0x3a: {  	_ =	swait.ge [sflag:s11], $0x2800  }
0x3b: {  	[sflag:s11] =	ssyncset.done $0x0  }
0x3c: {  	[sflag:s11] =	ssyncadd.s32 $0xFFFFD800  }
0x3d: {  	[bflag:$0x0] =	sbarrier.arrive $0xFFFF  }
0x3e: {  	[tilespmem:s16], [sflag:$0x1] =	stream.linear.gather [spmem:s4], $0x280, $0x38;
	[tilespmem:$0x7F80] =	vst v63  }
0x3f: {  	_ =	swait.ge [sflag:s11], $0x280  }
0x40: {  	[sflag:s11] =	ssyncset.done $0x0  }
0x41: {  	s19 =	simm.s32 $0x40;
	s18 =	simm.s32 $0x0;
	[sflag:s11] =	ssyncadd.s32 $0xFFFFFD80  }
.LBB2_8:
0x42: {  	p0 =	sne.s32 s19, $0x9C0;
	v3 =	vld [tilespmem:s18+$0x7D00];
	_ =	sdelay $0x4  }
0x43: {  	v3 =	vadd.f32 $1.000000000e+00, v3;
	_ =	sdelay $0x1  }
0x44: {  	v4 =	vshra.s32 v3, $0x1;
	v3 =	vmul.f32 $5.000000000e-01, v3  }
0x45: {  	v4 =	vsub.s32 $0x5F3759DF, v4  }
0x46: {  	v5 =	vmul.f32 v4, v3;
	_ =	sdelay $0x1  }
0x47: {  	v5 =	vmul.f32 v4, v5;
	_ =	sdelay $0x1  }
0x48: {  	v5 =	vsub.f32 $1.500000000e+00, v5;
	_ =	sdelay $0x1  }
0x49: {  	v4 =	vmul.f32 v4, v5;
	_ =	sdelay $0x1  }
0x4a: {  	v5 =	vmul.f32 v4, v3;
	_ =	sdelay $0x1  }
0x4b: {  	v5 =	vmul.f32 v5, v4;
	_ =	sdelay $0x1  }
0x4c: {  	v5 =	vsub.f32 $1.500000000e+00, v5;
	_ =	sdelay $0x1  }
0x4d: {  	v4 =	vmul.f32 v5, v4;
	_ =	sdelay $0x1  }
0x4e: {  	v3 =	vmul.f32 v4, v3;
	_ =	sdelay $0x1  }
0x4f: {  	v3 =	vmul.f32 v3, v4;
	_ =	sdelay $0x1  }
.Ltmp3:
0x50: {  	v3 =	vsub.f32 $1.500000000e+00, v3;
	(pc) =	sbr.rel @p0 .LBB2_8-.Ltmp3, $3  }
0x51: {  	_ = 	snop  }
0x52: {  	v3 =	vmul.f32 v3, v4;
	_ =	sdelay $0x1  }
0x53: {  	[tilespmem:s18+$0x7D00] =	vst v3;
	s18 =	sshra.s32 s19, $0x2;
	s19 =	sadd.s32 $0x40, s19  }
0x54: {  	v3 =	vld [tilespmem:s18+$0x7D00];
	_ =	sdelay $0x4  }
0x55: {  	v3 =	vadd.f32 $1.000000000e+00, v3;
	_ =	sdelay $0x1  }
0x56: {  	v4 =	vshra.s32 v3, $0x1;
	v3 =	vmul.f32 $5.000000000e-01, v3  }
0x57: {  	v4 =	vsub.s32 $0x5F3759DF, v4  }
0x58: {  	v5 =	vmul.f32 v4, v3;
	_ =	sdelay $0x1  }
0x59: {  	v5 =	vmul.f32 v4, v5;
	_ =	sdelay $0x1  }
0x5a: {  	v5 =	vsub.f32 $1.500000000e+00, v5;
	_ =	sdelay $0x1  }
0x5b: {  	v4 =	vmul.f32 v4, v5;
	_ =	sdelay $0x1  }
0x5c: {  	v5 =	vmul.f32 v4, v3;
	_ =	sdelay $0x1  }
0x5d: {  	v5 =	vmul.f32 v5, v4;
	_ =	sdelay $0x1  }
0x5e: {  	v5 =	vsub.f32 $1.500000000e+00, v5;
	_ =	sdelay $0x1  }
0x5f: {  	v4 =	vmul.f32 v5, v4;
	_ =	sdelay $0x1  }
0x60: {  	v3 =	vmul.f32 v4, v3;
	_ =	sdelay $0x1  }
0x61: {  	v3 =	vmul.f32 v3, v4;
	_ =	sdelay $0x1  }
0x62: {  	v3 =	vsub.f32 $1.500000000e+00, v3;
	_ =	sdelay $0x1  }
0x63: {  	s17 =	sadd.s32 $0x1, s17;
	v3 =	vmul.f32 v3, v4  }
0x64: {  	p0 =	sne.s32 s17, s10  }
.Ltmp4:
0x65: {  	[tilespmem:s18+$0x7D00] =	vst v3;
	(pc) =	sbr.rel @p0 .LBB2_1-.Ltmp4, $4  }
0x66: {  	[hbm4b:s8+s3] =	stream.linear.scatter [tilespmem:s9], [sflag:$0x1], $0x140, $0x38;
	[tilespmem:$0x7F80] =	vst v63  }
0x67: {  	_ =	swait.ge [sflag:s11], $0x140  }
0x68: {  	[sflag:s11] =	ssyncset.done $0x0  }
0x69: {  	[sflag:s11] =	ssyncadd.s32 $0xFFFFFEC0  }
0x6a: {  	_ =	sfence.sel $0x180000  }
0x6b: {  	[bflag:$0x0] =	sbarrier.arrive $0xFFFF  }
0x6c: {  	p0 =	sne.s32 s1, $0x0;
	_ =	strace $0x90000047  }
0x6d: {  	s0 =	sadd.s32 @!p0 $0x100000, s0;
	[bflag:$0x2] =	sbarrier.arrive $0xFFFF  }
0x6e: {  	[sflag:s0] =	ssyncadd.tile.s32 @!p0 $0x1;
	_ =	shalt  }
.Lfunc_end2:
_tile_overlayer_lowered:
.L_overlay_start_2:
0x6f: {  	(tag) =	ssettag $0x2  }
0x70: {  	s0 =	rddreg [dreg:$0x0];
	s2 =	stileid.u32  }
0x71: {  	s1 =	rddreg [dreg:$0x1];
	p0 =	sne.s32 s2, $0x0  }
0x72: {  	s3 =	rddreg [dreg:$0x2];
	[bflag:$0x3] =	sbarrier.arrive $0xFFFF;
	s2 =	simm.s32 @!p0 $0x1C01  }
0x73: {  	[timem:s3], [sflag:s2] =	dma.local @!p0 [hbm:s0], s1  }
0x74: {  	s0 =	simm.s32 @!p0 $0x1  }
0x75: {  	_ =	swait.ge @!p0 [sflag:s0], s1  }
0x76: {  	s1 =	ssub.s32 @!p0 $0x0, s1;
	[sflag:s0] =	ssyncset.done @!p0 $0x0  }
0x77: {  	[sflag:s0] =	ssyncadd.s32 @!p0 s1  }
0x78: {  	[bflag:$0x3] =	sbarrier.arrive $0xFFFF  }
0x79: {  	_ =	shalt  }

</sc_bundles>
